<compile_context>
chip_gen: v7x
topology: tpu7x:2x2x1
jax: 0.10.2.dev20260603
libtpu: 0.0.44.dev20260713+nightly
codegen_flags: <defaults>
</compile_context>

<pallas_src>
import jax
import jax.numpy as jnp
from jax import lax
from jax.experimental import pallas as pl
from jax.experimental.pallas import tpu as pltpu
from jax.experimental.pallas import tpu_sc as plsc

_NUM_CLASSES = 1000
_DIM = 128
_N = 320000
_MOMENTUM = 0.99

_NC = 2
_NS = 16
_NW = _NC * _NS
_G = 128
_NG = _N // _G
_CPAD = 1024
_CPS = _CPAD // _NS


def _phase1_body(emb_hbm, lab_hbm, labp_hbm, zero_hbm, zero1k_hbm,
                 sums_out, a_out, b_out,
                 rows_v, lab_v, labp_v, stage_v, a_v, b_v, sums_sp,
                 sem0, sem1, ssem0, ssem1):
    c = lax.axis_index("c")
    s = lax.axis_index("s")
    wid = s * _NC + c

    base = s * _CPS
    pltpu.sync_copy(zero_hbm, stage_v)
    pltpu.sync_copy(stage_v, sums_sp.at[pl.ds(base, _CPS)])
    pltpu.sync_copy(zero1k_hbm, a_v)
    pltpu.sync_copy(zero1k_hbm, b_v)
    plsc.subcore_barrier()

    g0 = wid * _NG // _NW
    g1 = (wid + 1) * _NG // _NW
    sems = (sem0, sem1)
    ssems = (ssem0, ssem1)

    def _start_load(g, b, sem):
        pltpu.async_copy(emb_hbm.at[pl.ds(g * _G, _G)], rows_v.at[b], sem)
        pltpu.async_copy(lab_hbm.at[g], lab_v.at[b], sem)
        pltpu.async_copy(labp_hbm.at[g], labp_v.at[b], sem)

    def _wait_load(g, b, sem):
        pltpu.make_async_copy(emb_hbm.at[pl.ds(g * _G, _G)],
                              rows_v.at[b], sem).wait()
        pltpu.make_async_copy(lab_hbm.at[g], lab_v.at[b], sem).wait()
        pltpu.make_async_copy(labp_hbm.at[g], labp_v.at[b], sem).wait()

    pl.when(g0 < g1)(lambda: _start_load(g0, 0, sem0))
    pl.when(g0 + 1 < g1)(lambda: _start_load(g0 + 1, 1, sem1))

    iota16 = lax.iota(jnp.int32, 16)

    def _fire(g, b):
        _wait_load(g, b, sems[b])
        pltpu.async_copy(
            rows_v.at[b], sums_sp.at[lab_v.at[b]], ssems[b], add=True)

    def _count(g, b):
        for k in range(8):
            l = lab_v[b, pl.ds(16 * k, 16)]
            lp = labp_v[b, pl.ds(16 * k, 16)]
            bmask = l != lp
            amask = jnp.logical_and(bmask, lp >= 0)
            posf = (iota16 + (g * _G + 16 * k + 1)).astype(jnp.float32)
            pidx = ((l & 7) << 7) + (l >> 3)
            ppidx = ((lp & 7) << 7) + (lp >> 3)
            plsc.addupdate_scatter(b_v, [pidx], posf, mask=bmask)
            plsc.addupdate_scatter(a_v, [ppidx], posf, mask=amask)

    def _drain(g, b):
        pltpu.make_async_copy(
            rows_v.at[b], sums_sp.at[lab_v.at[b]], ssems[b]).wait()
        pl.when(g + 2 < g1)(lambda: _start_load(g + 2, b, sems[b]))

    def _pair(p, _):
        for b in range(2):
            g = g0 + 2 * p + b

            def _do(g=g, b=b):
                _fire(g, b)
                _count(g, b)
                _drain(g, b)

            pl.when(g < g1)(_do)
        return 0
    lax.fori_loop(0, (g1 - g0 + 1) // 2, _pair, 0)

    plsc.subcore_barrier()

    pltpu.sync_copy(sums_sp.at[pl.ds(base, _CPS)], stage_v)
    pltpu.sync_copy(stage_v, sums_out.at[c, pl.ds(base, _CPS)])
    pltpu.sync_copy(a_v, a_out.at[wid])
    pltpu.sync_copy(b_v, b_out.at[wid])


def _phase1(embeddings, lab2d, labp2d):
    zero = jnp.zeros((_CPS, _DIM), jnp.float32)
    zero1k = jnp.zeros((_CPAD,), jnp.float32)
    return _phase1_call(embeddings, lab2d, labp2d, zero, zero1k)


_phase1_call = pl.kernel(
    _phase1_body,
    out_type=(
        jax.ShapeDtypeStruct((_NC, _CPAD, _DIM), jnp.float32),
        jax.ShapeDtypeStruct((_NW, _CPAD), jnp.float32),
        jax.ShapeDtypeStruct((_NW, _CPAD), jnp.float32),
    ),
    mesh=plsc.VectorSubcoreMesh(
        core_axis_name="c", subcore_axis_name="s",
        num_cores=_NC, num_subcores=_NS),
    compiler_params=pltpu.CompilerParams(needs_layout_passes=False),
    scratch_types=(
        pltpu.VMEM((2, _G, _DIM), jnp.float32),
        pltpu.VMEM((2, _G), jnp.int32),
        pltpu.VMEM((2, _G), jnp.int32),
        pltpu.VMEM((_CPS, _DIM), jnp.float32),
        pltpu.VMEM((_CPAD,), jnp.float32),
        pltpu.VMEM((_CPAD,), jnp.float32),
        pltpu.VMEM_SHARED((_CPAD, _DIM), jnp.float32),
        pltpu.SemaphoreType.DMA,
        pltpu.SemaphoreType.DMA,
        pltpu.SemaphoreType.DMA,
        pltpu.SemaphoreType.DMA,
    ),
)


def _combine_body(sums_ref, a_ref, b_ref, rsel_ref, csel_ref, ones_ref,
                  proto_ref, out_ref):
    total = sums_ref[0] + sums_ref[1]
    asum = jnp.sum(a_ref[...], axis=0)
    bsum = jnp.sum(b_ref[...], axis=0)
    rsel = rsel_ref[...]
    csel = csel_ref[...]
    ones = ones_ref[...]
    dot = lambda x, y: jax.lax.dot(
        x, y, preferred_element_type=jnp.float32,
        precision=jax.lax.Precision.HIGHEST)
    abc = dot(dot(rsel, asum) * csel, ones)
    bbc = dot(dot(rsel, bsum) * csel, ones)
    cnt = jnp.where(abc > 0.0, abc - bbc, (_N + 1.0) - bbc)
    cnt = jnp.where(bbc > 0.0, cnt, 0.0)
    mean = total / jnp.maximum(cnt, 1.0)
    proto = proto_ref[...]
    out_ref[...] = jnp.where(
        cnt > 0.0, _MOMENTUM * proto + (1.0 - _MOMENTUM) * mean, proto)


def kernel(embeddings, labels, prototypes):
    lab = labels.astype(jnp.int32)
    lab2d = lab.reshape(_NG, _G)
    labp2d = jnp.concatenate(
        [jnp.full((1,), -1, jnp.int32), lab[:-1]]).reshape(_NG, _G)
    sums, a, b = _phase1(embeddings, lab2d, labp2d)
    a3 = a.reshape(_NW, 8, _DIM)
    b3 = b.reshape(_NW, 8, _DIM)
    cls = jnp.arange(_NUM_CLASSES)
    rsel = (cls[:, None] % 8 == jnp.arange(8)[None, :]).astype(jnp.float32)
    csel = (cls[:, None] // 8 == jnp.arange(_DIM)[None, :]).astype(jnp.float32)
    ones = jnp.ones((_DIM, _DIM), jnp.float32)
    return pl.pallas_call(
        _combine_body,
        out_shape=jax.ShapeDtypeStruct((_NUM_CLASSES, _DIM), jnp.float32),
    )(sums[:, :_NUM_CLASSES], a3, b3, rsel, csel, ones, prototypes)

# --- scband reference (transcript-rebuilt; emitter-appended) ---
"""Pipeline reference for scband-class-prototypes-37185826849337 (READ-ONLY COPY).

The authoritative reference and input builder live on the scoring server;
editing this copy changes nothing except your own understanding.
"""

import jax, jax.numpy as jnp
import numpy as np

NUM_CLASSES = 1000
DIM = 128
N = 320000
MOMENTUM = 0.99


def setup_inputs(seed: int = 0) -> dict:
    key = jax.random.key(seed)
    k1, k2, k3 = jax.random.split(key, 3)
    embeddings = jax.random.normal(k1, (N, DIM), dtype=jnp.float32)
    labels = jnp.sort(jax.random.randint(k2, (N,), 0, NUM_CLASSES))
    # learned parameter: prototype table, init normal(std=0.02) as in the torch module
    prototypes = jax.random.normal(k3, (NUM_CLASSES, DIM), dtype=jnp.float32) * 0.02
    return {"embeddings": embeddings, "labels": labels, "prototypes": prototypes}


def reference(embeddings, labels, prototypes):
    # Faithful vectorized translation of ClassPrototypes.update_from_batch:
    # per-class mean of embeddings, EMA update only for classes present in batch.
    n = embeddings.shape[0]
    sums = jax.ops.segment_sum(embeddings, labels, num_segments=NUM_CLASSES)
    counts = jax.ops.segment_sum(jnp.ones((n,), dtype=embeddings.dtype), labels, num_segments=NUM_CLASSES)
    safe_counts = jnp.maximum(counts, 1.0)
    means = sums / safe_counts[:, None]
    present = (counts > 0)[:, None]
    new_prototypes = jnp.where(
        present,
        MOMENTUM * prototypes + (1.0 - MOMENTUM) * means,
        prototypes,
    )
    return new_prototypes

if __name__ == "__main__":
    import jax
    _d = setup_inputs()
    print(jax.jit(kernel)(*tuple(_d.values())))

</pallas_src>

<mosaic_0001>
#map = affine_map<(d0, d1) -> (0, 0)>
#map1 = affine_map<(d0, d1) -> (0)>
#map2 = affine_map<(d0, d1) -> (0, 0, 0)>
module attributes {stable_mosaic.version = 14 : i64} {
  func.func @_phase1_body(%arg0: i32, %arg1: i32, %arg2: memref<320000x128xf32, #tpu.memory_space<hbm>>, %arg3: memref<2500x128xi32, #tpu.memory_space<hbm>>, %arg4: memref<2500x128xi32, #tpu.memory_space<hbm>>, %arg5: memref<64x128xf32, #tpu.memory_space<hbm>>, %arg6: memref<1024xf32, #tpu.memory_space<hbm>>, %arg7: memref<2x1024x128xf32, #tpu.memory_space<hbm>>, %arg8: memref<32x1024xf32, #tpu.memory_space<hbm>>, %arg9: memref<32x1024xf32, #tpu.memory_space<hbm>>, %arg10: memref<2x128x128xf32, #tpu.memory_space<vmem>>, %arg11: memref<2x128xi32, #tpu.memory_space<vmem>>, %arg12: memref<2x128xi32, #tpu.memory_space<vmem>>, %arg13: memref<64x128xf32, #tpu.memory_space<vmem>>, %arg14: memref<1024xf32, #tpu.memory_space<vmem>>, %arg15: memref<1024xf32, #tpu.memory_space<vmem>>, %arg16: memref<1024x128xf32, #tpu.memory_space<vmem_shared>>, %arg17: memref<!tpu.dma_semaphore, #tpu.memory_space<semaphore_mem>>, %arg18: memref<!tpu.dma_semaphore, #tpu.memory_space<semaphore_mem>>, %arg19: memref<!tpu.dma_semaphore, #tpu.memory_space<semaphore_mem>>, %arg20: memref<!tpu.dma_semaphore, #tpu.memory_space<semaphore_mem>>) attributes {dimension_semantics = [#tpu.dimension_semantics<core_parallel>, #tpu.dimension_semantics<subcore_parallel>], iteration_bounds = array<i64: 2, 16>, scalar_prefetch = 0 : i64, scratch_operands = 11 : i64, tpu.core_type = #tpu.core_type<sc_vector_subcore>, window_params = [{transform_indices = #map}, {transform_indices = #map}, {transform_indices = #map}, {transform_indices = #map}, {transform_indices = #map1}, {transform_indices = #map2}, {transform_indices = #map}, {transform_indices = #map}]} {
    %mul3A = arith.constant 2 : i32
    %mul3A_0 = arith.muli %arg1, %mul3A : i32
    %add3A = arith.addi %mul3A_0, %arg0 : i32
    %mul3A_1 = arith.constant 64 : i32
    %mul3A_2 = arith.muli %arg1, %mul3A_1 : i32
    "tpu.region"() ({
      %run_scoped3A = tpu.sem_alloc : memref<!tpu.dma_semaphore, #tpu.memory_space<semaphore_mem>>
      tpu.enqueue_dma source(%arg5 : memref<64x128xf32, #tpu.memory_space<hbm>>) target(%arg13 : memref<64x128xf32, #tpu.memory_space<vmem>>) target_semaphore(%run_scoped3A : memref<!tpu.dma_semaphore, #tpu.memory_space<semaphore_mem>>)
      tpu.wait_dma2 semaphore(%run_scoped3A : memref<!tpu.dma_semaphore, #tpu.memory_space<semaphore_mem>>) src(%arg5 : memref<64x128xf32, #tpu.memory_space<hbm>>) dst(%arg13 : memref<64x128xf32, #tpu.memory_space<vmem>>)
      tpu.yield
    }) : () -> ()
    "tpu.region"() ({
      %run_scoped3A = tpu.sem_alloc : memref<!tpu.dma_semaphore, #tpu.memory_space<semaphore_mem>>
      %dma_start3A = arith.constant 0 : i32
      %dma_start3A_95 = tpu.memref_slice %arg16[%mul3A_2, %dma_start3A] : memref<1024x128xf32, #tpu.memory_space<vmem_shared>> -> memref<64x128xf32, #tpu.memory_space<vmem_shared>>
      %dma_start3A_96 = arith.constant 0 : i32
      %dma_start3A_97 = tpu.memref_slice %arg16[%mul3A_2, %dma_start3A_96] : memref<1024x128xf32, #tpu.memory_space<vmem_shared>> -> memref<64x128xf32, #tpu.memory_space<vmem_shared>>
      tpu.enqueue_dma source(%arg13 : memref<64x128xf32, #tpu.memory_space<vmem>>) target(%dma_start3A_97 : memref<64x128xf32, #tpu.memory_space<vmem_shared>>) target_semaphore(%run_scoped3A : memref<!tpu.dma_semaphore, #tpu.memory_space<semaphore_mem>>)
      %dma_wait3A = arith.constant 0 : i32
      %dma_wait3A_98 = tpu.memref_slice %arg16[%mul3A_2, %dma_wait3A] : memref<1024x128xf32, #tpu.memory_space<vmem_shared>> -> memref<64x128xf32, #tpu.memory_space<vmem_shared>>
      %dma_wait3A_99 = arith.constant 0 : i32
      %dma_wait3A_100 = tpu.memref_slice %arg16[%mul3A_2, %dma_wait3A_99] : memref<1024x128xf32, #tpu.memory_space<vmem_shared>> -> memref<64x128xf32, #tpu.memory_space<vmem_shared>>
      tpu.wait_dma2 semaphore(%run_scoped3A : memref<!tpu.dma_semaphore, #tpu.memory_space<semaphore_mem>>) src(%arg13 : memref<64x128xf32, #tpu.memory_space<vmem>>) dst(%dma_wait3A_100 : memref<64x128xf32, #tpu.memory_space<vmem_shared>>)
      tpu.yield
    }) : () -> ()
    "tpu.region"() ({
      %run_scoped3A = tpu.sem_alloc : memref<!tpu.dma_semaphore, #tpu.memory_space<semaphore_mem>>
      tpu.enqueue_dma source(%arg6 : memref<1024xf32, #tpu.memory_space<hbm>>) target(%arg14 : memref<1024xf32, #tpu.memory_space<vmem>>) target_semaphore(%run_scoped3A : memref<!tpu.dma_semaphore, #tpu.memory_space<semaphore_mem>>)
      tpu.wait_dma2 semaphore(%run_scoped3A : memref<!tpu.dma_semaphore, #tpu.memory_space<semaphore_mem>>) src(%arg6 : memref<1024xf32, #tpu.memory_space<hbm>>) dst(%arg14 : memref<1024xf32, #tpu.memory_space<vmem>>)
      tpu.yield
    }) : () -> ()
    "tpu.region"() ({
      %run_scoped3A = tpu.sem_alloc : memref<!tpu.dma_semaphore, #tpu.memory_space<semaphore_mem>>
      tpu.enqueue_dma source(%arg6 : memref<1024xf32, #tpu.memory_space<hbm>>) target(%arg15 : memref<1024xf32, #tpu.memory_space<vmem>>) target_semaphore(%run_scoped3A : memref<!tpu.dma_semaphore, #tpu.memory_space<semaphore_mem>>)
      tpu.wait_dma2 semaphore(%run_scoped3A : memref<!tpu.dma_semaphore, #tpu.memory_space<semaphore_mem>>) src(%arg6 : memref<1024xf32, #tpu.memory_space<hbm>>) dst(%arg15 : memref<1024xf32, #tpu.memory_space<vmem>>)
      tpu.yield
    }) : () -> ()
    %barrier3A = arith.constant 0 : index
    tpu.barrier barrier_id(%barrier3A)
    %mul3A_3 = arith.constant 2500 : i32
    %mul3A_4 = arith.muli %add3A, %mul3A_3 : i32
    %jit3A = arith.constant 32 : i32
    %div3A = arith.divsi %mul3A_4, %jit3A : i32
    %sign3A = arith.constant 0 : i32
    %sign3A_5 = arith.cmpi sgt, %mul3A_4, %sign3A : i32
    %sign3A_6 = arith.extui %sign3A_5 : i1 to i32
    %sign3A_7 = arith.constant 0 : i32
    %sign3A_8 = arith.cmpi slt, %mul3A_4, %sign3A_7 : i32
    %sign3A_9 = arith.extui %sign3A_8 : i1 to i32
    %sign3A_10 = arith.subi %sign3A_6, %sign3A_9 : i32
    %sign3A_11 = arith.constant 0 : i32
    %sign3A_12 = arith.cmpi sgt, %jit3A, %sign3A_11 : i32
    %sign3A_13 = arith.extui %sign3A_12 : i1 to i32
    %sign3A_14 = arith.constant 0 : i32
    %sign3A_15 = arith.cmpi slt, %jit3A, %sign3A_14 : i32
    %sign3A_16 = arith.extui %sign3A_15 : i1 to i32
    %sign3A_17 = arith.subi %sign3A_13, %sign3A_16 : i32
    %ne3A = arith.cmpi ne, %sign3A_10, %sign3A_17 : i32
    %rem3A = arith.remsi %mul3A_4, %jit3A : i32
    %ne3A_18 = arith.constant 0 : i32
    %ne3A_19 = arith.cmpi ne, %rem3A, %ne3A_18 : i32
    %and3A = arith.andi %ne3A, %ne3A_19 : i1
    %sub3A = arith.constant 1 : i32
    %sub3A_20 = arith.subi %div3A, %sub3A : i32
    %select_n3A = arith.select %and3A, %sub3A_20, %div3A : i32
    %add3A_21 = arith.constant 1 : i32
    %add3A_22 = arith.addi %add3A, %add3A_21 : i32
    %mul3A_23 = arith.constant 2500 : i32
    %mul3A_24 = arith.muli %add3A_22, %mul3A_23 : i32
    %jit3A_25 = arith.constant 32 : i32
    %div3A_26 = arith.divsi %mul3A_24, %jit3A_25 : i32
    %sign3A_27 = arith.constant 0 : i32
    %sign3A_28 = arith.cmpi sgt, %mul3A_24, %sign3A_27 : i32
    %sign3A_29 = arith.extui %sign3A_28 : i1 to i32
    %sign3A_30 = arith.constant 0 : i32
    %sign3A_31 = arith.cmpi slt, %mul3A_24, %sign3A_30 : i32
    %sign3A_32 = arith.extui %sign3A_31 : i1 to i32
    %sign3A_33 = arith.subi %sign3A_29, %sign3A_32 : i32
    %sign3A_34 = arith.constant 0 : i32
    %sign3A_35 = arith.cmpi sgt, %jit3A_25, %sign3A_34 : i32
    %sign3A_36 = arith.extui %sign3A_35 : i1 to i32
    %sign3A_37 = arith.constant 0 : i32
    %sign3A_38 = arith.cmpi slt, %jit3A_25, %sign3A_37 : i32
    %sign3A_39 = arith.extui %sign3A_38 : i1 to i32
    %sign3A_40 = arith.subi %sign3A_36, %sign3A_39 : i32
    %ne3A_41 = arith.cmpi ne, %sign3A_33, %sign3A_40 : i32
    %rem3A_42 = arith.remsi %mul3A_24, %jit3A_25 : i32
    %ne3A_43 = arith.constant 0 : i32
    %ne3A_44 = arith.cmpi ne, %rem3A_42, %ne3A_43 : i32
    %and3A_45 = arith.andi %ne3A_41, %ne3A_44 : i1
    %sub3A_46 = arith.constant 1 : i32
    %sub3A_47 = arith.subi %div3A_26, %sub3A_46 : i32
    %select_n3A_48 = arith.select %and3A_45, %sub3A_47, %div3A_26 : i32
    %lt3A = arith.cmpi slt, %select_n3A, %select_n3A_48 : i32
    %convert_element_type3A = arith.extui %lt3A : i1 to i32
    %cond3A = arith.constant 0 : i32
    %cond3A_49 = arith.cmpi ne, %convert_element_type3A, %cond3A : i32
    scf.if %cond3A_49 {
      %mul3A_95 = arith.constant 128 : i32
      %mul3A_96 = arith.muli %select_n3A, %mul3A_95 : i32
      %dma_start3A = arith.constant 0 : i32
      %dma_start3A_97 = arith.constant 0 : i32
      %dma_start3A_98 = arith.constant 0 : i32
      %dma_start3A_99 = tpu.memref_slice %arg10[%dma_start3A, %dma_start3A_97, %dma_start3A_98] : memref<2x128x128xf32, #tpu.memory_space<vmem>> -> memref<1x128x128xf32, #tpu.memory_space<vmem>>
      %dma_start3A_100 = tpu.memref_squeeze %dma_start3A_99 : memref<1x128x128xf32, #tpu.memory_space<vmem>> -> memref<128x128xf32, #tpu.memory_space<vmem>>
      %dma_start3A_101 = arith.constant 0 : i32
      %dma_start3A_102 = tpu.memref_slice %arg2[%mul3A_96, %dma_start3A_101] : memref<320000x128xf32, #tpu.memory_space<hbm>> -> memref<128x128xf32, #tpu.memory_space<hbm>>
      %dma_start3A_103 = arith.constant 0 : i32
      %dma_start3A_104 = arith.constant 0 : i32
      %dma_start3A_105 = tpu.memref_slice %arg10[%dma_start3A, %dma_start3A_103, %dma_start3A_104] : memref<2x128x128xf32, #tpu.memory_space<vmem>> -> memref<1x128x128xf32, #tpu.memory_space<vmem>>
      %dma_start3A_106 = tpu.memref_squeeze %dma_start3A_105 : memref<1x128x128xf32, #tpu.memory_space<vmem>> -> memref<128x128xf32, #tpu.memory_space<vmem>>
      %dma_start3A_107 = arith.constant 0 : i32
      %dma_start3A_108 = tpu.memref_slice %arg2[%mul3A_96, %dma_start3A_107] : memref<320000x128xf32, #tpu.memory_space<hbm>> -> memref<128x128xf32, #tpu.memory_space<hbm>>
      tpu.enqueue_dma source(%dma_start3A_108 : memref<128x128xf32, #tpu.memory_space<hbm>>) target(%dma_start3A_106 : memref<128x128xf32, #tpu.memory_space<vmem>>) target_semaphore(%arg17 : memref<!tpu.dma_semaphore, #tpu.memory_space<semaphore_mem>>)
      %dma_start3A_109 = arith.constant 0 : i32
      %dma_start3A_110 = arith.constant 0 : i32
      %dma_start3A_111 = tpu.memref_slice %arg11[%dma_start3A_109, %dma_start3A_110] : memref<2x128xi32, #tpu.memory_space<vmem>> -> memref<1x128xi32, #tpu.memory_space<vmem>>
      %dma_start3A_112 = tpu.memref_squeeze %dma_start3A_111 : memref<1x128xi32, #tpu.memory_space<vmem>> -> memref<128xi32, #tpu.memory_space<vmem>>
      %dma_start3A_113 = arith.constant 0 : i32
      %dma_start3A_114 = tpu.memref_slice %arg3[%select_n3A, %dma_start3A_113] : memref<2500x128xi32, #tpu.memory_space<hbm>> -> memref<1x128xi32, #tpu.memory_space<hbm>>
      %dma_start3A_115 = tpu.memref_squeeze %dma_start3A_114 : memref<1x128xi32, #tpu.memory_space<hbm>> -> memref<128xi32, #tpu.memory_space<hbm>>
      %dma_start3A_116 = arith.constant 0 : i32
      %dma_start3A_117 = tpu.memref_slice %arg11[%dma_start3A_109, %dma_start3A_116] : memref<2x128xi32, #tpu.memory_space<vmem>> -> memref<1x128xi32, #tpu.memory_space<vmem>>
      %dma_start3A_118 = tpu.memref_squeeze %dma_start3A_117 : memref<1x128xi32, #tpu.memory_space<vmem>> -> memref<128xi32, #tpu.memory_space<vmem>>
      %dma_start3A_119 = arith.constant 0 : i32
      %dma_start3A_120 = tpu.memref_slice %arg3[%select_n3A, %dma_start3A_119] : memref<2500x128xi32, #tpu.memory_space<hbm>> -> memref<1x128xi32, #tpu.memory_space<hbm>>
      %dma_start3A_121 = tpu.memref_squeeze %dma_start3A_120 : memref<1x128xi32, #tpu.memory_space<hbm>> -> memref<128xi32, #tpu.memory_space<hbm>>
      tpu.enqueue_dma source(%dma_start3A_121 : memref<128xi32, #tpu.memory_space<hbm>>) target(%dma_start3A_118 : memref<128xi32, #tpu.memory_space<vmem>>) target_semaphore(%arg17 : memref<!tpu.dma_semaphore, #tpu.memory_space<semaphore_mem>>)
      %dma_start3A_122 = arith.constant 0 : i32
      %dma_start3A_123 = arith.constant 0 : i32
      %dma_start3A_124 = tpu.memref_slice %arg12[%dma_start3A_122, %dma_start3A_123] : memref<2x128xi32, #tpu.memory_space<vmem>> -> memref<1x128xi32, #tpu.memory_space<vmem>>
      %dma_start3A_125 = tpu.memref_squeeze %dma_start3A_124 : memref<1x128xi32, #tpu.memory_space<vmem>> -> memref<128xi32, #tpu.memory_space<vmem>>
      %dma_start3A_126 = arith.constant 0 : i32
      %dma_start3A_127 = tpu.memref_slice %arg4[%select_n3A, %dma_start3A_126] : memref<2500x128xi32, #tpu.memory_space<hbm>> -> memref<1x128xi32, #tpu.memory_space<hbm>>
      %dma_start3A_128 = tpu.memref_squeeze %dma_start3A_127 : memref<1x128xi32, #tpu.memory_space<hbm>> -> memref<128xi32, #tpu.memory_space<hbm>>
      %dma_start3A_129 = arith.constant 0 : i32
      %dma_start3A_130 = tpu.memref_slice %arg12[%dma_start3A_122, %dma_start3A_129] : memref<2x128xi32, #tpu.memory_space<vmem>> -> memref<1x128xi32, #tpu.memory_space<vmem>>
      %dma_start3A_131 = tpu.memref_squeeze %dma_start3A_130 : memref<1x128xi32, #tpu.memory_space<vmem>> -> memref<128xi32, #tpu.memory_space<vmem>>
      %dma_start3A_132 = arith.constant 0 : i32
      %dma_start3A_133 = tpu.memref_slice %arg4[%select_n3A, %dma_start3A_132] : memref<2500x128xi32, #tpu.memory_space<hbm>> -> memref<1x128xi32, #tpu.memory_space<hbm>>
      %dma_start3A_134 = tpu.memref_squeeze %dma_start3A_133 : memref<1x128xi32, #tpu.memory_space<hbm>> -> memref<128xi32, #tpu.memory_space<hbm>>
      tpu.enqueue_dma source(%dma_start3A_134 : memref<128xi32, #tpu.memory_space<hbm>>) target(%dma_start3A_131 : memref<128xi32, #tpu.memory_space<vmem>>) target_semaphore(%arg17 : memref<!tpu.dma_semaphore, #tpu.memory_space<semaphore_mem>>)
    } else {
    }
    %add3A_50 = arith.constant 1 : i32
    %add3A_51 = arith.addi %select_n3A, %add3A_50 : i32
    %lt3A_52 = arith.cmpi slt, %add3A_51, %select_n3A_48 : i32
    %convert_element_type3A_53 = arith.extui %lt3A_52 : i1 to i32
    %cond3A_54 = arith.constant 0 : i32
    %cond3A_55 = arith.cmpi ne, %convert_element_type3A_53, %cond3A_54 : i32
    scf.if %cond3A_55 {
      %add3A_95 = arith.constant 1 : i32
      %add3A_96 = arith.addi %select_n3A, %add3A_95 : i32
      %mul3A_97 = arith.constant 128 : i32
      %mul3A_98 = arith.muli %add3A_96, %mul3A_97 : i32
      %dma_start3A = arith.constant 1 : i32
      %dma_start3A_99 = arith.constant 0 : i32
      %dma_start3A_100 = arith.constant 0 : i32
      %dma_start3A_101 = tpu.memref_slice %arg10[%dma_start3A, %dma_start3A_99, %dma_start3A_100] : memref<2x128x128xf32, #tpu.memory_space<vmem>> -> memref<1x128x128xf32, #tpu.memory_space<vmem>>
      %dma_start3A_102 = tpu.memref_squeeze %dma_start3A_101 : memref<1x128x128xf32, #tpu.memory_space<vmem>> -> memref<128x128xf32, #tpu.memory_space<vmem>>
      %dma_start3A_103 = arith.constant 0 : i32
      %dma_start3A_104 = tpu.memref_slice %arg2[%mul3A_98, %dma_start3A_103] : memref<320000x128xf32, #tpu.memory_space<hbm>> -> memref<128x128xf32, #tpu.memory_space<hbm>>
      %dma_start3A_105 = arith.constant 0 : i32
      %dma_start3A_106 = arith.constant 0 : i32
      %dma_start3A_107 = tpu.memref_slice %arg10[%dma_start3A, %dma_start3A_105, %dma_start3A_106] : memref<2x128x128xf32, #tpu.memory_space<vmem>> -> memref<1x128x128xf32, #tpu.memory_space<vmem>>
      %dma_start3A_108 = tpu.memref_squeeze %dma_start3A_107 : memref<1x128x128xf32, #tpu.memory_space<vmem>> -> memref<128x128xf32, #tpu.memory_space<vmem>>
      %dma_start3A_109 = arith.constant 0 : i32
      %dma_start3A_110 = tpu.memref_slice %arg2[%mul3A_98, %dma_start3A_109] : memref<320000x128xf32, #tpu.memory_space<hbm>> -> memref<128x128xf32, #tpu.memory_space<hbm>>
      tpu.enqueue_dma source(%dma_start3A_110 : memref<128x128xf32, #tpu.memory_space<hbm>>) target(%dma_start3A_108 : memref<128x128xf32, #tpu.memory_space<vmem>>) target_semaphore(%arg18 : memref<!tpu.dma_semaphore, #tpu.memory_space<semaphore_mem>>)
      %dma_start3A_111 = arith.constant 1 : i32
      %dma_start3A_112 = arith.constant 0 : i32
      %dma_start3A_113 = tpu.memref_slice %arg11[%dma_start3A_111, %dma_start3A_112] : memref<2x128xi32, #tpu.memory_space<vmem>> -> memref<1x128xi32, #tpu.memory_space<vmem>>
      %dma_start3A_114 = tpu.memref_squeeze %dma_start3A_113 : memref<1x128xi32, #tpu.memory_space<vmem>> -> memref<128xi32, #tpu.memory_space<vmem>>
      %dma_start3A_115 = arith.constant 0 : i32
      %dma_start3A_116 = tpu.memref_slice %arg3[%add3A_96, %dma_start3A_115] : memref<2500x128xi32, #tpu.memory_space<hbm>> -> memref<1x128xi32, #tpu.memory_space<hbm>>
      %dma_start3A_117 = tpu.memref_squeeze %dma_start3A_116 : memref<1x128xi32, #tpu.memory_space<hbm>> -> memref<128xi32, #tpu.memory_space<hbm>>
      %dma_start3A_118 = arith.constant 0 : i32
      %dma_start3A_119 = tpu.memref_slice %arg11[%dma_start3A_111, %dma_start3A_118] : memref<2x128xi32, #tpu.memory_space<vmem>> -> memref<1x128xi32, #tpu.memory_space<vmem>>
      %dma_start3A_120 = tpu.memref_squeeze %dma_start3A_119 : memref<1x128xi32, #tpu.memory_space<vmem>> -> memref<128xi32, #tpu.memory_space<vmem>>
      %dma_start3A_121 = arith.constant 0 : i32
      %dma_start3A_122 = tpu.memref_slice %arg3[%add3A_96, %dma_start3A_121] : memref<2500x128xi32, #tpu.memory_space<hbm>> -> memref<1x128xi32, #tpu.memory_space<hbm>>
      %dma_start3A_123 = tpu.memref_squeeze %dma_start3A_122 : memref<1x128xi32, #tpu.memory_space<hbm>> -> memref<128xi32, #tpu.memory_space<hbm>>
      tpu.enqueue_dma source(%dma_start3A_123 : memref<128xi32, #tpu.memory_space<hbm>>) target(%dma_start3A_120 : memref<128xi32, #tpu.memory_space<vmem>>) target_semaphore(%arg18 : memref<!tpu.dma_semaphore, #tpu.memory_space<semaphore_mem>>)
      %dma_start3A_124 = arith.constant 1 : i32
      %dma_start3A_125 = arith.constant 0 : i32
      %dma_start3A_126 = tpu.memref_slice %arg12[%dma_start3A_124, %dma_start3A_125] : memref<2x128xi32, #tpu.memory_space<vmem>> -> memref<1x128xi32, #tpu.memory_space<vmem>>
      %dma_start3A_127 = tpu.memref_squeeze %dma_start3A_126 : memref<1x128xi32, #tpu.memory_space<vmem>> -> memref<128xi32, #tpu.memory_space<vmem>>
      %dma_start3A_128 = arith.constant 0 : i32
      %dma_start3A_129 = tpu.memref_slice %arg4[%add3A_96, %dma_start3A_128] : memref<2500x128xi32, #tpu.memory_space<hbm>> -> memref<1x128xi32, #tpu.memory_space<hbm>>
      %dma_start3A_130 = tpu.memref_squeeze %dma_start3A_129 : memref<1x128xi32, #tpu.memory_space<hbm>> -> memref<128xi32, #tpu.memory_space<hbm>>
      %dma_start3A_131 = arith.constant 0 : i32
      %dma_start3A_132 = tpu.memref_slice %arg12[%dma_start3A_124, %dma_start3A_131] : memref<2x128xi32, #tpu.memory_space<vmem>> -> memref<1x128xi32, #tpu.memory_space<vmem>>
      %dma_start3A_133 = tpu.memref_squeeze %dma_start3A_132 : memref<1x128xi32, #tpu.memory_space<vmem>> -> memref<128xi32, #tpu.memory_space<vmem>>
      %dma_start3A_134 = arith.constant 0 : i32
      %dma_start3A_135 = tpu.memref_slice %arg4[%add3A_96, %dma_start3A_134] : memref<2500x128xi32, #tpu.memory_space<hbm>> -> memref<1x128xi32, #tpu.memory_space<hbm>>
      %dma_start3A_136 = tpu.memref_squeeze %dma_start3A_135 : memref<1x128xi32, #tpu.memory_space<hbm>> -> memref<128xi32, #tpu.memory_space<hbm>>
      tpu.enqueue_dma source(%dma_start3A_136 : memref<128xi32, #tpu.memory_space<hbm>>) target(%dma_start3A_133 : memref<128xi32, #tpu.memory_space<vmem>>) target_semaphore(%arg18 : memref<!tpu.dma_semaphore, #tpu.memory_space<semaphore_mem>>)
    } else {
    }
    %iota3A = tpu.iota {dimensions = array<i32: 0>} : vector<16xi32>
    %sub3A_56 = arith.subi %select_n3A_48, %select_n3A : i32
    %add3A_57 = arith.constant 1 : i32
    %add3A_58 = arith.addi %sub3A_56, %add3A_57 : i32
    %jit3A_59 = arith.constant 2 : i32
    %div3A_60 = arith.divsi %add3A_58, %jit3A_59 : i32
    %sign3A_61 = arith.constant 0 : i32
    %sign3A_62 = arith.cmpi sgt, %add3A_58, %sign3A_61 : i32
    %sign3A_63 = arith.extui %sign3A_62 : i1 to i32
    %sign3A_64 = arith.constant 0 : i32
    %sign3A_65 = arith.cmpi slt, %add3A_58, %sign3A_64 : i32
    %sign3A_66 = arith.extui %sign3A_65 : i1 to i32
    %sign3A_67 = arith.subi %sign3A_63, %sign3A_66 : i32
    %sign3A_68 = arith.constant 0 : i32
    %sign3A_69 = arith.cmpi sgt, %jit3A_59, %sign3A_68 : i32
    %sign3A_70 = arith.extui %sign3A_69 : i1 to i32
    %sign3A_71 = arith.constant 0 : i32
    %sign3A_72 = arith.cmpi slt, %jit3A_59, %sign3A_71 : i32
    %sign3A_73 = arith.extui %sign3A_72 : i1 to i32
    %sign3A_74 = arith.subi %sign3A_70, %sign3A_73 : i32
    %ne3A_75 = arith.cmpi ne, %sign3A_67, %sign3A_74 : i32
    %rem3A_76 = arith.remsi %add3A_58, %jit3A_59 : i32
    %ne3A_77 = arith.constant 0 : i32
    %ne3A_78 = arith.cmpi ne, %rem3A_76, %ne3A_77 : i32
    %and3A_79 = arith.andi %ne3A_75, %ne3A_78 : i1
    %sub3A_80 = arith.constant 1 : i32
    %sub3A_81 = arith.subi %div3A_60, %sub3A_80 : i32
    %select_n3A_82 = arith.select %and3A_79, %sub3A_81, %div3A_60 : i32
    %while3A = arith.constant 0 : i32
    %while3A_83 = arith.constant 0 : i32
    %while3A_84 = arith.subi %select_n3A_82, %while3A : i32
    %while3A_85 = arith.addi %while3A, %while3A_84 : i32
    %while3A_86 = arith.constant 1 : i32
    %while3A_87 = arith.divsi %while3A_84, %while3A_86 : i32
    %while3A_88 = arith.muli %while3A_87, %while3A_86 : i32
    %while3A_89 = arith.addi %while3A, %while3A_88 : i32
    %while3A_90 = arith.constant 1 : i32
    %while3A_91 = scf.for %while3A_95 = %while3A to %while3A_89 step %while3A_90 iter_args(%while3A_96 = %while3A_83) -> (i32)  : i32 {
      %mul3A_97 = arith.constant 2 : i32
      %mul3A_98 = arith.muli %mul3A_97, %while3A_95 : i32
      %add3A_99 = arith.addi %select_n3A, %mul3A_98 : i32
      %add3A_100 = arith.constant 0 : i32
      %add3A_101 = arith.addi %add3A_99, %add3A_100 : i32
      %lt3A_102 = arith.cmpi slt, %add3A_101, %select_n3A_48 : i32
      %convert_element_type3A_103 = arith.extui %lt3A_102 : i1 to i32
      %cond3A_104 = arith.constant 0 : i32
      %cond3A_105 = arith.cmpi ne, %convert_element_type3A_103, %cond3A_104 : i32
      scf.if %cond3A_105 {
        %mul3A_116 = arith.constant 128 : i32
        %mul3A_117 = arith.muli %add3A_101, %mul3A_116 : i32
        %dma_wait3A = arith.constant 0 : i32
        %dma_wait3A_118 = arith.constant 0 : i32
        %dma_wait3A_119 = arith.constant 0 : i32
        %dma_wait3A_120 = tpu.memref_slice %arg10[%dma_wait3A, %dma_wait3A_118, %dma_wait3A_119] : memref<2x128x128xf32, #tpu.memory_space<vmem>> -> memref<1x128x128xf32, #tpu.memory_space<vmem>>
        %dma_wait3A_121 = tpu.memref_squeeze %dma_wait3A_120 : memref<1x128x128xf32, #tpu.memory_space<vmem>> -> memref<128x128xf32, #tpu.memory_space<vmem>>
        %dma_wait3A_122 = arith.constant 0 : i32
        %dma_wait3A_123 = tpu.memref_slice %arg2[%mul3A_117, %dma_wait3A_122] : memref<320000x128xf32, #tpu.memory_space<hbm>> -> memref<128x128xf32, #tpu.memory_space<hbm>>
        %dma_wait3A_124 = arith.constant 0 : i32
        %dma_wait3A_125 = arith.constant 0 : i32
        %dma_wait3A_126 = tpu.memref_slice %arg10[%dma_wait3A, %dma_wait3A_124, %dma_wait3A_125] : memref<2x128x128xf32, #tpu.memory_space<vmem>> -> memref<1x128x128xf32, #tpu.memory_space<vmem>>
        %dma_wait3A_127 = tpu.memref_squeeze %dma_wait3A_126 : memref<1x128x128xf32, #tpu.memory_space<vmem>> -> memref<128x128xf32, #tpu.memory_space<vmem>>
        %dma_wait3A_128 = arith.constant 0 : i32
        %dma_wait3A_129 = tpu.memref_slice %arg2[%mul3A_117, %dma_wait3A_128] : memref<320000x128xf32, #tpu.memory_space<hbm>> -> memref<128x128xf32, #tpu.memory_space<hbm>>
        tpu.wait_dma2 semaphore(%arg17 : memref<!tpu.dma_semaphore, #tpu.memory_space<semaphore_mem>>) src(%dma_wait3A_129 : memref<128x128xf32, #tpu.memory_space<hbm>>) dst(%dma_wait3A_127 : memref<128x128xf32, #tpu.memory_space<vmem>>)
        %dma_wait3A_130 = arith.constant 0 : i32
        %dma_wait3A_131 = arith.constant 0 : i32
        %dma_wait3A_132 = tpu.memref_slice %arg11[%dma_wait3A_130, %dma_wait3A_131] : memref<2x128xi32, #tpu.memory_space<vmem>> -> memref<1x128xi32, #tpu.memory_space<vmem>>
        %dma_wait3A_133 = tpu.memref_squeeze %dma_wait3A_132 : memref<1x128xi32, #tpu.memory_space<vmem>> -> memref<128xi32, #tpu.memory_space<vmem>>
        %dma_wait3A_134 = arith.constant 0 : i32
        %dma_wait3A_135 = tpu.memref_slice %arg3[%add3A_101, %dma_wait3A_134] : memref<2500x128xi32, #tpu.memory_space<hbm>> -> memref<1x128xi32, #tpu.memory_space<hbm>>
        %dma_wait3A_136 = tpu.memref_squeeze %dma_wait3A_135 : memref<1x128xi32, #tpu.memory_space<hbm>> -> memref<128xi32, #tpu.memory_space<hbm>>
        %dma_wait3A_137 = arith.constant 0 : i32
        %dma_wait3A_138 = tpu.memref_slice %arg11[%dma_wait3A_130, %dma_wait3A_137] : memref<2x128xi32, #tpu.memory_space<vmem>> -> memref<1x128xi32, #tpu.memory_space<vmem>>
        %dma_wait3A_139 = tpu.memref_squeeze %dma_wait3A_138 : memref<1x128xi32, #tpu.memory_space<vmem>> -> memref<128xi32, #tpu.memory_space<vmem>>
        %dma_wait3A_140 = arith.constant 0 : i32
        %dma_wait3A_141 = tpu.memref_slice %arg3[%add3A_101, %dma_wait3A_140] : memref<2500x128xi32, #tpu.memory_space<hbm>> -> memref<1x128xi32, #tpu.memory_space<hbm>>
        %dma_wait3A_142 = tpu.memref_squeeze %dma_wait3A_141 : memref<1x128xi32, #tpu.memory_space<hbm>> -> memref<128xi32, #tpu.memory_space<hbm>>
        tpu.wait_dma2 semaphore(%arg17 : memref<!tpu.dma_semaphore, #tpu.memory_space<semaphore_mem>>) src(%dma_wait3A_142 : memref<128xi32, #tpu.memory_space<hbm>>) dst(%dma_wait3A_139 : memref<128xi32, #tpu.memory_space<vmem>>)
        %dma_wait3A_143 = arith.constant 0 : i32
        %dma_wait3A_144 = arith.constant 0 : i32
        %dma_wait3A_145 = tpu.memref_slice %arg12[%dma_wait3A_143, %dma_wait3A_144] : memref<2x128xi32, #tpu.memory_space<vmem>> -> memref<1x128xi32, #tpu.memory_space<vmem>>
        %dma_wait3A_146 = tpu.memref_squeeze %dma_wait3A_145 : memref<1x128xi32, #tpu.memory_space<vmem>> -> memref<128xi32, #tpu.memory_space<vmem>>
        %dma_wait3A_147 = arith.constant 0 : i32
        %dma_wait3A_148 = tpu.memref_slice %arg4[%add3A_101, %dma_wait3A_147] : memref<2500x128xi32, #tpu.memory_space<hbm>> -> memref<1x128xi32, #tpu.memory_space<hbm>>
        %dma_wait3A_149 = tpu.memref_squeeze %dma_wait3A_148 : memref<1x128xi32, #tpu.memory_space<hbm>> -> memref<128xi32, #tpu.memory_space<hbm>>
        %dma_wait3A_150 = arith.constant 0 : i32
        %dma_wait3A_151 = tpu.memref_slice %arg12[%dma_wait3A_143, %dma_wait3A_150] : memref<2x128xi32, #tpu.memory_space<vmem>> -> memref<1x128xi32, #tpu.memory_space<vmem>>
        %dma_wait3A_152 = tpu.memref_squeeze %dma_wait3A_151 : memref<1x128xi32, #tpu.memory_space<vmem>> -> memref<128xi32, #tpu.memory_space<vmem>>
        %dma_wait3A_153 = arith.constant 0 : i32
        %dma_wait3A_154 = tpu.memref_slice %arg4[%add3A_101, %dma_wait3A_153] : memref<2500x128xi32, #tpu.memory_space<hbm>> -> memref<1x128xi32, #tpu.memory_space<hbm>>
        %dma_wait3A_155 = tpu.memref_squeeze %dma_wait3A_154 : memref<1x128xi32, #tpu.memory_space<hbm>> -> memref<128xi32, #tpu.memory_space<hbm>>
        tpu.wait_dma2 semaphore(%arg17 : memref<!tpu.dma_semaphore, #tpu.memory_space<semaphore_mem>>) src(%dma_wait3A_155 : memref<128xi32, #tpu.memory_space<hbm>>) dst(%dma_wait3A_152 : memref<128xi32, #tpu.memory_space<vmem>>)
        %dma_start3A = arith.constant 0 : i32
        %dma_start3A_156 = arith.constant 0 : i32
        %dma_start3A_157 = arith.constant 0 : i32
        %dma_start3A_158 = arith.constant 0 : i32
        %dma_start3A_159 = tpu.memref_slice %arg10[%dma_start3A, %dma_start3A_157, %dma_start3A_158] : memref<2x128x128xf32, #tpu.memory_space<vmem>> -> memref<1x128x128xf32, #tpu.memory_space<vmem>>
        %dma_start3A_160 = tpu.memref_squeeze %dma_start3A_159 : memref<1x128x128xf32, #tpu.memory_space<vmem>> -> memref<128x128xf32, #tpu.memory_space<vmem>>
        %dma_start3A_161 = arith.constant 0 : i32
        %dma_start3A_162 = tpu.memref_slice %arg11[%dma_start3A_156, %dma_start3A_161] : memref<2x128xi32, #tpu.memory_space<vmem>> -> memref<1x128xi32, #tpu.memory_space<vmem>>
        %dma_start3A_163 = tpu.memref_squeeze %dma_start3A_162 : memref<1x128xi32, #tpu.memory_space<vmem>> -> memref<128xi32, #tpu.memory_space<vmem>>
        %dma_start3A_164 = arith.constant 0 : i32
        %dma_start3A_165 = arith.constant 0 : i32
        %dma_start3A_166 = tpu.memref_slice %arg16[%dma_start3A_164, %dma_start3A_165] : memref<1024x128xf32, #tpu.memory_space<vmem_shared>> -> memref<1024x128xf32, #tpu.memory_space<vmem_shared>>
        tpu.enqueue_indirect_dma source(%dma_start3A_160 : memref<128x128xf32, #tpu.memory_space<vmem>>) target(%dma_start3A_166 : memref<1024x128xf32, #tpu.memory_space<vmem_shared>>) offsets(%dma_start3A_163 : memref<128xi32, #tpu.memory_space<vmem>>) semaphore(%arg19 : memref<!tpu.dma_semaphore, #tpu.memory_space<semaphore_mem>>) {add = true}
        %get3A = arith.constant 0 : i32
        %get3A_167 = arith.index_cast %get3A : i32 to index
        %get3A_168 = arith.constant 0 : index
        %get3A_169 = tpu.vector_load %arg11[%get3A_167, %get3A_168] {strides = array<i32>} : memref<2x128xi32, #tpu.memory_space<vmem>>, vector<16xi32>,
        %get3A_170 = arith.constant 0 : i32
        %get3A_171 = arith.index_cast %get3A_170 : i32 to index
        %get3A_172 = arith.constant 0 : index
        %get3A_173 = tpu.vector_load %arg12[%get3A_171, %get3A_172] {strides = array<i32>} : memref<2x128xi32, #tpu.memory_space<vmem>>, vector<16xi32>,
        %ne3A_174 = arith.cmpi ne, %get3A_169, %get3A_173 : vector<16xi32>
        %ge3A = arith.constant 0 : i32
        %ge3A_175 = vector.broadcast %ge3A : i32 to vector<16xi32>
        %ge3A_176 = arith.cmpi sge, %get3A_173, %ge3A_175 : vector<16xi32>
        %and3A_177 = arith.andi %ne3A_174, %ge3A_176 : vector<16xi1>
        %mul3A_178 = arith.constant 128 : i32
        %mul3A_179 = arith.muli %add3A_101, %mul3A_178 : i32
        %add3A_180 = arith.constant 0 : i32
        %add3A_181 = arith.addi %mul3A_179, %add3A_180 : i32
        %add3A_182 = arith.constant 1 : i32
        %add3A_183 = arith.addi %add3A_181, %add3A_182 : i32
        %add3A_184 = vector.broadcast %add3A_183 : i32 to vector<16xi32>
        %add3A_185 = arith.addi %iota3A, %add3A_184 : vector<16xi32>
        %convert_element_type3A_186 = arith.sitofp %add3A_185 : vector<16xi32> to vector<16xf32>
        %and3A_187 = arith.constant 7 : i32
        %and3A_188 = vector.broadcast %and3A_187 : i32 to vector<16xi32>
        %and3A_189 = arith.andi %get3A_169, %and3A_188 : vector<16xi32>
        %shift_left3A = arith.constant 7 : i32
        %shift_left3A_190 = vector.broadcast %shift_left3A : i32 to vector<16xi32>
        %shift_left3A_191 = arith.shli %and3A_189, %shift_left3A_190 : vector<16xi32>
        %shift_right_arithmetic3A = arith.constant 3 : i32
        %shift_right_arithmetic3A_192 = vector.broadcast %shift_right_arithmetic3A : i32 to vector<16xi32>
        %shift_right_arithmetic3A_193 = arith.shrsi %get3A_169, %shift_right_arithmetic3A_192 : vector<16xi32>
        %add3A_194 = arith.addi %shift_left3A_191, %shift_right_arithmetic3A_193 : vector<16xi32>
        %and3A_195 = arith.constant 7 : i32
        %and3A_196 = vector.broadcast %and3A_195 : i32 to vector<16xi32>
        %and3A_197 = arith.andi %get3A_173, %and3A_196 : vector<16xi32>
        %shift_left3A_198 = arith.constant 7 : i32
        %shift_left3A_199 = vector.broadcast %shift_left3A_198 : i32 to vector<16xi32>
        %shift_left3A_200 = arith.shli %and3A_197, %shift_left3A_199 : vector<16xi32>
        %shift_right_arithmetic3A_201 = arith.constant 3 : i32
        %shift_right_arithmetic3A_202 = vector.broadcast %shift_right_arithmetic3A_201 : i32 to vector<16xi32>
        %shift_right_arithmetic3A_203 = arith.shrsi %get3A_173, %shift_right_arithmetic3A_202 : vector<16xi32>
        %add3A_204 = arith.addi %shift_left3A_200, %shift_right_arithmetic3A_203 : vector<16xi32>
        tpu.vector_store_idx %arg15[%add3A_194], %convert_element_type3A_186 masked %ne3A_174 {add = true} : memref<1024xf32, #tpu.memory_space<vmem>>[vector<16xi32>], vector<16xf32>, vector<16xi1>
        tpu.vector_store_idx %arg14[%add3A_204], %convert_element_type3A_186 masked %and3A_177 {add = true} : memref<1024xf32, #tpu.memory_space<vmem>>[vector<16xi32>], vector<16xf32>, vector<16xi1>
        %get3A_205 = arith.constant 0 : i32
        %get3A_206 = arith.index_cast %get3A_205 : i32 to index
        %get3A_207 = arith.constant 16 : index
        %get3A_208 = tpu.vector_load %arg11[%get3A_206, %get3A_207] {strides = array<i32>} : memref<2x128xi32, #tpu.memory_space<vmem>>, vector<16xi32>,
        %get3A_209 = arith.constant 0 : i32
        %get3A_210 = arith.index_cast %get3A_209 : i32 to index
        %get3A_211 = arith.constant 16 : index
        %get3A_212 = tpu.vector_load %arg12[%get3A_210, %get3A_211] {strides = array<i32>} : memref<2x128xi32, #tpu.memory_space<vmem>>, vector<16xi32>,
        %ne3A_213 = arith.cmpi ne, %get3A_208, %get3A_212 : vector<16xi32>
        %ge3A_214 = arith.constant 0 : i32
        %ge3A_215 = vector.broadcast %ge3A_214 : i32 to vector<16xi32>
        %ge3A_216 = arith.cmpi sge, %get3A_212, %ge3A_215 : vector<16xi32>
        %and3A_217 = arith.andi %ne3A_213, %ge3A_216 : vector<16xi1>
        %mul3A_218 = arith.constant 128 : i32
        %mul3A_219 = arith.muli %add3A_101, %mul3A_218 : i32
        %add3A_220 = arith.constant 16 : i32
        %add3A_221 = arith.addi %mul3A_219, %add3A_220 : i32
        %add3A_222 = arith.constant 1 : i32
        %add3A_223 = arith.addi %add3A_221, %add3A_222 : i32
        %add3A_224 = vector.broadcast %add3A_223 : i32 to vector<16xi32>
        %add3A_225 = arith.addi %iota3A, %add3A_224 : vector<16xi32>
        %convert_element_type3A_226 = arith.sitofp %add3A_225 : vector<16xi32> to vector<16xf32>
        %and3A_227 = arith.constant 7 : i32
        %and3A_228 = vector.broadcast %and3A_227 : i32 to vector<16xi32>
        %and3A_229 = arith.andi %get3A_208, %and3A_228 : vector<16xi32>
        %shift_left3A_230 = arith.constant 7 : i32
        %shift_left3A_231 = vector.broadcast %shift_left3A_230 : i32 to vector<16xi32>
        %shift_left3A_232 = arith.shli %and3A_229, %shift_left3A_231 : vector<16xi32>
        %shift_right_arithmetic3A_233 = arith.constant 3 : i32
        %shift_right_arithmetic3A_234 = vector.broadcast %shift_right_arithmetic3A_233 : i32 to vector<16xi32>
        %shift_right_arithmetic3A_235 = arith.shrsi %get3A_208, %shift_right_arithmetic3A_234 : vector<16xi32>
        %add3A_236 = arith.addi %shift_left3A_232, %shift_right_arithmetic3A_235 : vector<16xi32>
        %and3A_237 = arith.constant 7 : i32
        %and3A_238 = vector.broadcast %and3A_237 : i32 to vector<16xi32>
        %and3A_239 = arith.andi %get3A_212, %and3A_238 : vector<16xi32>
        %shift_left3A_240 = arith.constant 7 : i32
        %shift_left3A_241 = vector.broadcast %shift_left3A_240 : i32 to vector<16xi32>
        %shift_left3A_242 = arith.shli %and3A_239, %shift_left3A_241 : vector<16xi32>
        %shift_right_arithmetic3A_243 = arith.constant 3 : i32
        %shift_right_arithmetic3A_244 = vector.broadcast %shift_right_arithmetic3A_243 : i32 to vector<16xi32>
        %shift_right_arithmetic3A_245 = arith.shrsi %get3A_212, %shift_right_arithmetic3A_244 : vector<16xi32>
        %add3A_246 = arith.addi %shift_left3A_242, %shift_right_arithmetic3A_245 : vector<16xi32>
        tpu.vector_store_idx %arg15[%add3A_236], %convert_element_type3A_226 masked %ne3A_213 {add = true} : memref<1024xf32, #tpu.memory_space<vmem>>[vector<16xi32>], vector<16xf32>, vector<16xi1>
        tpu.vector_store_idx %arg14[%add3A_246], %convert_element_type3A_226 masked %and3A_217 {add = true} : memref<1024xf32, #tpu.memory_space<vmem>>[vector<16xi32>], vector<16xf32>, vector<16xi1>
        %get3A_247 = arith.constant 0 : i32
        %get3A_248 = arith.index_cast %get3A_247 : i32 to index
        %get3A_249 = arith.constant 32 : index
        %get3A_250 = tpu.vector_load %arg11[%get3A_248, %get3A_249] {strides = array<i32>} : memref<2x128xi32, #tpu.memory_space<vmem>>, vector<16xi32>,
        %get3A_251 = arith.constant 0 : i32
        %get3A_252 = arith.index_cast %get3A_251 : i32 to index
        %get3A_253 = arith.constant 32 : index
        %get3A_254 = tpu.vector_load %arg12[%get3A_252, %get3A_253] {strides = array<i32>} : memref<2x128xi32, #tpu.memory_space<vmem>>, vector<16xi32>,
        %ne3A_255 = arith.cmpi ne, %get3A_250, %get3A_254 : vector<16xi32>
        %ge3A_256 = arith.constant 0 : i32
        %ge3A_257 = vector.broadcast %ge3A_256 : i32 to vector<16xi32>
        %ge3A_258 = arith.cmpi sge, %get3A_254, %ge3A_257 : vector<16xi32>
        %and3A_259 = arith.andi %ne3A_255, %ge3A_258 : vector<16xi1>
        %mul3A_260 = arith.constant 128 : i32
        %mul3A_261 = arith.muli %add3A_101, %mul3A_260 : i32
        %add3A_262 = arith.constant 32 : i32
        %add3A_263 = arith.addi %mul3A_261, %add3A_262 : i32
        %add3A_264 = arith.constant 1 : i32
        %add3A_265 = arith.addi %add3A_263, %add3A_264 : i32
        %add3A_266 = vector.broadcast %add3A_265 : i32 to vector<16xi32>
        %add3A_267 = arith.addi %iota3A, %add3A_266 : vector<16xi32>
        %convert_element_type3A_268 = arith.sitofp %add3A_267 : vector<16xi32> to vector<16xf32>
        %and3A_269 = arith.constant 7 : i32
        %and3A_270 = vector.broadcast %and3A_269 : i32 to vector<16xi32>
        %and3A_271 = arith.andi %get3A_250, %and3A_270 : vector<16xi32>
        %shift_left3A_272 = arith.constant 7 : i32
        %shift_left3A_273 = vector.broadcast %shift_left3A_272 : i32 to vector<16xi32>
        %shift_left3A_274 = arith.shli %and3A_271, %shift_left3A_273 : vector<16xi32>
        %shift_right_arithmetic3A_275 = arith.constant 3 : i32
        %shift_right_arithmetic3A_276 = vector.broadcast %shift_right_arithmetic3A_275 : i32 to vector<16xi32>
        %shift_right_arithmetic3A_277 = arith.shrsi %get3A_250, %shift_right_arithmetic3A_276 : vector<16xi32>
        %add3A_278 = arith.addi %shift_left3A_274, %shift_right_arithmetic3A_277 : vector<16xi32>
        %and3A_279 = arith.constant 7 : i32
        %and3A_280 = vector.broadcast %and3A_279 : i32 to vector<16xi32>
        %and3A_281 = arith.andi %get3A_254, %and3A_280 : vector<16xi32>
        %shift_left3A_282 = arith.constant 7 : i32
        %shift_left3A_283 = vector.broadcast %shift_left3A_282 : i32 to vector<16xi32>
        %shift_left3A_284 = arith.shli %and3A_281, %shift_left3A_283 : vector<16xi32>
        %shift_right_arithmetic3A_285 = arith.constant 3 : i32
        %shift_right_arithmetic3A_286 = vector.broadcast %shift_right_arithmetic3A_285 : i32 to vector<16xi32>
        %shift_right_arithmetic3A_287 = arith.shrsi %get3A_254, %shift_right_arithmetic3A_286 : vector<16xi32>
        %add3A_288 = arith.addi %shift_left3A_284, %shift_right_arithmetic3A_287 : vector<16xi32>
        tpu.vector_store_idx %arg15[%add3A_278], %convert_element_type3A_268 masked %ne3A_255 {add = true} : memref<1024xf32, #tpu.memory_space<vmem>>[vector<16xi32>], vector<16xf32>, vector<16xi1>
        tpu.vector_store_idx %arg14[%add3A_288], %convert_element_type3A_268 masked %and3A_259 {add = true} : memref<1024xf32, #tpu.memory_space<vmem>>[vector<16xi32>], vector<16xf32>, vector<16xi1>
        %get3A_289 = arith.constant 0 : i32
        %get3A_290 = arith.index_cast %get3A_289 : i32 to index
        %get3A_291 = arith.constant 48 : index
        %get3A_292 = tpu.vector_load %arg11[%get3A_290, %get3A_291] {strides = array<i32>} : memref<2x128xi32, #tpu.memory_space<vmem>>, vector<16xi32>,
        %get3A_293 = arith.constant 0 : i32
        %get3A_294 = arith.index_cast %get3A_293 : i32 to index
        %get3A_295 = arith.constant 48 : index
        %get3A_296 = tpu.vector_load %arg12[%get3A_294, %get3A_295] {strides = array<i32>} : memref<2x128xi32, #tpu.memory_space<vmem>>, vector<16xi32>,
        %ne3A_297 = arith.cmpi ne, %get3A_292, %get3A_296 : vector<16xi32>
        %ge3A_298 = arith.constant 0 : i32
        %ge3A_299 = vector.broadcast %ge3A_298 : i32 to vector<16xi32>
        %ge3A_300 = arith.cmpi sge, %get3A_296, %ge3A_299 : vector<16xi32>
        %and3A_301 = arith.andi %ne3A_297, %ge3A_300 : vector<16xi1>
        %mul3A_302 = arith.constant 128 : i32
        %mul3A_303 = arith.muli %add3A_101, %mul3A_302 : i32
        %add3A_304 = arith.constant 48 : i32
        %add3A_305 = arith.addi %mul3A_303, %add3A_304 : i32
        %add3A_306 = arith.constant 1 : i32
        %add3A_307 = arith.addi %add3A_305, %add3A_306 : i32
        %add3A_308 = vector.broadcast %add3A_307 : i32 to vector<16xi32>
        %add3A_309 = arith.addi %iota3A, %add3A_308 : vector<16xi32>
        %convert_element_type3A_310 = arith.sitofp %add3A_309 : vector<16xi32> to vector<16xf32>
        %and3A_311 = arith.constant 7 : i32
        %and3A_312 = vector.broadcast %and3A_311 : i32 to vector<16xi32>
        %and3A_313 = arith.andi %get3A_292, %and3A_312 : vector<16xi32>
        %shift_left3A_314 = arith.constant 7 : i32
        %shift_left3A_315 = vector.broadcast %shift_left3A_314 : i32 to vector<16xi32>
        %shift_left3A_316 = arith.shli %and3A_313, %shift_left3A_315 : vector<16xi32>
        %shift_right_arithmetic3A_317 = arith.constant 3 : i32
        %shift_right_arithmetic3A_318 = vector.broadcast %shift_right_arithmetic3A_317 : i32 to vector<16xi32>
        %shift_right_arithmetic3A_319 = arith.shrsi %get3A_292, %shift_right_arithmetic3A_318 : vector<16xi32>
        %add3A_320 = arith.addi %shift_left3A_316, %shift_right_arithmetic3A_319 : vector<16xi32>
        %and3A_321 = arith.constant 7 : i32
        %and3A_322 = vector.broadcast %and3A_321 : i32 to vector<16xi32>
        %and3A_323 = arith.andi %get3A_296, %and3A_322 : vector<16xi32>
        %shift_left3A_324 = arith.constant 7 : i32
        %shift_left3A_325 = vector.broadcast %shift_left3A_324 : i32 to vector<16xi32>
        %shift_left3A_326 = arith.shli %and3A_323, %shift_left3A_325 : vector<16xi32>
        %shift_right_arithmetic3A_327 = arith.constant 3 : i32
        %shift_right_arithmetic3A_328 = vector.broadcast %shift_right_arithmetic3A_327 : i32 to vector<16xi32>
        %shift_right_arithmetic3A_329 = arith.shrsi %get3A_296, %shift_right_arithmetic3A_328 : vector<16xi32>
        %add3A_330 = arith.addi %shift_left3A_326, %shift_right_arithmetic3A_329 : vector<16xi32>
        tpu.vector_store_idx %arg15[%add3A_320], %convert_element_type3A_310 masked %ne3A_297 {add = true} : memref<1024xf32, #tpu.memory_space<vmem>>[vector<16xi32>], vector<16xf32>, vector<16xi1>
        tpu.vector_store_idx %arg14[%add3A_330], %convert_element_type3A_310 masked %and3A_301 {add = true} : memref<1024xf32, #tpu.memory_space<vmem>>[vector<16xi32>], vector<16xf32>, vector<16xi1>
        %get3A_331 = arith.constant 0 : i32
        %get3A_332 = arith.index_cast %get3A_331 : i32 to index
        %get3A_333 = arith.constant 64 : index
        %get3A_334 = tpu.vector_load %arg11[%get3A_332, %get3A_333] {strides = array<i32>} : memref<2x128xi32, #tpu.memory_space<vmem>>, vector<16xi32>,
        %get3A_335 = arith.constant 0 : i32
        %get3A_336 = arith.index_cast %get3A_335 : i32 to index
        %get3A_337 = arith.constant 64 : index
        %get3A_338 = tpu.vector_load %arg12[%get3A_336, %get3A_337] {strides = array<i32>} : memref<2x128xi32, #tpu.memory_space<vmem>>, vector<16xi32>,
        %ne3A_339 = arith.cmpi ne, %get3A_334, %get3A_338 : vector<16xi32>
        %ge3A_340 = arith.constant 0 : i32
        %ge3A_341 = vector.broadcast %ge3A_340 : i32 to vector<16xi32>
        %ge3A_342 = arith.cmpi sge, %get3A_338, %ge3A_341 : vector<16xi32>
        %and3A_343 = arith.andi %ne3A_339, %ge3A_342 : vector<16xi1>
        %mul3A_344 = arith.constant 128 : i32
        %mul3A_345 = arith.muli %add3A_101, %mul3A_344 : i32
        %add3A_346 = arith.constant 64 : i32
        %add3A_347 = arith.addi %mul3A_345, %add3A_346 : i32
        %add3A_348 = arith.constant 1 : i32
        %add3A_349 = arith.addi %add3A_347, %add3A_348 : i32
        %add3A_350 = vector.broadcast %add3A_349 : i32 to vector<16xi32>
        %add3A_351 = arith.addi %iota3A, %add3A_350 : vector<16xi32>
        %convert_element_type3A_352 = arith.sitofp %add3A_351 : vector<16xi32> to vector<16xf32>
        %and3A_353 = arith.constant 7 : i32
        %and3A_354 = vector.broadcast %and3A_353 : i32 to vector<16xi32>
        %and3A_355 = arith.andi %get3A_334, %and3A_354 : vector<16xi32>
        %shift_left3A_356 = arith.constant 7 : i32
        %shift_left3A_357 = vector.broadcast %shift_left3A_356 : i32 to vector<16xi32>
        %shift_left3A_358 = arith.shli %and3A_355, %shift_left3A_357 : vector<16xi32>
        %shift_right_arithmetic3A_359 = arith.constant 3 : i32
        %shift_right_arithmetic3A_360 = vector.broadcast %shift_right_arithmetic3A_359 : i32 to vector<16xi32>
        %shift_right_arithmetic3A_361 = arith.shrsi %get3A_334, %shift_right_arithmetic3A_360 : vector<16xi32>
        %add3A_362 = arith.addi %shift_left3A_358, %shift_right_arithmetic3A_361 : vector<16xi32>
        %and3A_363 = arith.constant 7 : i32
        %and3A_364 = vector.broadcast %and3A_363 : i32 to vector<16xi32>
        %and3A_365 = arith.andi %get3A_338, %and3A_364 : vector<16xi32>
        %shift_left3A_366 = arith.constant 7 : i32
        %shift_left3A_367 = vector.broadcast %shift_left3A_366 : i32 to vector<16xi32>
        %shift_left3A_368 = arith.shli %and3A_365, %shift_left3A_367 : vector<16xi32>
        %shift_right_arithmetic3A_369 = arith.constant 3 : i32
        %shift_right_arithmetic3A_370 = vector.broadcast %shift_right_arithmetic3A_369 : i32 to vector<16xi32>
        %shift_right_arithmetic3A_371 = arith.shrsi %get3A_338, %shift_right_arithmetic3A_370 : vector<16xi32>
        %add3A_372 = arith.addi %shift_left3A_368, %shift_right_arithmetic3A_371 : vector<16xi32>
        tpu.vector_store_idx %arg15[%add3A_362], %convert_element_type3A_352 masked %ne3A_339 {add = true} : memref<1024xf32, #tpu.memory_space<vmem>>[vector<16xi32>], vector<16xf32>, vector<16xi1>
        tpu.vector_store_idx %arg14[%add3A_372], %convert_element_type3A_352 masked %and3A_343 {add = true} : memref<1024xf32, #tpu.memory_space<vmem>>[vector<16xi32>], vector<16xf32>, vector<16xi1>
        %get3A_373 = arith.constant 0 : i32
        %get3A_374 = arith.index_cast %get3A_373 : i32 to index
        %get3A_375 = arith.constant 80 : index
        %get3A_376 = tpu.vector_load %arg11[%get3A_374, %get3A_375] {strides = array<i32>} : memref<2x128xi32, #tpu.memory_space<vmem>>, vector<16xi32>,
        %get3A_377 = arith.constant 0 : i32
        %get3A_378 = arith.index_cast %get3A_377 : i32 to index
        %get3A_379 = arith.constant 80 : index
        %get3A_380 = tpu.vector_load %arg12[%get3A_378, %get3A_379] {strides = array<i32>} : memref<2x128xi32, #tpu.memory_space<vmem>>, vector<16xi32>,
        %ne3A_381 = arith.cmpi ne, %get3A_376, %get3A_380 : vector<16xi32>
        %ge3A_382 = arith.constant 0 : i32
        %ge3A_383 = vector.broadcast %ge3A_382 : i32 to vector<16xi32>
        %ge3A_384 = arith.cmpi sge, %get3A_380, %ge3A_383 : vector<16xi32>
        %and3A_385 = arith.andi %ne3A_381, %ge3A_384 : vector<16xi1>
        %mul3A_386 = arith.constant 128 : i32
        %mul3A_387 = arith.muli %add3A_101, %mul3A_386 : i32
        %add3A_388 = arith.constant 80 : i32
        %add3A_389 = arith.addi %mul3A_387, %add3A_388 : i32
        %add3A_390 = arith.constant 1 : i32
        %add3A_391 = arith.addi %add3A_389, %add3A_390 : i32
        %add3A_392 = vector.broadcast %add3A_391 : i32 to vector<16xi32>
        %add3A_393 = arith.addi %iota3A, %add3A_392 : vector<16xi32>
        %convert_element_type3A_394 = arith.sitofp %add3A_393 : vector<16xi32> to vector<16xf32>
        %and3A_395 = arith.constant 7 : i32
        %and3A_396 = vector.broadcast %and3A_395 : i32 to vector<16xi32>
        %and3A_397 = arith.andi %get3A_376, %and3A_396 : vector<16xi32>
        %shift_left3A_398 = arith.constant 7 : i32
        %shift_left3A_399 = vector.broadcast %shift_left3A_398 : i32 to vector<16xi32>
        %shift_left3A_400 = arith.shli %and3A_397, %shift_left3A_399 : vector<16xi32>
        %shift_right_arithmetic3A_401 = arith.constant 3 : i32
        %shift_right_arithmetic3A_402 = vector.broadcast %shift_right_arithmetic3A_401 : i32 to vector<16xi32>
        %shift_right_arithmetic3A_403 = arith.shrsi %get3A_376, %shift_right_arithmetic3A_402 : vector<16xi32>
        %add3A_404 = arith.addi %shift_left3A_400, %shift_right_arithmetic3A_403 : vector<16xi32>
        %and3A_405 = arith.constant 7 : i32
        %and3A_406 = vector.broadcast %and3A_405 : i32 to vector<16xi32>
        %and3A_407 = arith.andi %get3A_380, %and3A_406 : vector<16xi32>
        %shift_left3A_408 = arith.constant 7 : i32
        %shift_left3A_409 = vector.broadcast %shift_left3A_408 : i32 to vector<16xi32>
        %shift_left3A_410 = arith.shli %and3A_407, %shift_left3A_409 : vector<16xi32>
        %shift_right_arithmetic3A_411 = arith.constant 3 : i32
        %shift_right_arithmetic3A_412 = vector.broadcast %shift_right_arithmetic3A_411 : i32 to vector<16xi32>
        %shift_right_arithmetic3A_413 = arith.shrsi %get3A_380, %shift_right_arithmetic3A_412 : vector<16xi32>
        %add3A_414 = arith.addi %shift_left3A_410, %shift_right_arithmetic3A_413 : vector<16xi32>
        tpu.vector_store_idx %arg15[%add3A_404], %convert_element_type3A_394 masked %ne3A_381 {add = true} : memref<1024xf32, #tpu.memory_space<vmem>>[vector<16xi32>], vector<16xf32>, vector<16xi1>
        tpu.vector_store_idx %arg14[%add3A_414], %convert_element_type3A_394 masked %and3A_385 {add = true} : memref<1024xf32, #tpu.memory_space<vmem>>[vector<16xi32>], vector<16xf32>, vector<16xi1>
        %get3A_415 = arith.constant 0 : i32
        %get3A_416 = arith.index_cast %get3A_415 : i32 to index
        %get3A_417 = arith.constant 96 : index
        %get3A_418 = tpu.vector_load %arg11[%get3A_416, %get3A_417] {strides = array<i32>} : memref<2x128xi32, #tpu.memory_space<vmem>>, vector<16xi32>,
        %get3A_419 = arith.constant 0 : i32
        %get3A_420 = arith.index_cast %get3A_419 : i32 to index
        %get3A_421 = arith.constant 96 : index
        %get3A_422 = tpu.vector_load %arg12[%get3A_420, %get3A_421] {strides = array<i32>} : memref<2x128xi32, #tpu.memory_space<vmem>>, vector<16xi32>,
        %ne3A_423 = arith.cmpi ne, %get3A_418, %get3A_422 : vector<16xi32>
        %ge3A_424 = arith.constant 0 : i32
        %ge3A_425 = vector.broadcast %ge3A_424 : i32 to vector<16xi32>
        %ge3A_426 = arith.cmpi sge, %get3A_422, %ge3A_425 : vector<16xi32>
        %and3A_427 = arith.andi %ne3A_423, %ge3A_426 : vector<16xi1>
        %mul3A_428 = arith.constant 128 : i32
        %mul3A_429 = arith.muli %add3A_101, %mul3A_428 : i32
        %add3A_430 = arith.constant 96 : i32
        %add3A_431 = arith.addi %mul3A_429, %add3A_430 : i32
        %add3A_432 = arith.constant 1 : i32
        %add3A_433 = arith.addi %add3A_431, %add3A_432 : i32
        %add3A_434 = vector.broadcast %add3A_433 : i32 to vector<16xi32>
        %add3A_435 = arith.addi %iota3A, %add3A_434 : vector<16xi32>
        %convert_element_type3A_436 = arith.sitofp %add3A_435 : vector<16xi32> to vector<16xf32>
        %and3A_437 = arith.constant 7 : i32
        %and3A_438 = vector.broadcast %and3A_437 : i32 to vector<16xi32>
        %and3A_439 = arith.andi %get3A_418, %and3A_438 : vector<16xi32>
        %shift_left3A_440 = arith.constant 7 : i32
        %shift_left3A_441 = vector.broadcast %shift_left3A_440 : i32 to vector<16xi32>
        %shift_left3A_442 = arith.shli %and3A_439, %shift_left3A_441 : vector<16xi32>
        %shift_right_arithmetic3A_443 = arith.constant 3 : i32
        %shift_right_arithmetic3A_444 = vector.broadcast %shift_right_arithmetic3A_443 : i32 to vector<16xi32>
        %shift_right_arithmetic3A_445 = arith.shrsi %get3A_418, %shift_right_arithmetic3A_444 : vector<16xi32>
        %add3A_446 = arith.addi %shift_left3A_442, %shift_right_arithmetic3A_445 : vector<16xi32>
        %and3A_447 = arith.constant 7 : i32
        %and3A_448 = vector.broadcast %and3A_447 : i32 to vector<16xi32>
        %and3A_449 = arith.andi %get3A_422, %and3A_448 : vector<16xi32>
        %shift_left3A_450 = arith.constant 7 : i32
        %shift_left3A_451 = vector.broadcast %shift_left3A_450 : i32 to vector<16xi32>
        %shift_left3A_452 = arith.shli %and3A_449, %shift_left3A_451 : vector<16xi32>
        %shift_right_arithmetic3A_453 = arith.constant 3 : i32
        %shift_right_arithmetic3A_454 = vector.broadcast %shift_right_arithmetic3A_453 : i32 to vector<16xi32>
        %shift_right_arithmetic3A_455 = arith.shrsi %get3A_422, %shift_right_arithmetic3A_454 : vector<16xi32>
        %add3A_456 = arith.addi %shift_left3A_452, %shift_right_arithmetic3A_455 : vector<16xi32>
        tpu.vector_store_idx %arg15[%add3A_446], %convert_element_type3A_436 masked %ne3A_423 {add = true} : memref<1024xf32, #tpu.memory_space<vmem>>[vector<16xi32>], vector<16xf32>, vector<16xi1>
        tpu.vector_store_idx %arg14[%add3A_456], %convert_element_type3A_436 masked %and3A_427 {add = true} : memref<1024xf32, #tpu.memory_space<vmem>>[vector<16xi32>], vector<16xf32>, vector<16xi1>
        %get3A_457 = arith.constant 0 : i32
        %get3A_458 = arith.index_cast %get3A_457 : i32 to index
        %get3A_459 = arith.constant 112 : index
        %get3A_460 = tpu.vector_load %arg11[%get3A_458, %get3A_459] {strides = array<i32>} : memref<2x128xi32, #tpu.memory_space<vmem>>, vector<16xi32>,
        %get3A_461 = arith.constant 0 : i32
        %get3A_462 = arith.index_cast %get3A_461 : i32 to index
        %get3A_463 = arith.constant 112 : index
        %get3A_464 = tpu.vector_load %arg12[%get3A_462, %get3A_463] {strides = array<i32>} : memref<2x128xi32, #tpu.memory_space<vmem>>, vector<16xi32>,
        %ne3A_465 = arith.cmpi ne, %get3A_460, %get3A_464 : vector<16xi32>
        %ge3A_466 = arith.constant 0 : i32
        %ge3A_467 = vector.broadcast %ge3A_466 : i32 to vector<16xi32>
        %ge3A_468 = arith.cmpi sge, %get3A_464, %ge3A_467 : vector<16xi32>
        %and3A_469 = arith.andi %ne3A_465, %ge3A_468 : vector<16xi1>
        %mul3A_470 = arith.constant 128 : i32
        %mul3A_471 = arith.muli %add3A_101, %mul3A_470 : i32
        %add3A_472 = arith.constant 112 : i32
        %add3A_473 = arith.addi %mul3A_471, %add3A_472 : i32
        %add3A_474 = arith.constant 1 : i32
        %add3A_475 = arith.addi %add3A_473, %add3A_474 : i32
        %add3A_476 = vector.broadcast %add3A_475 : i32 to vector<16xi32>
        %add3A_477 = arith.addi %iota3A, %add3A_476 : vector<16xi32>
        %convert_element_type3A_478 = arith.sitofp %add3A_477 : vector<16xi32> to vector<16xf32>
        %and3A_479 = arith.constant 7 : i32
        %and3A_480 = vector.broadcast %and3A_479 : i32 to vector<16xi32>
        %and3A_481 = arith.andi %get3A_460, %and3A_480 : vector<16xi32>
        %shift_left3A_482 = arith.constant 7 : i32
        %shift_left3A_483 = vector.broadcast %shift_left3A_482 : i32 to vector<16xi32>
        %shift_left3A_484 = arith.shli %and3A_481, %shift_left3A_483 : vector<16xi32>
        %shift_right_arithmetic3A_485 = arith.constant 3 : i32
        %shift_right_arithmetic3A_486 = vector.broadcast %shift_right_arithmetic3A_485 : i32 to vector<16xi32>
        %shift_right_arithmetic3A_487 = arith.shrsi %get3A_460, %shift_right_arithmetic3A_486 : vector<16xi32>
        %add3A_488 = arith.addi %shift_left3A_484, %shift_right_arithmetic3A_487 : vector<16xi32>
        %and3A_489 = arith.constant 7 : i32
        %and3A_490 = vector.broadcast %and3A_489 : i32 to vector<16xi32>
        %and3A_491 = arith.andi %get3A_464, %and3A_490 : vector<16xi32>
        %shift_left3A_492 = arith.constant 7 : i32
        %shift_left3A_493 = vector.broadcast %shift_left3A_492 : i32 to vector<16xi32>
        %shift_left3A_494 = arith.shli %and3A_491, %shift_left3A_493 : vector<16xi32>
        %shift_right_arithmetic3A_495 = arith.constant 3 : i32
        %shift_right_arithmetic3A_496 = vector.broadcast %shift_right_arithmetic3A_495 : i32 to vector<16xi32>
        %shift_right_arithmetic3A_497 = arith.shrsi %get3A_464, %shift_right_arithmetic3A_496 : vector<16xi32>
        %add3A_498 = arith.addi %shift_left3A_494, %shift_right_arithmetic3A_497 : vector<16xi32>
        tpu.vector_store_idx %arg15[%add3A_488], %convert_element_type3A_478 masked %ne3A_465 {add = true} : memref<1024xf32, #tpu.memory_space<vmem>>[vector<16xi32>], vector<16xf32>, vector<16xi1>
        tpu.vector_store_idx %arg14[%add3A_498], %convert_element_type3A_478 masked %and3A_469 {add = true} : memref<1024xf32, #tpu.memory_space<vmem>>[vector<16xi32>], vector<16xf32>, vector<16xi1>
        %dma_wait3A_499 = arith.constant 0 : i32
        %dma_wait3A_500 = arith.constant 0 : i32
        %dma_wait3A_501 = arith.constant 0 : i32
        %dma_wait3A_502 = arith.constant 0 : i32
        %dma_wait3A_503 = tpu.memref_slice %arg10[%dma_wait3A_499, %dma_wait3A_501, %dma_wait3A_502] : memref<2x128x128xf32, #tpu.memory_space<vmem>> -> memref<1x128x128xf32, #tpu.memory_space<vmem>>
        %dma_wait3A_504 = tpu.memref_squeeze %dma_wait3A_503 : memref<1x128x128xf32, #tpu.memory_space<vmem>> -> memref<128x128xf32, #tpu.memory_space<vmem>>
        %dma_wait3A_505 = arith.constant 0 : i32
        %dma_wait3A_506 = tpu.memref_slice %arg11[%dma_wait3A_500, %dma_wait3A_505] : memref<2x128xi32, #tpu.memory_space<vmem>> -> memref<1x128xi32, #tpu.memory_space<vmem>>
        %dma_wait3A_507 = tpu.memref_squeeze %dma_wait3A_506 : memref<1x128xi32, #tpu.memory_space<vmem>> -> memref<128xi32, #tpu.memory_space<vmem>>
        %dma_wait3A_508 = arith.constant 0 : i32
        %dma_wait3A_509 = arith.constant 0 : i32
        %dma_wait3A_510 = tpu.memref_slice %arg16[%dma_wait3A_508, %dma_wait3A_509] : memref<1024x128xf32, #tpu.memory_space<vmem_shared>> -> memref<1024x128xf32, #tpu.memory_space<vmem_shared>>
        tpu.wait_indirect_dma semaphore(%arg19 : memref<!tpu.dma_semaphore, #tpu.memory_space<semaphore_mem>>) src(%dma_wait3A_504 : memref<128x128xf32, #tpu.memory_space<vmem>>) dst(%dma_wait3A_510 : memref<1024x128xf32, #tpu.memory_space<vmem_shared>>)
        %add3A_511 = arith.constant 2 : i32
        %add3A_512 = arith.addi %add3A_101, %add3A_511 : i32
        %lt3A_513 = arith.cmpi slt, %add3A_512, %select_n3A_48 : i32
        %convert_element_type3A_514 = arith.extui %lt3A_513 : i1 to i32
        %cond3A_515 = arith.constant 0 : i32
        %cond3A_516 = arith.cmpi ne, %convert_element_type3A_514, %cond3A_515 : i32
        scf.if %cond3A_516 {
          %add3A_517 = arith.constant 2 : i32
          %add3A_518 = arith.addi %add3A_101, %add3A_517 : i32
          %mul3A_519 = arith.constant 128 : i32
          %mul3A_520 = arith.muli %add3A_518, %mul3A_519 : i32
          %dma_start3A_521 = arith.constant 0 : i32
          %dma_start3A_522 = arith.constant 0 : i32
          %dma_start3A_523 = arith.constant 0 : i32
          %dma_start3A_524 = tpu.memref_slice %arg10[%dma_start3A_521, %dma_start3A_522, %dma_start3A_523] : memref<2x128x128xf32, #tpu.memory_space<vmem>> -> memref<1x128x128xf32, #tpu.memory_space<vmem>>
          %dma_start3A_525 = tpu.memref_squeeze %dma_start3A_524 : memref<1x128x128xf32, #tpu.memory_space<vmem>> -> memref<128x128xf32, #tpu.memory_space<vmem>>
          %dma_start3A_526 = arith.constant 0 : i32
          %dma_start3A_527 = tpu.memref_slice %arg2[%mul3A_520, %dma_start3A_526] : memref<320000x128xf32, #tpu.memory_space<hbm>> -> memref<128x128xf32, #tpu.memory_space<hbm>>
          %dma_start3A_528 = arith.constant 0 : i32
          %dma_start3A_529 = arith.constant 0 : i32
          %dma_start3A_530 = tpu.memref_slice %arg10[%dma_start3A_521, %dma_start3A_528, %dma_start3A_529] : memref<2x128x128xf32, #tpu.memory_space<vmem>> -> memref<1x128x128xf32, #tpu.memory_space<vmem>>
          %dma_start3A_531 = tpu.memref_squeeze %dma_start3A_530 : memref<1x128x128xf32, #tpu.memory_space<vmem>> -> memref<128x128xf32, #tpu.memory_space<vmem>>
          %dma_start3A_532 = arith.constant 0 : i32
          %dma_start3A_533 = tpu.memref_slice %arg2[%mul3A_520, %dma_start3A_532] : memref<320000x128xf32, #tpu.memory_space<hbm>> -> memref<128x128xf32, #tpu.memory_space<hbm>>
          tpu.enqueue_dma source(%dma_start3A_533 : memref<128x128xf32, #tpu.memory_space<hbm>>) target(%dma_start3A_531 : memref<128x128xf32, #tpu.memory_space<vmem>>) target_semaphore(%arg17 : memref<!tpu.dma_semaphore, #tpu.memory_space<semaphore_mem>>)
          %dma_start3A_534 = arith.constant 0 : i32
          %dma_start3A_535 = arith.constant 0 : i32
          %dma_start3A_536 = tpu.memref_slice %arg11[%dma_start3A_534, %dma_start3A_535] : memref<2x128xi32, #tpu.memory_space<vmem>> -> memref<1x128xi32, #tpu.memory_space<vmem>>
          %dma_start3A_537 = tpu.memref_squeeze %dma_start3A_536 : memref<1x128xi32, #tpu.memory_space<vmem>> -> memref<128xi32, #tpu.memory_space<vmem>>
          %dma_start3A_538 = arith.constant 0 : i32
          %dma_start3A_539 = tpu.memref_slice %arg3[%add3A_518, %dma_start3A_538] : memref<2500x128xi32, #tpu.memory_space<hbm>> -> memref<1x128xi32, #tpu.memory_space<hbm>>
          %dma_start3A_540 = tpu.memref_squeeze %dma_start3A_539 : memref<1x128xi32, #tpu.memory_space<hbm>> -> memref<128xi32, #tpu.memory_space<hbm>>
          %dma_start3A_541 = arith.constant 0 : i32
          %dma_start3A_542 = tpu.memref_slice %arg11[%dma_start3A_534, %dma_start3A_541] : memref<2x128xi32, #tpu.memory_space<vmem>> -> memref<1x128xi32, #tpu.memory_space<vmem>>
          %dma_start3A_543 = tpu.memref_squeeze %dma_start3A_542 : memref<1x128xi32, #tpu.memory_space<vmem>> -> memref<128xi32, #tpu.memory_space<vmem>>
          %dma_start3A_544 = arith.constant 0 : i32
          %dma_start3A_545 = tpu.memref_slice %arg3[%add3A_518, %dma_start3A_544] : memref<2500x128xi32, #tpu.memory_space<hbm>> -> memref<1x128xi32, #tpu.memory_space<hbm>>
          %dma_start3A_546 = tpu.memref_squeeze %dma_start3A_545 : memref<1x128xi32, #tpu.memory_space<hbm>> -> memref<128xi32, #tpu.memory_space<hbm>>
          tpu.enqueue_dma source(%dma_start3A_546 : memref<128xi32, #tpu.memory_space<hbm>>) target(%dma_start3A_543 : memref<128xi32, #tpu.memory_space<vmem>>) target_semaphore(%arg17 : memref<!tpu.dma_semaphore, #tpu.memory_space<semaphore_mem>>)
          %dma_start3A_547 = arith.constant 0 : i32
          %dma_start3A_548 = arith.constant 0 : i32
          %dma_start3A_549 = tpu.memref_slice %arg12[%dma_start3A_547, %dma_start3A_548] : memref<2x128xi32, #tpu.memory_space<vmem>> -> memref<1x128xi32, #tpu.memory_space<vmem>>
          %dma_start3A_550 = tpu.memref_squeeze %dma_start3A_549 : memref<1x128xi32, #tpu.memory_space<vmem>> -> memref<128xi32, #tpu.memory_space<vmem>>
          %dma_start3A_551 = arith.constant 0 : i32
          %dma_start3A_552 = tpu.memref_slice %arg4[%add3A_518, %dma_start3A_551] : memref<2500x128xi32, #tpu.memory_space<hbm>> -> memref<1x128xi32, #tpu.memory_space<hbm>>
          %dma_start3A_553 = tpu.memref_squeeze %dma_start3A_552 : memref<1x128xi32, #tpu.memory_space<hbm>> -> memref<128xi32, #tpu.memory_space<hbm>>
          %dma_start3A_554 = arith.constant 0 : i32
          %dma_start3A_555 = tpu.memref_slice %arg12[%dma_start3A_547, %dma_start3A_554] : memref<2x128xi32, #tpu.memory_space<vmem>> -> memref<1x128xi32, #tpu.memory_space<vmem>>
          %dma_start3A_556 = tpu.memref_squeeze %dma_start3A_555 : memref<1x128xi32, #tpu.memory_space<vmem>> -> memref<128xi32, #tpu.memory_space<vmem>>
          %dma_start3A_557 = arith.constant 0 : i32
          %dma_start3A_558 = tpu.memref_slice %arg4[%add3A_518, %dma_start3A_557] : memref<2500x128xi32, #tpu.memory_space<hbm>> -> memref<1x128xi32, #tpu.memory_space<hbm>>
          %dma_start3A_559 = tpu.memref_squeeze %dma_start3A_558 : memref<1x128xi32, #tpu.memory_space<hbm>> -> memref<128xi32, #tpu.memory_space<hbm>>
          tpu.enqueue_dma source(%dma_start3A_559 : memref<128xi32, #tpu.memory_space<hbm>>) target(%dma_start3A_556 : memref<128xi32, #tpu.memory_space<vmem>>) target_semaphore(%arg17 : memref<!tpu.dma_semaphore, #tpu.memory_space<semaphore_mem>>)
        } else {
        }
      } else {
      }
      %mul3A_106 = arith.constant 2 : i32
      %mul3A_107 = arith.muli %mul3A_106, %while3A_95 : i32
      %add3A_108 = arith.addi %select_n3A, %mul3A_107 : i32
      %add3A_109 = arith.constant 1 : i32
      %add3A_110 = arith.addi %add3A_108, %add3A_109 : i32
      %lt3A_111 = arith.cmpi slt, %add3A_110, %select_n3A_48 : i32
      %convert_element_type3A_112 = arith.extui %lt3A_111 : i1 to i32
      %cond3A_113 = arith.constant 0 : i32
      %cond3A_114 = arith.cmpi ne, %convert_element_type3A_112, %cond3A_113 : i32
      scf.if %cond3A_114 {
        %mul3A_116 = arith.constant 128 : i32
        %mul3A_117 = arith.muli %add3A_110, %mul3A_116 : i32
        %dma_wait3A = arith.constant 1 : i32
        %dma_wait3A_118 = arith.constant 0 : i32
        %dma_wait3A_119 = arith.constant 0 : i32
        %dma_wait3A_120 = tpu.memref_slice %arg10[%dma_wait3A, %dma_wait3A_118, %dma_wait3A_119] : memref<2x128x128xf32, #tpu.memory_space<vmem>> -> memref<1x128x128xf32, #tpu.memory_space<vmem>>
        %dma_wait3A_121 = tpu.memref_squeeze %dma_wait3A_120 : memref<1x128x128xf32, #tpu.memory_space<vmem>> -> memref<128x128xf32, #tpu.memory_space<vmem>>
        %dma_wait3A_122 = arith.constant 0 : i32
        %dma_wait3A_123 = tpu.memref_slice %arg2[%mul3A_117, %dma_wait3A_122] : memref<320000x128xf32, #tpu.memory_space<hbm>> -> memref<128x128xf32, #tpu.memory_space<hbm>>
        %dma_wait3A_124 = arith.constant 0 : i32
        %dma_wait3A_125 = arith.constant 0 : i32
        %dma_wait3A_126 = tpu.memref_slice %arg10[%dma_wait3A, %dma_wait3A_124, %dma_wait3A_125] : memref<2x128x128xf32, #tpu.memory_space<vmem>> -> memref<1x128x128xf32, #tpu.memory_space<vmem>>
        %dma_wait3A_127 = tpu.memref_squeeze %dma_wait3A_126 : memref<1x128x128xf32, #tpu.memory_space<vmem>> -> memref<128x128xf32, #tpu.memory_space<vmem>>
        %dma_wait3A_128 = arith.constant 0 : i32
        %dma_wait3A_129 = tpu.memref_slice %arg2[%mul3A_117, %dma_wait3A_128] : memref<320000x128xf32, #tpu.memory_space<hbm>> -> memref<128x128xf32, #tpu.memory_space<hbm>>
        tpu.wait_dma2 semaphore(%arg18 : memref<!tpu.dma_semaphore, #tpu.memory_space<semaphore_mem>>) src(%dma_wait3A_129 : memref<128x128xf32, #tpu.memory_space<hbm>>) dst(%dma_wait3A_127 : memref<128x128xf32, #tpu.memory_space<vmem>>)
        %dma_wait3A_130 = arith.constant 1 : i32
        %dma_wait3A_131 = arith.constant 0 : i32
        %dma_wait3A_132 = tpu.memref_slice %arg11[%dma_wait3A_130, %dma_wait3A_131] : memref<2x128xi32, #tpu.memory_space<vmem>> -> memref<1x128xi32, #tpu.memory_space<vmem>>
        %dma_wait3A_133 = tpu.memref_squeeze %dma_wait3A_132 : memref<1x128xi32, #tpu.memory_space<vmem>> -> memref<128xi32, #tpu.memory_space<vmem>>
        %dma_wait3A_134 = arith.constant 0 : i32
        %dma_wait3A_135 = tpu.memref_slice %arg3[%add3A_110, %dma_wait3A_134] : memref<2500x128xi32, #tpu.memory_space<hbm>> -> memref<1x128xi32, #tpu.memory_space<hbm>>
        %dma_wait3A_136 = tpu.memref_squeeze %dma_wait3A_135 : memref<1x128xi32, #tpu.memory_space<hbm>> -> memref<128xi32, #tpu.memory_space<hbm>>
        %dma_wait3A_137 = arith.constant 0 : i32
        %dma_wait3A_138 = tpu.memref_slice %arg11[%dma_wait3A_130, %dma_wait3A_137] : memref<2x128xi32, #tpu.memory_space<vmem>> -> memref<1x128xi32, #tpu.memory_space<vmem>>
        %dma_wait3A_139 = tpu.memref_squeeze %dma_wait3A_138 : memref<1x128xi32, #tpu.memory_space<vmem>> -> memref<128xi32, #tpu.memory_space<vmem>>
        %dma_wait3A_140 = arith.constant 0 : i32
        %dma_wait3A_141 = tpu.memref_slice %arg3[%add3A_110, %dma_wait3A_140] : memref<2500x128xi32, #tpu.memory_space<hbm>> -> memref<1x128xi32, #tpu.memory_space<hbm>>
        %dma_wait3A_142 = tpu.memref_squeeze %dma_wait3A_141 : memref<1x128xi32, #tpu.memory_space<hbm>> -> memref<128xi32, #tpu.memory_space<hbm>>
        tpu.wait_dma2 semaphore(%arg18 : memref<!tpu.dma_semaphore, #tpu.memory_space<semaphore_mem>>) src(%dma_wait3A_142 : memref<128xi32, #tpu.memory_space<hbm>>) dst(%dma_wait3A_139 : memref<128xi32, #tpu.memory_space<vmem>>)
        %dma_wait3A_143 = arith.constant 1 : i32
        %dma_wait3A_144 = arith.constant 0 : i32
        %dma_wait3A_145 = tpu.memref_slice %arg12[%dma_wait3A_143, %dma_wait3A_144] : memref<2x128xi32, #tpu.memory_space<vmem>> -> memref<1x128xi32, #tpu.memory_space<vmem>>
        %dma_wait3A_146 = tpu.memref_squeeze %dma_wait3A_145 : memref<1x128xi32, #tpu.memory_space<vmem>> -> memref<128xi32, #tpu.memory_space<vmem>>
        %dma_wait3A_147 = arith.constant 0 : i32
        %dma_wait3A_148 = tpu.memref_slice %arg4[%add3A_110, %dma_wait3A_147] : memref<2500x128xi32, #tpu.memory_space<hbm>> -> memref<1x128xi32, #tpu.memory_space<hbm>>
        %dma_wait3A_149 = tpu.memref_squeeze %dma_wait3A_148 : memref<1x128xi32, #tpu.memory_space<hbm>> -> memref<128xi32, #tpu.memory_space<hbm>>
        %dma_wait3A_150 = arith.constant 0 : i32
        %dma_wait3A_151 = tpu.memref_slice %arg12[%dma_wait3A_143, %dma_wait3A_150] : memref<2x128xi32, #tpu.memory_space<vmem>> -> memref<1x128xi32, #tpu.memory_space<vmem>>
        %dma_wait3A_152 = tpu.memref_squeeze %dma_wait3A_151 : memref<1x128xi32, #tpu.memory_space<vmem>> -> memref<128xi32, #tpu.memory_space<vmem>>
        %dma_wait3A_153 = arith.constant 0 : i32
        %dma_wait3A_154 = tpu.memref_slice %arg4[%add3A_110, %dma_wait3A_153] : memref<2500x128xi32, #tpu.memory_space<hbm>> -> memref<1x128xi32, #tpu.memory_space<hbm>>
        %dma_wait3A_155 = tpu.memref_squeeze %dma_wait3A_154 : memref<1x128xi32, #tpu.memory_space<hbm>> -> memref<128xi32, #tpu.memory_space<hbm>>
        tpu.wait_dma2 semaphore(%arg18 : memref<!tpu.dma_semaphore, #tpu.memory_space<semaphore_mem>>) src(%dma_wait3A_155 : memref<128xi32, #tpu.memory_space<hbm>>) dst(%dma_wait3A_152 : memref<128xi32, #tpu.memory_space<vmem>>)
        %dma_start3A = arith.constant 1 : i32
        %dma_start3A_156 = arith.constant 1 : i32
        %dma_start3A_157 = arith.constant 0 : i32
        %dma_start3A_158 = arith.constant 0 : i32
        %dma_start3A_159 = tpu.memref_slice %arg10[%dma_start3A, %dma_start3A_157, %dma_start3A_158] : memref<2x128x128xf32, #tpu.memory_space<vmem>> -> memref<1x128x128xf32, #tpu.memory_space<vmem>>
        %dma_start3A_160 = tpu.memref_squeeze %dma_start3A_159 : memref<1x128x128xf32, #tpu.memory_space<vmem>> -> memref<128x128xf32, #tpu.memory_space<vmem>>
        %dma_start3A_161 = arith.constant 0 : i32
        %dma_start3A_162 = tpu.memref_slice %arg11[%dma_start3A_156, %dma_start3A_161] : memref<2x128xi32, #tpu.memory_space<vmem>> -> memref<1x128xi32, #tpu.memory_space<vmem>>
        %dma_start3A_163 = tpu.memref_squeeze %dma_start3A_162 : memref<1x128xi32, #tpu.memory_space<vmem>> -> memref<128xi32, #tpu.memory_space<vmem>>
        %dma_start3A_164 = arith.constant 0 : i32
        %dma_start3A_165 = arith.constant 0 : i32
        %dma_start3A_166 = tpu.memref_slice %arg16[%dma_start3A_164, %dma_start3A_165] : memref<1024x128xf32, #tpu.memory_space<vmem_shared>> -> memref<1024x128xf32, #tpu.memory_space<vmem_shared>>
        tpu.enqueue_indirect_dma source(%dma_start3A_160 : memref<128x128xf32, #tpu.memory_space<vmem>>) target(%dma_start3A_166 : memref<1024x128xf32, #tpu.memory_space<vmem_shared>>) offsets(%dma_start3A_163 : memref<128xi32, #tpu.memory_space<vmem>>) semaphore(%arg20 : memref<!tpu.dma_semaphore, #tpu.memory_space<semaphore_mem>>) {add = true}
        %get3A = arith.constant 1 : i32
        %get3A_167 = arith.index_cast %get3A : i32 to index
        %get3A_168 = arith.constant 0 : index
        %get3A_169 = tpu.vector_load %arg11[%get3A_167, %get3A_168] {strides = array<i32>} : memref<2x128xi32, #tpu.memory_space<vmem>>, vector<16xi32>,
        %get3A_170 = arith.constant 1 : i32
        %get3A_171 = arith.index_cast %get3A_170 : i32 to index
        %get3A_172 = arith.constant 0 : index
        %get3A_173 = tpu.vector_load %arg12[%get3A_171, %get3A_172] {strides = array<i32>} : memref<2x128xi32, #tpu.memory_space<vmem>>, vector<16xi32>,
        %ne3A_174 = arith.cmpi ne, %get3A_169, %get3A_173 : vector<16xi32>
        %ge3A = arith.constant 0 : i32
        %ge3A_175 = vector.broadcast %ge3A : i32 to vector<16xi32>
        %ge3A_176 = arith.cmpi sge, %get3A_173, %ge3A_175 : vector<16xi32>
        %and3A_177 = arith.andi %ne3A_174, %ge3A_176 : vector<16xi1>
        %mul3A_178 = arith.constant 128 : i32
        %mul3A_179 = arith.muli %add3A_110, %mul3A_178 : i32
        %add3A_180 = arith.constant 0 : i32
        %add3A_181 = arith.addi %mul3A_179, %add3A_180 : i32
        %add3A_182 = arith.constant 1 : i32
        %add3A_183 = arith.addi %add3A_181, %add3A_182 : i32
        %add3A_184 = vector.broadcast %add3A_183 : i32 to vector<16xi32>
        %add3A_185 = arith.addi %iota3A, %add3A_184 : vector<16xi32>
        %convert_element_type3A_186 = arith.sitofp %add3A_185 : vector<16xi32> to vector<16xf32>
        %and3A_187 = arith.constant 7 : i32
        %and3A_188 = vector.broadcast %and3A_187 : i32 to vector<16xi32>
        %and3A_189 = arith.andi %get3A_169, %and3A_188 : vector<16xi32>
        %shift_left3A = arith.constant 7 : i32
        %shift_left3A_190 = vector.broadcast %shift_left3A : i32 to vector<16xi32>
        %shift_left3A_191 = arith.shli %and3A_189, %shift_left3A_190 : vector<16xi32>
        %shift_right_arithmetic3A = arith.constant 3 : i32
        %shift_right_arithmetic3A_192 = vector.broadcast %shift_right_arithmetic3A : i32 to vector<16xi32>
        %shift_right_arithmetic3A_193 = arith.shrsi %get3A_169, %shift_right_arithmetic3A_192 : vector<16xi32>
        %add3A_194 = arith.addi %shift_left3A_191, %shift_right_arithmetic3A_193 : vector<16xi32>
        %and3A_195 = arith.constant 7 : i32
        %and3A_196 = vector.broadcast %and3A_195 : i32 to vector<16xi32>
        %and3A_197 = arith.andi %get3A_173, %and3A_196 : vector<16xi32>
        %shift_left3A_198 = arith.constant 7 : i32
        %shift_left3A_199 = vector.broadcast %shift_left3A_198 : i32 to vector<16xi32>
        %shift_left3A_200 = arith.shli %and3A_197, %shift_left3A_199 : vector<16xi32>
        %shift_right_arithmetic3A_201 = arith.constant 3 : i32
        %shift_right_arithmetic3A_202 = vector.broadcast %shift_right_arithmetic3A_201 : i32 to vector<16xi32>
        %shift_right_arithmetic3A_203 = arith.shrsi %get3A_173, %shift_right_arithmetic3A_202 : vector<16xi32>
        %add3A_204 = arith.addi %shift_left3A_200, %shift_right_arithmetic3A_203 : vector<16xi32>
        tpu.vector_store_idx %arg15[%add3A_194], %convert_element_type3A_186 masked %ne3A_174 {add = true} : memref<1024xf32, #tpu.memory_space<vmem>>[vector<16xi32>], vector<16xf32>, vector<16xi1>
        tpu.vector_store_idx %arg14[%add3A_204], %convert_element_type3A_186 masked %and3A_177 {add = true} : memref<1024xf32, #tpu.memory_space<vmem>>[vector<16xi32>], vector<16xf32>, vector<16xi1>
        %get3A_205 = arith.constant 1 : i32
        %get3A_206 = arith.index_cast %get3A_205 : i32 to index
        %get3A_207 = arith.constant 16 : index
        %get3A_208 = tpu.vector_load %arg11[%get3A_206, %get3A_207] {strides = array<i32>} : memref<2x128xi32, #tpu.memory_space<vmem>>, vector<16xi32>,
        %get3A_209 = arith.constant 1 : i32
        %get3A_210 = arith.index_cast %get3A_209 : i32 to index
        %get3A_211 = arith.constant 16 : index
        %get3A_212 = tpu.vector_load %arg12[%get3A_210, %get3A_211] {strides = array<i32>} : memref<2x128xi32, #tpu.memory_space<vmem>>, vector<16xi32>,
        %ne3A_213 = arith.cmpi ne, %get3A_208, %get3A_212 : vector<16xi32>
        %ge3A_214 = arith.constant 0 : i32
        %ge3A_215 = vector.broadcast %ge3A_214 : i32 to vector<16xi32>
        %ge3A_216 = arith.cmpi sge, %get3A_212, %ge3A_215 : vector<16xi32>
        %and3A_217 = arith.andi %ne3A_213, %ge3A_216 : vector<16xi1>
        %mul3A_218 = arith.constant 128 : i32
        %mul3A_219 = arith.muli %add3A_110, %mul3A_218 : i32
        %add3A_220 = arith.constant 16 : i32
        %add3A_221 = arith.addi %mul3A_219, %add3A_220 : i32
        %add3A_222 = arith.constant 1 : i32
        %add3A_223 = arith.addi %add3A_221, %add3A_222 : i32
        %add3A_224 = vector.broadcast %add3A_223 : i32 to vector<16xi32>
        %add3A_225 = arith.addi %iota3A, %add3A_224 : vector<16xi32>
        %convert_element_type3A_226 = arith.sitofp %add3A_225 : vector<16xi32> to vector<16xf32>
        %and3A_227 = arith.constant 7 : i32
        %and3A_228 = vector.broadcast %and3A_227 : i32 to vector<16xi32>
        %and3A_229 = arith.andi %get3A_208, %and3A_228 : vector<16xi32>
        %shift_left3A_230 = arith.constant 7 : i32
        %shift_left3A_231 = vector.broadcast %shift_left3A_230 : i32 to vector<16xi32>
        %shift_left3A_232 = arith.shli %and3A_229, %shift_left3A_231 : vector<16xi32>
        %shift_right_arithmetic3A_233 = arith.constant 3 : i32
        %shift_right_arithmetic3A_234 = vector.broadcast %shift_right_arithmetic3A_233 : i32 to vector<16xi32>
        %shift_right_arithmetic3A_235 = arith.shrsi %get3A_208, %shift_right_arithmetic3A_234 : vector<16xi32>
        %add3A_236 = arith.addi %shift_left3A_232, %shift_right_arithmetic3A_235 : vector<16xi32>
        %and3A_237 = arith.constant 7 : i32
        %and3A_238 = vector.broadcast %and3A_237 : i32 to vector<16xi32>
        %and3A_239 = arith.andi %get3A_212, %and3A_238 : vector<16xi32>
        %shift_left3A_240 = arith.constant 7 : i32
        %shift_left3A_241 = vector.broadcast %shift_left3A_240 : i32 to vector<16xi32>
        %shift_left3A_242 = arith.shli %and3A_239, %shift_left3A_241 : vector<16xi32>
        %shift_right_arithmetic3A_243 = arith.constant 3 : i32
        %shift_right_arithmetic3A_244 = vector.broadcast %shift_right_arithmetic3A_243 : i32 to vector<16xi32>
        %shift_right_arithmetic3A_245 = arith.shrsi %get3A_212, %shift_right_arithmetic3A_244 : vector<16xi32>
        %add3A_246 = arith.addi %shift_left3A_242, %shift_right_arithmetic3A_245 : vector<16xi32>
        tpu.vector_store_idx %arg15[%add3A_236], %convert_element_type3A_226 masked %ne3A_213 {add = true} : memref<1024xf32, #tpu.memory_space<vmem>>[vector<16xi32>], vector<16xf32>, vector<16xi1>
        tpu.vector_store_idx %arg14[%add3A_246], %convert_element_type3A_226 masked %and3A_217 {add = true} : memref<1024xf32, #tpu.memory_space<vmem>>[vector<16xi32>], vector<16xf32>, vector<16xi1>
        %get3A_247 = arith.constant 1 : i32
        %get3A_248 = arith.index_cast %get3A_247 : i32 to index
        %get3A_249 = arith.constant 32 : index
        %get3A_250 = tpu.vector_load %arg11[%get3A_248, %get3A_249] {strides = array<i32>} : memref<2x128xi32, #tpu.memory_space<vmem>>, vector<16xi32>,
        %get3A_251 = arith.constant 1 : i32
        %get3A_252 = arith.index_cast %get3A_251 : i32 to index
        %get3A_253 = arith.constant 32 : index
        %get3A_254 = tpu.vector_load %arg12[%get3A_252, %get3A_253] {strides = array<i32>} : memref<2x128xi32, #tpu.memory_space<vmem>>, vector<16xi32>,
        %ne3A_255 = arith.cmpi ne, %get3A_250, %get3A_254 : vector<16xi32>
        %ge3A_256 = arith.constant 0 : i32
        %ge3A_257 = vector.broadcast %ge3A_256 : i32 to vector<16xi32>
        %ge3A_258 = arith.cmpi sge, %get3A_254, %ge3A_257 : vector<16xi32>
        %and3A_259 = arith.andi %ne3A_255, %ge3A_258 : vector<16xi1>
        %mul3A_260 = arith.constant 128 : i32
        %mul3A_261 = arith.muli %add3A_110, %mul3A_260 : i32
        %add3A_262 = arith.constant 32 : i32
        %add3A_263 = arith.addi %mul3A_261, %add3A_262 : i32
        %add3A_264 = arith.constant 1 : i32
        %add3A_265 = arith.addi %add3A_263, %add3A_264 : i32
        %add3A_266 = vector.broadcast %add3A_265 : i32 to vector<16xi32>
        %add3A_267 = arith.addi %iota3A, %add3A_266 : vector<16xi32>
        %convert_element_type3A_268 = arith.sitofp %add3A_267 : vector<16xi32> to vector<16xf32>
        %and3A_269 = arith.constant 7 : i32
        %and3A_270 = vector.broadcast %and3A_269 : i32 to vector<16xi32>
        %and3A_271 = arith.andi %get3A_250, %and3A_270 : vector<16xi32>
        %shift_left3A_272 = arith.constant 7 : i32
        %shift_left3A_273 = vector.broadcast %shift_left3A_272 : i32 to vector<16xi32>
        %shift_left3A_274 = arith.shli %and3A_271, %shift_left3A_273 : vector<16xi32>
        %shift_right_arithmetic3A_275 = arith.constant 3 : i32
        %shift_right_arithmetic3A_276 = vector.broadcast %shift_right_arithmetic3A_275 : i32 to vector<16xi32>
        %shift_right_arithmetic3A_277 = arith.shrsi %get3A_250, %shift_right_arithmetic3A_276 : vector<16xi32>
        %add3A_278 = arith.addi %shift_left3A_274, %shift_right_arithmetic3A_277 : vector<16xi32>
        %and3A_279 = arith.constant 7 : i32
        %and3A_280 = vector.broadcast %and3A_279 : i32 to vector<16xi32>
        %and3A_281 = arith.andi %get3A_254, %and3A_280 : vector<16xi32>
        %shift_left3A_282 = arith.constant 7 : i32
        %shift_left3A_283 = vector.broadcast %shift_left3A_282 : i32 to vector<16xi32>
        %shift_left3A_284 = arith.shli %and3A_281, %shift_left3A_283 : vector<16xi32>
        %shift_right_arithmetic3A_285 = arith.constant 3 : i32
        %shift_right_arithmetic3A_286 = vector.broadcast %shift_right_arithmetic3A_285 : i32 to vector<16xi32>
        %shift_right_arithmetic3A_287 = arith.shrsi %get3A_254, %shift_right_arithmetic3A_286 : vector<16xi32>
        %add3A_288 = arith.addi %shift_left3A_284, %shift_right_arithmetic3A_287 : vector<16xi32>
        tpu.vector_store_idx %arg15[%add3A_278], %convert_element_type3A_268 masked %ne3A_255 {add = true} : memref<1024xf32, #tpu.memory_space<vmem>>[vector<16xi32>], vector<16xf32>, vector<16xi1>
        tpu.vector_store_idx %arg14[%add3A_288], %convert_element_type3A_268 masked %and3A_259 {add = true} : memref<1024xf32, #tpu.memory_space<vmem>>[vector<16xi32>], vector<16xf32>, vector<16xi1>
        %get3A_289 = arith.constant 1 : i32
        %get3A_290 = arith.index_cast %get3A_289 : i32 to index
        %get3A_291 = arith.constant 48 : index
        %get3A_292 = tpu.vector_load %arg11[%get3A_290, %get3A_291] {strides = array<i32>} : memref<2x128xi32, #tpu.memory_space<vmem>>, vector<16xi32>,
        %get3A_293 = arith.constant 1 : i32
        %get3A_294 = arith.index_cast %get3A_293 : i32 to index
        %get3A_295 = arith.constant 48 : index
        %get3A_296 = tpu.vector_load %arg12[%get3A_294, %get3A_295] {strides = array<i32>} : memref<2x128xi32, #tpu.memory_space<vmem>>, vector<16xi32>,
        %ne3A_297 = arith.cmpi ne, %get3A_292, %get3A_296 : vector<16xi32>
        %ge3A_298 = arith.constant 0 : i32
        %ge3A_299 = vector.broadcast %ge3A_298 : i32 to vector<16xi32>
        %ge3A_300 = arith.cmpi sge, %get3A_296, %ge3A_299 : vector<16xi32>
        %and3A_301 = arith.andi %ne3A_297, %ge3A_300 : vector<16xi1>
        %mul3A_302 = arith.constant 128 : i32
        %mul3A_303 = arith.muli %add3A_110, %mul3A_302 : i32
        %add3A_304 = arith.constant 48 : i32
        %add3A_305 = arith.addi %mul3A_303, %add3A_304 : i32
        %add3A_306 = arith.constant 1 : i32
        %add3A_307 = arith.addi %add3A_305, %add3A_306 : i32
        %add3A_308 = vector.broadcast %add3A_307 : i32 to vector<16xi32>
        %add3A_309 = arith.addi %iota3A, %add3A_308 : vector<16xi32>
        %convert_element_type3A_310 = arith.sitofp %add3A_309 : vector<16xi32> to vector<16xf32>
        %and3A_311 = arith.constant 7 : i32
        %and3A_312 = vector.broadcast %and3A_311 : i32 to vector<16xi32>
        %and3A_313 = arith.andi %get3A_292, %and3A_312 : vector<16xi32>
        %shift_left3A_314 = arith.constant 7 : i32
        %shift_left3A_315 = vector.broadcast %shift_left3A_314 : i32 to vector<16xi32>
        %shift_left3A_316 = arith.shli %and3A_313, %shift_left3A_315 : vector<16xi32>
        %shift_right_arithmetic3A_317 = arith.constant 3 : i32
        %shift_right_arithmetic3A_318 = vector.broadcast %shift_right_arithmetic3A_317 : i32 to vector<16xi32>
        %shift_right_arithmetic3A_319 = arith.shrsi %get3A_292, %shift_right_arithmetic3A_318 : vector<16xi32>
        %add3A_320 = arith.addi %shift_left3A_316, %shift_right_arithmetic3A_319 : vector<16xi32>
        %and3A_321 = arith.constant 7 : i32
        %and3A_322 = vector.broadcast %and3A_321 : i32 to vector<16xi32>
        %and3A_323 = arith.andi %get3A_296, %and3A_322 : vector<16xi32>
        %shift_left3A_324 = arith.constant 7 : i32
        %shift_left3A_325 = vector.broadcast %shift_left3A_324 : i32 to vector<16xi32>
        %shift_left3A_326 = arith.shli %and3A_323, %shift_left3A_325 : vector<16xi32>
        %shift_right_arithmetic3A_327 = arith.constant 3 : i32
        %shift_right_arithmetic3A_328 = vector.broadcast %shift_right_arithmetic3A_327 : i32 to vector<16xi32>
        %shift_right_arithmetic3A_329 = arith.shrsi %get3A_296, %shift_right_arithmetic3A_328 : vector<16xi32>
        %add3A_330 = arith.addi %shift_left3A_326, %shift_right_arithmetic3A_329 : vector<16xi32>
        tpu.vector_store_idx %arg15[%add3A_320], %convert_element_type3A_310 masked %ne3A_297 {add = true} : memref<1024xf32, #tpu.memory_space<vmem>>[vector<16xi32>], vector<16xf32>, vector<16xi1>
        tpu.vector_store_idx %arg14[%add3A_330], %convert_element_type3A_310 masked %and3A_301 {add = true} : memref<1024xf32, #tpu.memory_space<vmem>>[vector<16xi32>], vector<16xf32>, vector<16xi1>
        %get3A_331 = arith.constant 1 : i32
        %get3A_332 = arith.index_cast %get3A_331 : i32 to index
        %get3A_333 = arith.constant 64 : index
        %get3A_334 = tpu.vector_load %arg11[%get3A_332, %get3A_333] {strides = array<i32>} : memref<2x128xi32, #tpu.memory_space<vmem>>, vector<16xi32>,
        %get3A_335 = arith.constant 1 : i32
        %get3A_336 = arith.index_cast %get3A_335 : i32 to index
        %get3A_337 = arith.constant 64 : index
        %get3A_338 = tpu.vector_load %arg12[%get3A_336, %get3A_337] {strides = array<i32>} : memref<2x128xi32, #tpu.memory_space<vmem>>, vector<16xi32>,
        %ne3A_339 = arith.cmpi ne, %get3A_334, %get3A_338 : vector<16xi32>
        %ge3A_340 = arith.constant 0 : i32
        %ge3A_341 = vector.broadcast %ge3A_340 : i32 to vector<16xi32>
        %ge3A_342 = arith.cmpi sge, %get3A_338, %ge3A_341 : vector<16xi32>
        %and3A_343 = arith.andi %ne3A_339, %ge3A_342 : vector<16xi1>
        %mul3A_344 = arith.constant 128 : i32
        %mul3A_345 = arith.muli %add3A_110, %mul3A_344 : i32
        %add3A_346 = arith.constant 64 : i32
        %add3A_347 = arith.addi %mul3A_345, %add3A_346 : i32
        %add3A_348 = arith.constant 1 : i32
        %add3A_349 = arith.addi %add3A_347, %add3A_348 : i32
        %add3A_350 = vector.broadcast %add3A_349 : i32 to vector<16xi32>
        %add3A_351 = arith.addi %iota3A, %add3A_350 : vector<16xi32>
        %convert_element_type3A_352 = arith.sitofp %add3A_351 : vector<16xi32> to vector<16xf32>
        %and3A_353 = arith.constant 7 : i32
        %and3A_354 = vector.broadcast %and3A_353 : i32 to vector<16xi32>
        %and3A_355 = arith.andi %get3A_334, %and3A_354 : vector<16xi32>
        %shift_left3A_356 = arith.constant 7 : i32
        %shift_left3A_357 = vector.broadcast %shift_left3A_356 : i32 to vector<16xi32>
        %shift_left3A_358 = arith.shli %and3A_355, %shift_left3A_357 : vector<16xi32>
        %shift_right_arithmetic3A_359 = arith.constant 3 : i32
        %shift_right_arithmetic3A_360 = vector.broadcast %shift_right_arithmetic3A_359 : i32 to vector<16xi32>
        %shift_right_arithmetic3A_361 = arith.shrsi %get3A_334, %shift_right_arithmetic3A_360 : vector<16xi32>
        %add3A_362 = arith.addi %shift_left3A_358, %shift_right_arithmetic3A_361 : vector<16xi32>
        %and3A_363 = arith.constant 7 : i32
        %and3A_364 = vector.broadcast %and3A_363 : i32 to vector<16xi32>
        %and3A_365 = arith.andi %get3A_338, %and3A_364 : vector<16xi32>
        %shift_left3A_366 = arith.constant 7 : i32
        %shift_left3A_367 = vector.broadcast %shift_left3A_366 : i32 to vector<16xi32>
        %shift_left3A_368 = arith.shli %and3A_365, %shift_left3A_367 : vector<16xi32>
        %shift_right_arithmetic3A_369 = arith.constant 3 : i32
        %shift_right_arithmetic3A_370 = vector.broadcast %shift_right_arithmetic3A_369 : i32 to vector<16xi32>
        %shift_right_arithmetic3A_371 = arith.shrsi %get3A_338, %shift_right_arithmetic3A_370 : vector<16xi32>
        %add3A_372 = arith.addi %shift_left3A_368, %shift_right_arithmetic3A_371 : vector<16xi32>
        tpu.vector_store_idx %arg15[%add3A_362], %convert_element_type3A_352 masked %ne3A_339 {add = true} : memref<1024xf32, #tpu.memory_space<vmem>>[vector<16xi32>], vector<16xf32>, vector<16xi1>
        tpu.vector_store_idx %arg14[%add3A_372], %convert_element_type3A_352 masked %and3A_343 {add = true} : memref<1024xf32, #tpu.memory_space<vmem>>[vector<16xi32>], vector<16xf32>, vector<16xi1>
        %get3A_373 = arith.constant 1 : i32
        %get3A_374 = arith.index_cast %get3A_373 : i32 to index
        %get3A_375 = arith.constant 80 : index
        %get3A_376 = tpu.vector_load %arg11[%get3A_374, %get3A_375] {strides = array<i32>} : memref<2x128xi32, #tpu.memory_space<vmem>>, vector<16xi32>,
        %get3A_377 = arith.constant 1 : i32
        %get3A_378 = arith.index_cast %get3A_377 : i32 to index
        %get3A_379 = arith.constant 80 : index
        %get3A_380 = tpu.vector_load %arg12[%get3A_378, %get3A_379] {strides = array<i32>} : memref<2x128xi32, #tpu.memory_space<vmem>>, vector<16xi32>,
        %ne3A_381 = arith.cmpi ne, %get3A_376, %get3A_380 : vector<16xi32>
        %ge3A_382 = arith.constant 0 : i32
        %ge3A_383 = vector.broadcast %ge3A_382 : i32 to vector<16xi32>
        %ge3A_384 = arith.cmpi sge, %get3A_380, %ge3A_383 : vector<16xi32>
        %and3A_385 = arith.andi %ne3A_381, %ge3A_384 : vector<16xi1>
        %mul3A_386 = arith.constant 128 : i32
        %mul3A_387 = arith.muli %add3A_110, %mul3A_386 : i32
        %add3A_388 = arith.constant 80 : i32
        %add3A_389 = arith.addi %mul3A_387, %add3A_388 : i32
        %add3A_390 = arith.constant 1 : i32
        %add3A_391 = arith.addi %add3A_389, %add3A_390 : i32
        %add3A_392 = vector.broadcast %add3A_391 : i32 to vector<16xi32>
        %add3A_393 = arith.addi %iota3A, %add3A_392 : vector<16xi32>
        %convert_element_type3A_394 = arith.sitofp %add3A_393 : vector<16xi32> to vector<16xf32>
        %and3A_395 = arith.constant 7 : i32
        %and3A_396 = vector.broadcast %and3A_395 : i32 to vector<16xi32>
        %and3A_397 = arith.andi %get3A_376, %and3A_396 : vector<16xi32>
        %shift_left3A_398 = arith.constant 7 : i32
        %shift_left3A_399 = vector.broadcast %shift_left3A_398 : i32 to vector<16xi32>
        %shift_left3A_400 = arith.shli %and3A_397, %shift_left3A_399 : vector<16xi32>
        %shift_right_arithmetic3A_401 = arith.constant 3 : i32
        %shift_right_arithmetic3A_402 = vector.broadcast %shift_right_arithmetic3A_401 : i32 to vector<16xi32>
        %shift_right_arithmetic3A_403 = arith.shrsi %get3A_376, %shift_right_arithmetic3A_402 : vector<16xi32>
        %add3A_404 = arith.addi %shift_left3A_400, %shift_right_arithmetic3A_403 : vector<16xi32>
        %and3A_405 = arith.constant 7 : i32
        %and3A_406 = vector.broadcast %and3A_405 : i32 to vector<16xi32>
        %and3A_407 = arith.andi %get3A_380, %and3A_406 : vector<16xi32>
        %shift_left3A_408 = arith.constant 7 : i32
        %shift_left3A_409 = vector.broadcast %shift_left3A_408 : i32 to vector<16xi32>
        %shift_left3A_410 = arith.shli %and3A_407, %shift_left3A_409 : vector<16xi32>
        %shift_right_arithmetic3A_411 = arith.constant 3 : i32
        %shift_right_arithmetic3A_412 = vector.broadcast %shift_right_arithmetic3A_411 : i32 to vector<16xi32>
        %shift_right_arithmetic3A_413 = arith.shrsi %get3A_380, %shift_right_arithmetic3A_412 : vector<16xi32>
        %add3A_414 = arith.addi %shift_left3A_410, %shift_right_arithmetic3A_413 : vector<16xi32>
        tpu.vector_store_idx %arg15[%add3A_404], %convert_element_type3A_394 masked %ne3A_381 {add = true} : memref<1024xf32, #tpu.memory_space<vmem>>[vector<16xi32>], vector<16xf32>, vector<16xi1>
        tpu.vector_store_idx %arg14[%add3A_414], %convert_element_type3A_394 masked %and3A_385 {add = true} : memref<1024xf32, #tpu.memory_space<vmem>>[vector<16xi32>], vector<16xf32>, vector<16xi1>
        %get3A_415 = arith.constant 1 : i32
        %get3A_416 = arith.index_cast %get3A_415 : i32 to index
        %get3A_417 = arith.constant 96 : index
        %get3A_418 = tpu.vector_load %arg11[%get3A_416, %get3A_417] {strides = array<i32>} : memref<2x128xi32, #tpu.memory_space<vmem>>, vector<16xi32>,
        %get3A_419 = arith.constant 1 : i32
        %get3A_420 = arith.index_cast %get3A_419 : i32 to index
        %get3A_421 = arith.constant 96 : index
        %get3A_422 = tpu.vector_load %arg12[%get3A_420, %get3A_421] {strides = array<i32>} : memref<2x128xi32, #tpu.memory_space<vmem>>, vector<16xi32>,
        %ne3A_423 = arith.cmpi ne, %get3A_418, %get3A_422 : vector<16xi32>
        %ge3A_424 = arith.constant 0 : i32
        %ge3A_425 = vector.broadcast %ge3A_424 : i32 to vector<16xi32>
        %ge3A_426 = arith.cmpi sge, %get3A_422, %ge3A_425 : vector<16xi32>
        %and3A_427 = arith.andi %ne3A_423, %ge3A_426 : vector<16xi1>
        %mul3A_428 = arith.constant 128 : i32
        %mul3A_429 = arith.muli %add3A_110, %mul3A_428 : i32
        %add3A_430 = arith.constant 96 : i32
        %add3A_431 = arith.addi %mul3A_429, %add3A_430 : i32
        %add3A_432 = arith.constant 1 : i32
        %add3A_433 = arith.addi %add3A_431, %add3A_432 : i32
        %add3A_434 = vector.broadcast %add3A_433 : i32 to vector<16xi32>
        %add3A_435 = arith.addi %iota3A, %add3A_434 : vector<16xi32>
        %convert_element_type3A_436 = arith.sitofp %add3A_435 : vector<16xi32> to vector<16xf32>
        %and3A_437 = arith.constant 7 : i32
        %and3A_438 = vector.broadcast %and3A_437 : i32 to vector<16xi32>
        %and3A_439 = arith.andi %get3A_418, %and3A_438 : vector<16xi32>
        %shift_left3A_440 = arith.constant 7 : i32
        %shift_left3A_441 = vector.broadcast %shift_left3A_440 : i32 to vector<16xi32>
        %shift_left3A_442 = arith.shli %and3A_439, %shift_left3A_441 : vector<16xi32>
        %shift_right_arithmetic3A_443 = arith.constant 3 : i32
        %shift_right_arithmetic3A_444 = vector.broadcast %shift_right_arithmetic3A_443 : i32 to vector<16xi32>
        %shift_right_arithmetic3A_445 = arith.shrsi %get3A_418, %shift_right_arithmetic3A_444 : vector<16xi32>
        %add3A_446 = arith.addi %shift_left3A_442, %shift_right_arithmetic3A_445 : vector<16xi32>
        %and3A_447 = arith.constant 7 : i32
        %and3A_448 = vector.broadcast %and3A_447 : i32 to vector<16xi32>
        %and3A_449 = arith.andi %get3A_422, %and3A_448 : vector<16xi32>
        %shift_left3A_450 = arith.constant 7 : i32
        %shift_left3A_451 = vector.broadcast %shift_left3A_450 : i32 to vector<16xi32>
        %shift_left3A_452 = arith.shli %and3A_449, %shift_left3A_451 : vector<16xi32>
        %shift_right_arithmetic3A_453 = arith.constant 3 : i32
        %shift_right_arithmetic3A_454 = vector.broadcast %shift_right_arithmetic3A_453 : i32 to vector<16xi32>
        %shift_right_arithmetic3A_455 = arith.shrsi %get3A_422, %shift_right_arithmetic3A_454 : vector<16xi32>
        %add3A_456 = arith.addi %shift_left3A_452, %shift_right_arithmetic3A_455 : vector<16xi32>
        tpu.vector_store_idx %arg15[%add3A_446], %convert_element_type3A_436 masked %ne3A_423 {add = true} : memref<1024xf32, #tpu.memory_space<vmem>>[vector<16xi32>], vector<16xf32>, vector<16xi1>
        tpu.vector_store_idx %arg14[%add3A_456], %convert_element_type3A_436 masked %and3A_427 {add = true} : memref<1024xf32, #tpu.memory_space<vmem>>[vector<16xi32>], vector<16xf32>, vector<16xi1>
        %get3A_457 = arith.constant 1 : i32
        %get3A_458 = arith.index_cast %get3A_457 : i32 to index
        %get3A_459 = arith.constant 112 : index
        %get3A_460 = tpu.vector_load %arg11[%get3A_458, %get3A_459] {strides = array<i32>} : memref<2x128xi32, #tpu.memory_space<vmem>>, vector<16xi32>,
        %get3A_461 = arith.constant 1 : i32
        %get3A_462 = arith.index_cast %get3A_461 : i32 to index
        %get3A_463 = arith.constant 112 : index
        %get3A_464 = tpu.vector_load %arg12[%get3A_462, %get3A_463] {strides = array<i32>} : memref<2x128xi32, #tpu.memory_space<vmem>>, vector<16xi32>,
        %ne3A_465 = arith.cmpi ne, %get3A_460, %get3A_464 : vector<16xi32>
        %ge3A_466 = arith.constant 0 : i32
        %ge3A_467 = vector.broadcast %ge3A_466 : i32 to vector<16xi32>
        %ge3A_468 = arith.cmpi sge, %get3A_464, %ge3A_467 : vector<16xi32>
        %and3A_469 = arith.andi %ne3A_465, %ge3A_468 : vector<16xi1>
        %mul3A_470 = arith.constant 128 : i32
        %mul3A_471 = arith.muli %add3A_110, %mul3A_470 : i32
        %add3A_472 = arith.constant 112 : i32
        %add3A_473 = arith.addi %mul3A_471, %add3A_472 : i32
        %add3A_474 = arith.constant 1 : i32
        %add3A_475 = arith.addi %add3A_473, %add3A_474 : i32
        %add3A_476 = vector.broadcast %add3A_475 : i32 to vector<16xi32>
        %add3A_477 = arith.addi %iota3A, %add3A_476 : vector<16xi32>
        %convert_element_type3A_478 = arith.sitofp %add3A_477 : vector<16xi32> to vector<16xf32>
        %and3A_479 = arith.constant 7 : i32
        %and3A_480 = vector.broadcast %and3A_479 : i32 to vector<16xi32>
        %and3A_481 = arith.andi %get3A_460, %and3A_480 : vector<16xi32>
        %shift_left3A_482 = arith.constant 7 : i32
        %shift_left3A_483 = vector.broadcast %shift_left3A_482 : i32 to vector<16xi32>
        %shift_left3A_484 = arith.shli %and3A_481, %shift_left3A_483 : vector<16xi32>
        %shift_right_arithmetic3A_485 = arith.constant 3 : i32
        %shift_right_arithmetic3A_486 = vector.broadcast %shift_right_arithmetic3A_485 : i32 to vector<16xi32>
        %shift_right_arithmetic3A_487 = arith.shrsi %get3A_460, %shift_right_arithmetic3A_486 : vector<16xi32>
        %add3A_488 = arith.addi %shift_left3A_484, %shift_right_arithmetic3A_487 : vector<16xi32>
        %and3A_489 = arith.constant 7 : i32
        %and3A_490 = vector.broadcast %and3A_489 : i32 to vector<16xi32>
        %and3A_491 = arith.andi %get3A_464, %and3A_490 : vector<16xi32>
        %shift_left3A_492 = arith.constant 7 : i32
        %shift_left3A_493 = vector.broadcast %shift_left3A_492 : i32 to vector<16xi32>
        %shift_left3A_494 = arith.shli %and3A_491, %shift_left3A_493 : vector<16xi32>
        %shift_right_arithmetic3A_495 = arith.constant 3 : i32
        %shift_right_arithmetic3A_496 = vector.broadcast %shift_right_arithmetic3A_495 : i32 to vector<16xi32>
        %shift_right_arithmetic3A_497 = arith.shrsi %get3A_464, %shift_right_arithmetic3A_496 : vector<16xi32>
        %add3A_498 = arith.addi %shift_left3A_494, %shift_right_arithmetic3A_497 : vector<16xi32>
        tpu.vector_store_idx %arg15[%add3A_488], %convert_element_type3A_478 masked %ne3A_465 {add = true} : memref<1024xf32, #tpu.memory_space<vmem>>[vector<16xi32>], vector<16xf32>, vector<16xi1>
        tpu.vector_store_idx %arg14[%add3A_498], %convert_element_type3A_478 masked %and3A_469 {add = true} : memref<1024xf32, #tpu.memory_space<vmem>>[vector<16xi32>], vector<16xf32>, vector<16xi1>
        %dma_wait3A_499 = arith.constant 1 : i32
        %dma_wait3A_500 = arith.constant 1 : i32
        %dma_wait3A_501 = arith.constant 0 : i32
        %dma_wait3A_502 = arith.constant 0 : i32
        %dma_wait3A_503 = tpu.memref_slice %arg10[%dma_wait3A_499, %dma_wait3A_501, %dma_wait3A_502] : memref<2x128x128xf32, #tpu.memory_space<vmem>> -> memref<1x128x128xf32, #tpu.memory_space<vmem>>
        %dma_wait3A_504 = tpu.memref_squeeze %dma_wait3A_503 : memref<1x128x128xf32, #tpu.memory_space<vmem>> -> memref<128x128xf32, #tpu.memory_space<vmem>>
        %dma_wait3A_505 = arith.constant 0 : i32
        %dma_wait3A_506 = tpu.memref_slice %arg11[%dma_wait3A_500, %dma_wait3A_505] : memref<2x128xi32, #tpu.memory_space<vmem>> -> memref<1x128xi32, #tpu.memory_space<vmem>>
        %dma_wait3A_507 = tpu.memref_squeeze %dma_wait3A_506 : memref<1x128xi32, #tpu.memory_space<vmem>> -> memref<128xi32, #tpu.memory_space<vmem>>
        %dma_wait3A_508 = arith.constant 0 : i32
        %dma_wait3A_509 = arith.constant 0 : i32
        %dma_wait3A_510 = tpu.memref_slice %arg16[%dma_wait3A_508, %dma_wait3A_509] : memref<1024x128xf32, #tpu.memory_space<vmem_shared>> -> memref<1024x128xf32, #tpu.memory_space<vmem_shared>>
        tpu.wait_indirect_dma semaphore(%arg20 : memref<!tpu.dma_semaphore, #tpu.memory_space<semaphore_mem>>) src(%dma_wait3A_504 : memref<128x128xf32, #tpu.memory_space<vmem>>) dst(%dma_wait3A_510 : memref<1024x128xf32, #tpu.memory_space<vmem_shared>>)
        %add3A_511 = arith.constant 2 : i32
        %add3A_512 = arith.addi %add3A_110, %add3A_511 : i32
        %lt3A_513 = arith.cmpi slt, %add3A_512, %select_n3A_48 : i32
        %convert_element_type3A_514 = arith.extui %lt3A_513 : i1 to i32
        %cond3A_515 = arith.constant 0 : i32
        %cond3A_516 = arith.cmpi ne, %convert_element_type3A_514, %cond3A_515 : i32
        scf.if %cond3A_516 {
          %add3A_517 = arith.constant 2 : i32
          %add3A_518 = arith.addi %add3A_110, %add3A_517 : i32
          %mul3A_519 = arith.constant 128 : i32
          %mul3A_520 = arith.muli %add3A_518, %mul3A_519 : i32
          %dma_start3A_521 = arith.constant 1 : i32
          %dma_start3A_522 = arith.constant 0 : i32
          %dma_start3A_523 = arith.constant 0 : i32
          %dma_start3A_524 = tpu.memref_slice %arg10[%dma_start3A_521, %dma_start3A_522, %dma_start3A_523] : memref<2x128x128xf32, #tpu.memory_space<vmem>> -> memref<1x128x128xf32, #tpu.memory_space<vmem>>
          %dma_start3A_525 = tpu.memref_squeeze %dma_start3A_524 : memref<1x128x128xf32, #tpu.memory_space<vmem>> -> memref<128x128xf32, #tpu.memory_space<vmem>>
          %dma_start3A_526 = arith.constant 0 : i32
          %dma_start3A_527 = tpu.memref_slice %arg2[%mul3A_520, %dma_start3A_526] : memref<320000x128xf32, #tpu.memory_space<hbm>> -> memref<128x128xf32, #tpu.memory_space<hbm>>
          %dma_start3A_528 = arith.constant 0 : i32
          %dma_start3A_529 = arith.constant 0 : i32
          %dma_start3A_530 = tpu.memref_slice %arg10[%dma_start3A_521, %dma_start3A_528, %dma_start3A_529] : memref<2x128x128xf32, #tpu.memory_space<vmem>> -> memref<1x128x128xf32, #tpu.memory_space<vmem>>
          %dma_start3A_531 = tpu.memref_squeeze %dma_start3A_530 : memref<1x128x128xf32, #tpu.memory_space<vmem>> -> memref<128x128xf32, #tpu.memory_space<vmem>>
          %dma_start3A_532 = arith.constant 0 : i32
          %dma_start3A_533 = tpu.memref_slice %arg2[%mul3A_520, %dma_start3A_532] : memref<320000x128xf32, #tpu.memory_space<hbm>> -> memref<128x128xf32, #tpu.memory_space<hbm>>
          tpu.enqueue_dma source(%dma_start3A_533 : memref<128x128xf32, #tpu.memory_space<hbm>>) target(%dma_start3A_531 : memref<128x128xf32, #tpu.memory_space<vmem>>) target_semaphore(%arg18 : memref<!tpu.dma_semaphore, #tpu.memory_space<semaphore_mem>>)
          %dma_start3A_534 = arith.constant 1 : i32
          %dma_start3A_535 = arith.constant 0 : i32
          %dma_start3A_536 = tpu.memref_slice %arg11[%dma_start3A_534, %dma_start3A_535] : memref<2x128xi32, #tpu.memory_space<vmem>> -> memref<1x128xi32, #tpu.memory_space<vmem>>
          %dma_start3A_537 = tpu.memref_squeeze %dma_start3A_536 : memref<1x128xi32, #tpu.memory_space<vmem>> -> memref<128xi32, #tpu.memory_space<vmem>>
          %dma_start3A_538 = arith.constant 0 : i32
          %dma_start3A_539 = tpu.memref_slice %arg3[%add3A_518, %dma_start3A_538] : memref<2500x128xi32, #tpu.memory_space<hbm>> -> memref<1x128xi32, #tpu.memory_space<hbm>>
          %dma_start3A_540 = tpu.memref_squeeze %dma_start3A_539 : memref<1x128xi32, #tpu.memory_space<hbm>> -> memref<128xi32, #tpu.memory_space<hbm>>
          %dma_start3A_541 = arith.constant 0 : i32
          %dma_start3A_542 = tpu.memref_slice %arg11[%dma_start3A_534, %dma_start3A_541] : memref<2x128xi32, #tpu.memory_space<vmem>> -> memref<1x128xi32, #tpu.memory_space<vmem>>
          %dma_start3A_543 = tpu.memref_squeeze %dma_start3A_542 : memref<1x128xi32, #tpu.memory_space<vmem>> -> memref<128xi32, #tpu.memory_space<vmem>>
          %dma_start3A_544 = arith.constant 0 : i32
          %dma_start3A_545 = tpu.memref_slice %arg3[%add3A_518, %dma_start3A_544] : memref<2500x128xi32, #tpu.memory_space<hbm>> -> memref<1x128xi32, #tpu.memory_space<hbm>>
          %dma_start3A_546 = tpu.memref_squeeze %dma_start3A_545 : memref<1x128xi32, #tpu.memory_space<hbm>> -> memref<128xi32, #tpu.memory_space<hbm>>
          tpu.enqueue_dma source(%dma_start3A_546 : memref<128xi32, #tpu.memory_space<hbm>>) target(%dma_start3A_543 : memref<128xi32, #tpu.memory_space<vmem>>) target_semaphore(%arg18 : memref<!tpu.dma_semaphore, #tpu.memory_space<semaphore_mem>>)
          %dma_start3A_547 = arith.constant 1 : i32
          %dma_start3A_548 = arith.constant 0 : i32
          %dma_start3A_549 = tpu.memref_slice %arg12[%dma_start3A_547, %dma_start3A_548] : memref<2x128xi32, #tpu.memory_space<vmem>> -> memref<1x128xi32, #tpu.memory_space<vmem>>
          %dma_start3A_550 = tpu.memref_squeeze %dma_start3A_549 : memref<1x128xi32, #tpu.memory_space<vmem>> -> memref<128xi32, #tpu.memory_space<vmem>>
          %dma_start3A_551 = arith.constant 0 : i32
          %dma_start3A_552 = tpu.memref_slice %arg4[%add3A_518, %dma_start3A_551] : memref<2500x128xi32, #tpu.memory_space<hbm>> -> memref<1x128xi32, #tpu.memory_space<hbm>>
          %dma_start3A_553 = tpu.memref_squeeze %dma_start3A_552 : memref<1x128xi32, #tpu.memory_space<hbm>> -> memref<128xi32, #tpu.memory_space<hbm>>
          %dma_start3A_554 = arith.constant 0 : i32
          %dma_start3A_555 = tpu.memref_slice %arg12[%dma_start3A_547, %dma_start3A_554] : memref<2x128xi32, #tpu.memory_space<vmem>> -> memref<1x128xi32, #tpu.memory_space<vmem>>
          %dma_start3A_556 = tpu.memref_squeeze %dma_start3A_555 : memref<1x128xi32, #tpu.memory_space<vmem>> -> memref<128xi32, #tpu.memory_space<vmem>>
          %dma_start3A_557 = arith.constant 0 : i32
          %dma_start3A_558 = tpu.memref_slice %arg4[%add3A_518, %dma_start3A_557] : memref<2500x128xi32, #tpu.memory_space<hbm>> -> memref<1x128xi32, #tpu.memory_space<hbm>>
          %dma_start3A_559 = tpu.memref_squeeze %dma_start3A_558 : memref<1x128xi32, #tpu.memory_space<hbm>> -> memref<128xi32, #tpu.memory_space<hbm>>
          tpu.enqueue_dma source(%dma_start3A_559 : memref<128xi32, #tpu.memory_space<hbm>>) target(%dma_start3A_556 : memref<128xi32, #tpu.memory_space<vmem>>) target_semaphore(%arg18 : memref<!tpu.dma_semaphore, #tpu.memory_space<semaphore_mem>>)
        } else {
        }
      } else {
      }
      %while3A_115 = arith.constant 0 : i32
      scf.yield %while3A_115 : i32
    }
    %while3A_92 = arith.constant 1 : i32
    %while3A_93 = scf.for %while3A_95 = %while3A_89 to %while3A_85 step %while3A_92 iter_args(%while3A_96 = %while3A_91) -> (i32)  : i32 {
      %mul3A_97 = arith.constant 2 : i32
      %mul3A_98 = arith.muli %mul3A_97, %while3A_95 : i32
      %add3A_99 = arith.addi %select_n3A, %mul3A_98 : i32
      %add3A_100 = arith.constant 0 : i32
      %add3A_101 = arith.addi %add3A_99, %add3A_100 : i32
      %lt3A_102 = arith.cmpi slt, %add3A_101, %select_n3A_48 : i32
      %convert_element_type3A_103 = arith.extui %lt3A_102 : i1 to i32
      %cond3A_104 = arith.constant 0 : i32
      %cond3A_105 = arith.cmpi ne, %convert_element_type3A_103, %cond3A_104 : i32
      scf.if %cond3A_105 {
        %mul3A_116 = arith.constant 128 : i32
        %mul3A_117 = arith.muli %add3A_101, %mul3A_116 : i32
        %dma_wait3A = arith.constant 0 : i32
        %dma_wait3A_118 = arith.constant 0 : i32
        %dma_wait3A_119 = arith.constant 0 : i32
        %dma_wait3A_120 = tpu.memref_slice %arg10[%dma_wait3A, %dma_wait3A_118, %dma_wait3A_119] : memref<2x128x128xf32, #tpu.memory_space<vmem>> -> memref<1x128x128xf32, #tpu.memory_space<vmem>>
        %dma_wait3A_121 = tpu.memref_squeeze %dma_wait3A_120 : memref<1x128x128xf32, #tpu.memory_space<vmem>> -> memref<128x128xf32, #tpu.memory_space<vmem>>
        %dma_wait3A_122 = arith.constant 0 : i32
        %dma_wait3A_123 = tpu.memref_slice %arg2[%mul3A_117, %dma_wait3A_122] : memref<320000x128xf32, #tpu.memory_space<hbm>> -> memref<128x128xf32, #tpu.memory_space<hbm>>
        %dma_wait3A_124 = arith.constant 0 : i32
        %dma_wait3A_125 = arith.constant 0 : i32
        %dma_wait3A_126 = tpu.memref_slice %arg10[%dma_wait3A, %dma_wait3A_124, %dma_wait3A_125] : memref<2x128x128xf32, #tpu.memory_space<vmem>> -> memref<1x128x128xf32, #tpu.memory_space<vmem>>
        %dma_wait3A_127 = tpu.memref_squeeze %dma_wait3A_126 : memref<1x128x128xf32, #tpu.memory_space<vmem>> -> memref<128x128xf32, #tpu.memory_space<vmem>>
        %dma_wait3A_128 = arith.constant 0 : i32
        %dma_wait3A_129 = tpu.memref_slice %arg2[%mul3A_117, %dma_wait3A_128] : memref<320000x128xf32, #tpu.memory_space<hbm>> -> memref<128x128xf32, #tpu.memory_space<hbm>>
        tpu.wait_dma2 semaphore(%arg17 : memref<!tpu.dma_semaphore, #tpu.memory_space<semaphore_mem>>) src(%dma_wait3A_129 : memref<128x128xf32, #tpu.memory_space<hbm>>) dst(%dma_wait3A_127 : memref<128x128xf32, #tpu.memory_space<vmem>>)
        %dma_wait3A_130 = arith.constant 0 : i32
        %dma_wait3A_131 = arith.constant 0 : i32
        %dma_wait3A_132 = tpu.memref_slice %arg11[%dma_wait3A_130, %dma_wait3A_131] : memref<2x128xi32, #tpu.memory_space<vmem>> -> memref<1x128xi32, #tpu.memory_space<vmem>>
        %dma_wait3A_133 = tpu.memref_squeeze %dma_wait3A_132 : memref<1x128xi32, #tpu.memory_space<vmem>> -> memref<128xi32, #tpu.memory_space<vmem>>
        %dma_wait3A_134 = arith.constant 0 : i32
        %dma_wait3A_135 = tpu.memref_slice %arg3[%add3A_101, %dma_wait3A_134] : memref<2500x128xi32, #tpu.memory_space<hbm>> -> memref<1x128xi32, #tpu.memory_space<hbm>>
        %dma_wait3A_136 = tpu.memref_squeeze %dma_wait3A_135 : memref<1x128xi32, #tpu.memory_space<hbm>> -> memref<128xi32, #tpu.memory_space<hbm>>
        %dma_wait3A_137 = arith.constant 0 : i32
        %dma_wait3A_138 = tpu.memref_slice %arg11[%dma_wait3A_130, %dma_wait3A_137] : memref<2x128xi32, #tpu.memory_space<vmem>> -> memref<1x128xi32, #tpu.memory_space<vmem>>
        %dma_wait3A_139 = tpu.memref_squeeze %dma_wait3A_138 : memref<1x128xi32, #tpu.memory_space<vmem>> -> memref<128xi32, #tpu.memory_space<vmem>>
        %dma_wait3A_140 = arith.constant 0 : i32
        %dma_wait3A_141 = tpu.memref_slice %arg3[%add3A_101, %dma_wait3A_140] : memref<2500x128xi32, #tpu.memory_space<hbm>> -> memref<1x128xi32, #tpu.memory_space<hbm>>
        %dma_wait3A_142 = tpu.memref_squeeze %dma_wait3A_141 : memref<1x128xi32, #tpu.memory_space<hbm>> -> memref<128xi32, #tpu.memory_space<hbm>>
        tpu.wait_dma2 semaphore(%arg17 : memref<!tpu.dma_semaphore, #tpu.memory_space<semaphore_mem>>) src(%dma_wait3A_142 : memref<128xi32, #tpu.memory_space<hbm>>) dst(%dma_wait3A_139 : memref<128xi32, #tpu.memory_space<vmem>>)
        %dma_wait3A_143 = arith.constant 0 : i32
        %dma_wait3A_144 = arith.constant 0 : i32
        %dma_wait3A_145 = tpu.memref_slice %arg12[%dma_wait3A_143, %dma_wait3A_144] : memref<2x128xi32, #tpu.memory_space<vmem>> -> memref<1x128xi32, #tpu.memory_space<vmem>>
        %dma_wait3A_146 = tpu.memref_squeeze %dma_wait3A_145 : memref<1x128xi32, #tpu.memory_space<vmem>> -> memref<128xi32, #tpu.memory_space<vmem>>
        %dma_wait3A_147 = arith.constant 0 : i32
        %dma_wait3A_148 = tpu.memref_slice %arg4[%add3A_101, %dma_wait3A_147] : memref<2500x128xi32, #tpu.memory_space<hbm>> -> memref<1x128xi32, #tpu.memory_space<hbm>>
        %dma_wait3A_149 = tpu.memref_squeeze %dma_wait3A_148 : memref<1x128xi32, #tpu.memory_space<hbm>> -> memref<128xi32, #tpu.memory_space<hbm>>
        %dma_wait3A_150 = arith.constant 0 : i32
        %dma_wait3A_151 = tpu.memref_slice %arg12[%dma_wait3A_143, %dma_wait3A_150] : memref<2x128xi32, #tpu.memory_space<vmem>> -> memref<1x128xi32, #tpu.memory_space<vmem>>
        %dma_wait3A_152 = tpu.memref_squeeze %dma_wait3A_151 : memref<1x128xi32, #tpu.memory_space<vmem>> -> memref<128xi32, #tpu.memory_space<vmem>>
        %dma_wait3A_153 = arith.constant 0 : i32
        %dma_wait3A_154 = tpu.memref_slice %arg4[%add3A_101, %dma_wait3A_153] : memref<2500x128xi32, #tpu.memory_space<hbm>> -> memref<1x128xi32, #tpu.memory_space<hbm>>
        %dma_wait3A_155 = tpu.memref_squeeze %dma_wait3A_154 : memref<1x128xi32, #tpu.memory_space<hbm>> -> memref<128xi32, #tpu.memory_space<hbm>>
        tpu.wait_dma2 semaphore(%arg17 : memref<!tpu.dma_semaphore, #tpu.memory_space<semaphore_mem>>) src(%dma_wait3A_155 : memref<128xi32, #tpu.memory_space<hbm>>) dst(%dma_wait3A_152 : memref<128xi32, #tpu.memory_space<vmem>>)
        %dma_start3A = arith.constant 0 : i32
        %dma_start3A_156 = arith.constant 0 : i32
        %dma_start3A_157 = arith.constant 0 : i32
        %dma_start3A_158 = arith.constant 0 : i32
        %dma_start3A_159 = tpu.memref_slice %arg10[%dma_start3A, %dma_start3A_157, %dma_start3A_158] : memref<2x128x128xf32, #tpu.memory_space<vmem>> -> memref<1x128x128xf32, #tpu.memory_space<vmem>>
        %dma_start3A_160 = tpu.memref_squeeze %dma_start3A_159 : memref<1x128x128xf32, #tpu.memory_space<vmem>> -> memref<128x128xf32, #tpu.memory_space<vmem>>
        %dma_start3A_161 = arith.constant 0 : i32
        %dma_start3A_162 = tpu.memref_slice %arg11[%dma_start3A_156, %dma_start3A_161] : memref<2x128xi32, #tpu.memory_space<vmem>> -> memref<1x128xi32, #tpu.memory_space<vmem>>
        %dma_start3A_163 = tpu.memref_squeeze %dma_start3A_162 : memref<1x128xi32, #tpu.memory_space<vmem>> -> memref<128xi32, #tpu.memory_space<vmem>>
        %dma_start3A_164 = arith.constant 0 : i32
        %dma_start3A_165 = arith.constant 0 : i32
        %dma_start3A_166 = tpu.memref_slice %arg16[%dma_start3A_164, %dma_start3A_165] : memref<1024x128xf32, #tpu.memory_space<vmem_shared>> -> memref<1024x128xf32, #tpu.memory_space<vmem_shared>>
        tpu.enqueue_indirect_dma source(%dma_start3A_160 : memref<128x128xf32, #tpu.memory_space<vmem>>) target(%dma_start3A_166 : memref<1024x128xf32, #tpu.memory_space<vmem_shared>>) offsets(%dma_start3A_163 : memref<128xi32, #tpu.memory_space<vmem>>) semaphore(%arg19 : memref<!tpu.dma_semaphore, #tpu.memory_space<semaphore_mem>>) {add = true}
        %get3A = arith.constant 0 : i32
        %get3A_167 = arith.index_cast %get3A : i32 to index
        %get3A_168 = arith.constant 0 : index
        %get3A_169 = tpu.vector_load %arg11[%get3A_167, %get3A_168] {strides = array<i32>} : memref<2x128xi32, #tpu.memory_space<vmem>>, vector<16xi32>,
        %get3A_170 = arith.constant 0 : i32
        %get3A_171 = arith.index_cast %get3A_170 : i32 to index
        %get3A_172 = arith.constant 0 : index
        %get3A_173 = tpu.vector_load %arg12[%get3A_171, %get3A_172] {strides = array<i32>} : memref<2x128xi32, #tpu.memory_space<vmem>>, vector<16xi32>,
        %ne3A_174 = arith.cmpi ne, %get3A_169, %get3A_173 : vector<16xi32>
        %ge3A = arith.constant 0 : i32
        %ge3A_175 = vector.broadcast %ge3A : i32 to vector<16xi32>
        %ge3A_176 = arith.cmpi sge, %get3A_173, %ge3A_175 : vector<16xi32>
        %and3A_177 = arith.andi %ne3A_174, %ge3A_176 : vector<16xi1>
        %mul3A_178 = arith.constant 128 : i32
        %mul3A_179 = arith.muli %add3A_101, %mul3A_178 : i32
        %add3A_180 = arith.constant 0 : i32
        %add3A_181 = arith.addi %mul3A_179, %add3A_180 : i32
        %add3A_182 = arith.constant 1 : i32
        %add3A_183 = arith.addi %add3A_181, %add3A_182 : i32
        %add3A_184 = vector.broadcast %add3A_183 : i32 to vector<16xi32>
        %add3A_185 = arith.addi %iota3A, %add3A_184 : vector<16xi32>
        %convert_element_type3A_186 = arith.sitofp %add3A_185 : vector<16xi32> to vector<16xf32>
        %and3A_187 = arith.constant 7 : i32
        %and3A_188 = vector.broadcast %and3A_187 : i32 to vector<16xi32>
        %and3A_189 = arith.andi %get3A_169, %and3A_188 : vector<16xi32>
        %shift_left3A = arith.constant 7 : i32
        %shift_left3A_190 = vector.broadcast %shift_left3A : i32 to vector<16xi32>
        %shift_left3A_191 = arith.shli %and3A_189, %shift_left3A_190 : vector<16xi32>
        %shift_right_arithmetic3A = arith.constant 3 : i32
        %shift_right_arithmetic3A_192 = vector.broadcast %shift_right_arithmetic3A : i32 to vector<16xi32>
        %shift_right_arithmetic3A_193 = arith.shrsi %get3A_169, %shift_right_arithmetic3A_192 : vector<16xi32>
        %add3A_194 = arith.addi %shift_left3A_191, %shift_right_arithmetic3A_193 : vector<16xi32>
        %and3A_195 = arith.constant 7 : i32
        %and3A_196 = vector.broadcast %and3A_195 : i32 to vector<16xi32>
        %and3A_197 = arith.andi %get3A_173, %and3A_196 : vector<16xi32>
        %shift_left3A_198 = arith.constant 7 : i32
        %shift_left3A_199 = vector.broadcast %shift_left3A_198 : i32 to vector<16xi32>
        %shift_left3A_200 = arith.shli %and3A_197, %shift_left3A_199 : vector<16xi32>
        %shift_right_arithmetic3A_201 = arith.constant 3 : i32
        %shift_right_arithmetic3A_202 = vector.broadcast %shift_right_arithmetic3A_201 : i32 to vector<16xi32>
        %shift_right_arithmetic3A_203 = arith.shrsi %get3A_173, %shift_right_arithmetic3A_202 : vector<16xi32>
        %add3A_204 = arith.addi %shift_left3A_200, %shift_right_arithmetic3A_203 : vector<16xi32>
        tpu.vector_store_idx %arg15[%add3A_194], %convert_element_type3A_186 masked %ne3A_174 {add = true} : memref<1024xf32, #tpu.memory_space<vmem>>[vector<16xi32>], vector<16xf32>, vector<16xi1>
        tpu.vector_store_idx %arg14[%add3A_204], %convert_element_type3A_186 masked %and3A_177 {add = true} : memref<1024xf32, #tpu.memory_space<vmem>>[vector<16xi32>], vector<16xf32>, vector<16xi1>
        %get3A_205 = arith.constant 0 : i32
        %get3A_206 = arith.index_cast %get3A_205 : i32 to index
        %get3A_207 = arith.constant 16 : index
        %get3A_208 = tpu.vector_load %arg11[%get3A_206, %get3A_207] {strides = array<i32>} : memref<2x128xi32, #tpu.memory_space<vmem>>, vector<16xi32>,
        %get3A_209 = arith.constant 0 : i32
        %get3A_210 = arith.index_cast %get3A_209 : i32 to index
        %get3A_211 = arith.constant 16 : index
        %get3A_212 = tpu.vector_load %arg12[%get3A_210, %get3A_211] {strides = array<i32>} : memref<2x128xi32, #tpu.memory_space<vmem>>, vector<16xi32>,
        %ne3A_213 = arith.cmpi ne, %get3A_208, %get3A_212 : vector<16xi32>
        %ge3A_214 = arith.constant 0 : i32
        %ge3A_215 = vector.broadcast %ge3A_214 : i32 to vector<16xi32>
        %ge3A_216 = arith.cmpi sge, %get3A_212, %ge3A_215 : vector<16xi32>
        %and3A_217 = arith.andi %ne3A_213, %ge3A_216 : vector<16xi1>
        %mul3A_218 = arith.constant 128 : i32
        %mul3A_219 = arith.muli %add3A_101, %mul3A_218 : i32
        %add3A_220 = arith.constant 16 : i32
        %add3A_221 = arith.addi %mul3A_219, %add3A_220 : i32
        %add3A_222 = arith.constant 1 : i32
        %add3A_223 = arith.addi %add3A_221, %add3A_222 : i32
        %add3A_224 = vector.broadcast %add3A_223 : i32 to vector<16xi32>
        %add3A_225 = arith.addi %iota3A, %add3A_224 : vector<16xi32>
        %convert_element_type3A_226 = arith.sitofp %add3A_225 : vector<16xi32> to vector<16xf32>
        %and3A_227 = arith.constant 7 : i32
        %and3A_228 = vector.broadcast %and3A_227 : i32 to vector<16xi32>
        %and3A_229 = arith.andi %get3A_208, %and3A_228 : vector<16xi32>
        %shift_left3A_230 = arith.constant 7 : i32
        %shift_left3A_231 = vector.broadcast %shift_left3A_230 : i32 to vector<16xi32>
        %shift_left3A_232 = arith.shli %and3A_229, %shift_left3A_231 : vector<16xi32>
        %shift_right_arithmetic3A_233 = arith.constant 3 : i32
        %shift_right_arithmetic3A_234 = vector.broadcast %shift_right_arithmetic3A_233 : i32 to vector<16xi32>
        %shift_right_arithmetic3A_235 = arith.shrsi %get3A_208, %shift_right_arithmetic3A_234 : vector<16xi32>
        %add3A_236 = arith.addi %shift_left3A_232, %shift_right_arithmetic3A_235 : vector<16xi32>
        %and3A_237 = arith.constant 7 : i32
        %and3A_238 = vector.broadcast %and3A_237 : i32 to vector<16xi32>
        %and3A_239 = arith.andi %get3A_212, %and3A_238 : vector<16xi32>
        %shift_left3A_240 = arith.constant 7 : i32
        %shift_left3A_241 = vector.broadcast %shift_left3A_240 : i32 to vector<16xi32>
        %shift_left3A_242 = arith.shli %and3A_239, %shift_left3A_241 : vector<16xi32>
        %shift_right_arithmetic3A_243 = arith.constant 3 : i32
        %shift_right_arithmetic3A_244 = vector.broadcast %shift_right_arithmetic3A_243 : i32 to vector<16xi32>
        %shift_right_arithmetic3A_245 = arith.shrsi %get3A_212, %shift_right_arithmetic3A_244 : vector<16xi32>
        %add3A_246 = arith.addi %shift_left3A_242, %shift_right_arithmetic3A_245 : vector<16xi32>
        tpu.vector_store_idx %arg15[%add3A_236], %convert_element_type3A_226 masked %ne3A_213 {add = true} : memref<1024xf32, #tpu.memory_space<vmem>>[vector<16xi32>], vector<16xf32>, vector<16xi1>
        tpu.vector_store_idx %arg14[%add3A_246], %convert_element_type3A_226 masked %and3A_217 {add = true} : memref<1024xf32, #tpu.memory_space<vmem>>[vector<16xi32>], vector<16xf32>, vector<16xi1>
        %get3A_247 = arith.constant 0 : i32
        %get3A_248 = arith.index_cast %get3A_247 : i32 to index
        %get3A_249 = arith.constant 32 : index
        %get3A_250 = tpu.vector_load %arg11[%get3A_248, %get3A_249] {strides = array<i32>} : memref<2x128xi32, #tpu.memory_space<vmem>>, vector<16xi32>,
        %get3A_251 = arith.constant 0 : i32
        %get3A_252 = arith.index_cast %get3A_251 : i32 to index
        %get3A_253 = arith.constant 32 : index
        %get3A_254 = tpu.vector_load %arg12[%get3A_252, %get3A_253] {strides = array<i32>} : memref<2x128xi32, #tpu.memory_space<vmem>>, vector<16xi32>,
        %ne3A_255 = arith.cmpi ne, %get3A_250, %get3A_254 : vector<16xi32>
        %ge3A_256 = arith.constant 0 : i32
        %ge3A_257 = vector.broadcast %ge3A_256 : i32 to vector<16xi32>
        %ge3A_258 = arith.cmpi sge, %get3A_254, %ge3A_257 : vector<16xi32>
        %and3A_259 = arith.andi %ne3A_255, %ge3A_258 : vector<16xi1>
        %mul3A_260 = arith.constant 128 : i32
        %mul3A_261 = arith.muli %add3A_101, %mul3A_260 : i32
        %add3A_262 = arith.constant 32 : i32
        %add3A_263 = arith.addi %mul3A_261, %add3A_262 : i32
        %add3A_264 = arith.constant 1 : i32
        %add3A_265 = arith.addi %add3A_263, %add3A_264 : i32
        %add3A_266 = vector.broadcast %add3A_265 : i32 to vector<16xi32>
        %add3A_267 = arith.addi %iota3A, %add3A_266 : vector<16xi32>
        %convert_element_type3A_268 = arith.sitofp %add3A_267 : vector<16xi32> to vector<16xf32>
        %and3A_269 = arith.constant 7 : i32
        %and3A_270 = vector.broadcast %and3A_269 : i32 to vector<16xi32>
        %and3A_271 = arith.andi %get3A_250, %and3A_270 : vector<16xi32>
        %shift_left3A_272 = arith.constant 7 : i32
        %shift_left3A_273 = vector.broadcast %shift_left3A_272 : i32 to vector<16xi32>
        %shift_left3A_274 = arith.shli %and3A_271, %shift_left3A_273 : vector<16xi32>
        %shift_right_arithmetic3A_275 = arith.constant 3 : i32
        %shift_right_arithmetic3A_276 = vector.broadcast %shift_right_arithmetic3A_275 : i32 to vector<16xi32>
        %shift_right_arithmetic3A_277 = arith.shrsi %get3A_250, %shift_right_arithmetic3A_276 : vector<16xi32>
        %add3A_278 = arith.addi %shift_left3A_274, %shift_right_arithmetic3A_277 : vector<16xi32>
        %and3A_279 = arith.constant 7 : i32
        %and3A_280 = vector.broadcast %and3A_279 : i32 to vector<16xi32>
        %and3A_281 = arith.andi %get3A_254, %and3A_280 : vector<16xi32>
        %shift_left3A_282 = arith.constant 7 : i32
        %shift_left3A_283 = vector.broadcast %shift_left3A_282 : i32 to vector<16xi32>
        %shift_left3A_284 = arith.shli %and3A_281, %shift_left3A_283 : vector<16xi32>
        %shift_right_arithmetic3A_285 = arith.constant 3 : i32
        %shift_right_arithmetic3A_286 = vector.broadcast %shift_right_arithmetic3A_285 : i32 to vector<16xi32>
        %shift_right_arithmetic3A_287 = arith.shrsi %get3A_254, %shift_right_arithmetic3A_286 : vector<16xi32>
        %add3A_288 = arith.addi %shift_left3A_284, %shift_right_arithmetic3A_287 : vector<16xi32>
        tpu.vector_store_idx %arg15[%add3A_278], %convert_element_type3A_268 masked %ne3A_255 {add = true} : memref<1024xf32, #tpu.memory_space<vmem>>[vector<16xi32>], vector<16xf32>, vector<16xi1>
        tpu.vector_store_idx %arg14[%add3A_288], %convert_element_type3A_268 masked %and3A_259 {add = true} : memref<1024xf32, #tpu.memory_space<vmem>>[vector<16xi32>], vector<16xf32>, vector<16xi1>
        %get3A_289 = arith.constant 0 : i32
        %get3A_290 = arith.index_cast %get3A_289 : i32 to index
        %get3A_291 = arith.constant 48 : index
        %get3A_292 = tpu.vector_load %arg11[%get3A_290, %get3A_291] {strides = array<i32>} : memref<2x128xi32, #tpu.memory_space<vmem>>, vector<16xi32>,
        %get3A_293 = arith.constant 0 : i32
        %get3A_294 = arith.index_cast %get3A_293 : i32 to index
        %get3A_295 = arith.constant 48 : index
        %get3A_296 = tpu.vector_load %arg12[%get3A_294, %get3A_295] {strides = array<i32>} : memref<2x128xi32, #tpu.memory_space<vmem>>, vector<16xi32>,
        %ne3A_297 = arith.cmpi ne, %get3A_292, %get3A_296 : vector<16xi32>
        %ge3A_298 = arith.constant 0 : i32
        %ge3A_299 = vector.broadcast %ge3A_298 : i32 to vector<16xi32>
        %ge3A_300 = arith.cmpi sge, %get3A_296, %ge3A_299 : vector<16xi32>
        %and3A_301 = arith.andi %ne3A_297, %ge3A_300 : vector<16xi1>
        %mul3A_302 = arith.constant 128 : i32
        %mul3A_303 = arith.muli %add3A_101, %mul3A_302 : i32
        %add3A_304 = arith.constant 48 : i32
        %add3A_305 = arith.addi %mul3A_303, %add3A_304 : i32
        %add3A_306 = arith.constant 1 : i32
        %add3A_307 = arith.addi %add3A_305, %add3A_306 : i32
        %add3A_308 = vector.broadcast %add3A_307 : i32 to vector<16xi32>
        %add3A_309 = arith.addi %iota3A, %add3A_308 : vector<16xi32>
        %convert_element_type3A_310 = arith.sitofp %add3A_309 : vector<16xi32> to vector<16xf32>
        %and3A_311 = arith.constant 7 : i32
        %and3A_312 = vector.broadcast %and3A_311 : i32 to vector<16xi32>
        %and3A_313 = arith.andi %get3A_292, %and3A_312 : vector<16xi32>
        %shift_left3A_314 = arith.constant 7 : i32
        %shift_left3A_315 = vector.broadcast %shift_left3A_314 : i32 to vector<16xi32>
        %shift_left3A_316 = arith.shli %and3A_313, %shift_left3A_315 : vector<16xi32>
        %shift_right_arithmetic3A_317 = arith.constant 3 : i32
        %shift_right_arithmetic3A_318 = vector.broadcast %shift_right_arithmetic3A_317 : i32 to vector<16xi32>
        %shift_right_arithmetic3A_319 = arith.shrsi %get3A_292, %shift_right_arithmetic3A_318 : vector<16xi32>
        %add3A_320 = arith.addi %shift_left3A_316, %shift_right_arithmetic3A_319 : vector<16xi32>
        %and3A_321 = arith.constant 7 : i32
        %and3A_322 = vector.broadcast %and3A_321 : i32 to vector<16xi32>
        %and3A_323 = arith.andi %get3A_296, %and3A_322 : vector<16xi32>
        %shift_left3A_324 = arith.constant 7 : i32
        %shift_left3A_325 = vector.broadcast %shift_left3A_324 : i32 to vector<16xi32>
        %shift_left3A_326 = arith.shli %and3A_323, %shift_left3A_325 : vector<16xi32>
        %shift_right_arithmetic3A_327 = arith.constant 3 : i32
        %shift_right_arithmetic3A_328 = vector.broadcast %shift_right_arithmetic3A_327 : i32 to vector<16xi32>
        %shift_right_arithmetic3A_329 = arith.shrsi %get3A_296, %shift_right_arithmetic3A_328 : vector<16xi32>
        %add3A_330 = arith.addi %shift_left3A_326, %shift_right_arithmetic3A_329 : vector<16xi32>
        tpu.vector_store_idx %arg15[%add3A_320], %convert_element_type3A_310 masked %ne3A_297 {add = true} : memref<1024xf32, #tpu.memory_space<vmem>>[vector<16xi32>], vector<16xf32>, vector<16xi1>
        tpu.vector_store_idx %arg14[%add3A_330], %convert_element_type3A_310 masked %and3A_301 {add = true} : memref<1024xf32, #tpu.memory_space<vmem>>[vector<16xi32>], vector<16xf32>, vector<16xi1>
        %get3A_331 = arith.constant 0 : i32
        %get3A_332 = arith.index_cast %get3A_331 : i32 to index
        %get3A_333 = arith.constant 64 : index
        %get3A_334 = tpu.vector_load %arg11[%get3A_332, %get3A_333] {strides = array<i32>} : memref<2x128xi32, #tpu.memory_space<vmem>>, vector<16xi32>,
        %get3A_335 = arith.constant 0 : i32
        %get3A_336 = arith.index_cast %get3A_335 : i32 to index
        %get3A_337 = arith.constant 64 : index
        %get3A_338 = tpu.vector_load %arg12[%get3A_336, %get3A_337] {strides = array<i32>} : memref<2x128xi32, #tpu.memory_space<vmem>>, vector<16xi32>,
        %ne3A_339 = arith.cmpi ne, %get3A_334, %get3A_338 : vector<16xi32>
        %ge3A_340 = arith.constant 0 : i32
        %ge3A_341 = vector.broadcast %ge3A_340 : i32 to vector<16xi32>
        %ge3A_342 = arith.cmpi sge, %get3A_338, %ge3A_341 : vector<16xi32>
        %and3A_343 = arith.andi %ne3A_339, %ge3A_342 : vector<16xi1>
        %mul3A_344 = arith.constant 128 : i32
        %mul3A_345 = arith.muli %add3A_101, %mul3A_344 : i32
        %add3A_346 = arith.constant 64 : i32
        %add3A_347 = arith.addi %mul3A_345, %add3A_346 : i32
        %add3A_348 = arith.constant 1 : i32
        %add3A_349 = arith.addi %add3A_347, %add3A_348 : i32
        %add3A_350 = vector.broadcast %add3A_349 : i32 to vector<16xi32>
        %add3A_351 = arith.addi %iota3A, %add3A_350 : vector<16xi32>
        %convert_element_type3A_352 = arith.sitofp %add3A_351 : vector<16xi32> to vector<16xf32>
        %and3A_353 = arith.constant 7 : i32
        %and3A_354 = vector.broadcast %and3A_353 : i32 to vector<16xi32>
        %and3A_355 = arith.andi %get3A_334, %and3A_354 : vector<16xi32>
        %shift_left3A_356 = arith.constant 7 : i32
        %shift_left3A_357 = vector.broadcast %shift_left3A_356 : i32 to vector<16xi32>
        %shift_left3A_358 = arith.shli %and3A_355, %shift_left3A_357 : vector<16xi32>
        %shift_right_arithmetic3A_359 = arith.constant 3 : i32
        %shift_right_arithmetic3A_360 = vector.broadcast %shift_right_arithmetic3A_359 : i32 to vector<16xi32>
        %shift_right_arithmetic3A_361 = arith.shrsi %get3A_334, %shift_right_arithmetic3A_360 : vector<16xi32>
        %add3A_362 = arith.addi %shift_left3A_358, %shift_right_arithmetic3A_361 : vector<16xi32>
        %and3A_363 = arith.constant 7 : i32
        %and3A_364 = vector.broadcast %and3A_363 : i32 to vector<16xi32>
        %and3A_365 = arith.andi %get3A_338, %and3A_364 : vector<16xi32>
        %shift_left3A_366 = arith.constant 7 : i32
        %shift_left3A_367 = vector.broadcast %shift_left3A_366 : i32 to vector<16xi32>
        %shift_left3A_368 = arith.shli %and3A_365, %shift_left3A_367 : vector<16xi32>
        %shift_right_arithmetic3A_369 = arith.constant 3 : i32
        %shift_right_arithmetic3A_370 = vector.broadcast %shift_right_arithmetic3A_369 : i32 to vector<16xi32>
        %shift_right_arithmetic3A_371 = arith.shrsi %get3A_338, %shift_right_arithmetic3A_370 : vector<16xi32>
        %add3A_372 = arith.addi %shift_left3A_368, %shift_right_arithmetic3A_371 : vector<16xi32>
        tpu.vector_store_idx %arg15[%add3A_362], %convert_element_type3A_352 masked %ne3A_339 {add = true} : memref<1024xf32, #tpu.memory_space<vmem>>[vector<16xi32>], vector<16xf32>, vector<16xi1>
        tpu.vector_store_idx %arg14[%add3A_372], %convert_element_type3A_352 masked %and3A_343 {add = true} : memref<1024xf32, #tpu.memory_space<vmem>>[vector<16xi32>], vector<16xf32>, vector<16xi1>
        %get3A_373 = arith.constant 0 : i32
        %get3A_374 = arith.index_cast %get3A_373 : i32 to index
        %get3A_375 = arith.constant 80 : index
        %get3A_376 = tpu.vector_load %arg11[%get3A_374, %get3A_375] {strides = array<i32>} : memref<2x128xi32, #tpu.memory_space<vmem>>, vector<16xi32>,
        %get3A_377 = arith.constant 0 : i32
        %get3A_378 = arith.index_cast %get3A_377 : i32 to index
        %get3A_379 = arith.constant 80 : index
        %get3A_380 = tpu.vector_load %arg12[%get3A_378, %get3A_379] {strides = array<i32>} : memref<2x128xi32, #tpu.memory_space<vmem>>, vector<16xi32>,
        %ne3A_381 = arith.cmpi ne, %get3A_376, %get3A_380 : vector<16xi32>
        %ge3A_382 = arith.constant 0 : i32
        %ge3A_383 = vector.broadcast %ge3A_382 : i32 to vector<16xi32>
        %ge3A_384 = arith.cmpi sge, %get3A_380, %ge3A_383 : vector<16xi32>
        %and3A_385 = arith.andi %ne3A_381, %ge3A_384 : vector<16xi1>
        %mul3A_386 = arith.constant 128 : i32
        %mul3A_387 = arith.muli %add3A_101, %mul3A_386 : i32
        %add3A_388 = arith.constant 80 : i32
        %add3A_389 = arith.addi %mul3A_387, %add3A_388 : i32
        %add3A_390 = arith.constant 1 : i32
        %add3A_391 = arith.addi %add3A_389, %add3A_390 : i32
        %add3A_392 = vector.broadcast %add3A_391 : i32 to vector<16xi32>
        %add3A_393 = arith.addi %iota3A, %add3A_392 : vector<16xi32>
        %convert_element_type3A_394 = arith.sitofp %add3A_393 : vector<16xi32> to vector<16xf32>
        %and3A_395 = arith.constant 7 : i32
        %and3A_396 = vector.broadcast %and3A_395 : i32 to vector<16xi32>
        %and3A_397 = arith.andi %get3A_376, %and3A_396 : vector<16xi32>
        %shift_left3A_398 = arith.constant 7 : i32
        %shift_left3A_399 = vector.broadcast %shift_left3A_398 : i32 to vector<16xi32>
        %shift_left3A_400 = arith.shli %and3A_397, %shift_left3A_399 : vector<16xi32>
        %shift_right_arithmetic3A_401 = arith.constant 3 : i32
        %shift_right_arithmetic3A_402 = vector.broadcast %shift_right_arithmetic3A_401 : i32 to vector<16xi32>
        %shift_right_arithmetic3A_403 = arith.shrsi %get3A_376, %shift_right_arithmetic3A_402 : vector<16xi32>
        %add3A_404 = arith.addi %shift_left3A_400, %shift_right_arithmetic3A_403 : vector<16xi32>
        %and3A_405 = arith.constant 7 : i32
        %and3A_406 = vector.broadcast %and3A_405 : i32 to vector<16xi32>
        %and3A_407 = arith.andi %get3A_380, %and3A_406 : vector<16xi32>
        %shift_left3A_408 = arith.constant 7 : i32
        %shift_left3A_409 = vector.broadcast %shift_left3A_408 : i32 to vector<16xi32>
        %shift_left3A_410 = arith.shli %and3A_407, %shift_left3A_409 : vector<16xi32>
        %shift_right_arithmetic3A_411 = arith.constant 3 : i32
        %shift_right_arithmetic3A_412 = vector.broadcast %shift_right_arithmetic3A_411 : i32 to vector<16xi32>
        %shift_right_arithmetic3A_413 = arith.shrsi %get3A_380, %shift_right_arithmetic3A_412 : vector<16xi32>
        %add3A_414 = arith.addi %shift_left3A_410, %shift_right_arithmetic3A_413 : vector<16xi32>
        tpu.vector_store_idx %arg15[%add3A_404], %convert_element_type3A_394 masked %ne3A_381 {add = true} : memref<1024xf32, #tpu.memory_space<vmem>>[vector<16xi32>], vector<16xf32>, vector<16xi1>
        tpu.vector_store_idx %arg14[%add3A_414], %convert_element_type3A_394 masked %and3A_385 {add = true} : memref<1024xf32, #tpu.memory_space<vmem>>[vector<16xi32>], vector<16xf32>, vector<16xi1>
        %get3A_415 = arith.constant 0 : i32
        %get3A_416 = arith.index_cast %get3A_415 : i32 to index
        %get3A_417 = arith.constant 96 : index
        %get3A_418 = tpu.vector_load %arg11[%get3A_416, %get3A_417] {strides = array<i32>} : memref<2x128xi32, #tpu.memory_space<vmem>>, vector<16xi32>,
        %get3A_419 = arith.constant 0 : i32
        %get3A_420 = arith.index_cast %get3A_419 : i32 to index
        %get3A_421 = arith.constant 96 : index
        %get3A_422 = tpu.vector_load %arg12[%get3A_420, %get3A_421] {strides = array<i32>} : memref<2x128xi32, #tpu.memory_space<vmem>>, vector<16xi32>,
        %ne3A_423 = arith.cmpi ne, %get3A_418, %get3A_422 : vector<16xi32>
        %ge3A_424 = arith.constant 0 : i32
        %ge3A_425 = vector.broadcast %ge3A_424 : i32 to vector<16xi32>
        %ge3A_426 = arith.cmpi sge, %get3A_422, %ge3A_425 : vector<16xi32>
        %and3A_427 = arith.andi %ne3A_423, %ge3A_426 : vector<16xi1>
        %mul3A_428 = arith.constant 128 : i32
        %mul3A_429 = arith.muli %add3A_101, %mul3A_428 : i32
        %add3A_430 = arith.constant 96 : i32
        %add3A_431 = arith.addi %mul3A_429, %add3A_430 : i32
        %add3A_432 = arith.constant 1 : i32
        %add3A_433 = arith.addi %add3A_431, %add3A_432 : i32
        %add3A_434 = vector.broadcast %add3A_433 : i32 to vector<16xi32>
        %add3A_435 = arith.addi %iota3A, %add3A_434 : vector<16xi32>
        %convert_element_type3A_436 = arith.sitofp %add3A_435 : vector<16xi32> to vector<16xf32>
        %and3A_437 = arith.constant 7 : i32
        %and3A_438 = vector.broadcast %and3A_437 : i32 to vector<16xi32>
        %and3A_439 = arith.andi %get3A_418, %and3A_438 : vector<16xi32>
        %shift_left3A_440 = arith.constant 7 : i32
        %shift_left3A_441 = vector.broadcast %shift_left3A_440 : i32 to vector<16xi32>
        %shift_left3A_442 = arith.shli %and3A_439, %shift_left3A_441 : vector<16xi32>
        %shift_right_arithmetic3A_443 = arith.constant 3 : i32
        %shift_right_arithmetic3A_444 = vector.broadcast %shift_right_arithmetic3A_443 : i32 to vector<16xi32>
        %shift_right_arithmetic3A_445 = arith.shrsi %get3A_418, %shift_right_arithmetic3A_444 : vector<16xi32>
        %add3A_446 = arith.addi %shift_left3A_442, %shift_right_arithmetic3A_445 : vector<16xi32>
        %and3A_447 = arith.constant 7 : i32
        %and3A_448 = vector.broadcast %and3A_447 : i32 to vector<16xi32>
        %and3A_449 = arith.andi %get3A_422, %and3A_448 : vector<16xi32>
        %shift_left3A_450 = arith.constant 7 : i32
        %shift_left3A_451 = vector.broadcast %shift_left3A_450 : i32 to vector<16xi32>
        %shift_left3A_452 = arith.shli %and3A_449, %shift_left3A_451 : vector<16xi32>
        %shift_right_arithmetic3A_453 = arith.constant 3 : i32
        %shift_right_arithmetic3A_454 = vector.broadcast %shift_right_arithmetic3A_453 : i32 to vector<16xi32>
        %shift_right_arithmetic3A_455 = arith.shrsi %get3A_422, %shift_right_arithmetic3A_454 : vector<16xi32>
        %add3A_456 = arith.addi %shift_left3A_452, %shift_right_arithmetic3A_455 : vector<16xi32>
        tpu.vector_store_idx %arg15[%add3A_446], %convert_element_type3A_436 masked %ne3A_423 {add = true} : memref<1024xf32, #tpu.memory_space<vmem>>[vector<16xi32>], vector<16xf32>, vector<16xi1>
        tpu.vector_store_idx %arg14[%add3A_456], %convert_element_type3A_436 masked %and3A_427 {add = true} : memref<1024xf32, #tpu.memory_space<vmem>>[vector<16xi32>], vector<16xf32>, vector<16xi1>
        %get3A_457 = arith.constant 0 : i32
        %get3A_458 = arith.index_cast %get3A_457 : i32 to index
        %get3A_459 = arith.constant 112 : index
        %get3A_460 = tpu.vector_load %arg11[%get3A_458, %get3A_459] {strides = array<i32>} : memref<2x128xi32, #tpu.memory_space<vmem>>, vector<16xi32>,
        %get3A_461 = arith.constant 0 : i32
        %get3A_462 = arith.index_cast %get3A_461 : i32 to index
        %get3A_463 = arith.constant 112 : index
        %get3A_464 = tpu.vector_load %arg12[%get3A_462, %get3A_463] {strides = array<i32>} : memref<2x128xi32, #tpu.memory_space<vmem>>, vector<16xi32>,
        %ne3A_465 = arith.cmpi ne, %get3A_460, %get3A_464 : vector<16xi32>
        %ge3A_466 = arith.constant 0 : i32
        %ge3A_467 = vector.broadcast %ge3A_466 : i32 to vector<16xi32>
        %ge3A_468 = arith.cmpi sge, %get3A_464, %ge3A_467 : vector<16xi32>
        %and3A_469 = arith.andi %ne3A_465, %ge3A_468 : vector<16xi1>
        %mul3A_470 = arith.constant 128 : i32
        %mul3A_471 = arith.muli %add3A_101, %mul3A_470 : i32
        %add3A_472 = arith.constant 112 : i32
        %add3A_473 = arith.addi %mul3A_471, %add3A_472 : i32
        %add3A_474 = arith.constant 1 : i32
        %add3A_475 = arith.addi %add3A_473, %add3A_474 : i32
        %add3A_476 = vector.broadcast %add3A_475 : i32 to vector<16xi32>
        %add3A_477 = arith.addi %iota3A, %add3A_476 : vector<16xi32>
        %convert_element_type3A_478 = arith.sitofp %add3A_477 : vector<16xi32> to vector<16xf32>
        %and3A_479 = arith.constant 7 : i32
        %and3A_480 = vector.broadcast %and3A_479 : i32 to vector<16xi32>
        %and3A_481 = arith.andi %get3A_460, %and3A_480 : vector<16xi32>
        %shift_left3A_482 = arith.constant 7 : i32
        %shift_left3A_483 = vector.broadcast %shift_left3A_482 : i32 to vector<16xi32>
        %shift_left3A_484 = arith.shli %and3A_481, %shift_left3A_483 : vector<16xi32>
        %shift_right_arithmetic3A_485 = arith.constant 3 : i32
        %shift_right_arithmetic3A_486 = vector.broadcast %shift_right_arithmetic3A_485 : i32 to vector<16xi32>
        %shift_right_arithmetic3A_487 = arith.shrsi %get3A_460, %shift_right_arithmetic3A_486 : vector<16xi32>
        %add3A_488 = arith.addi %shift_left3A_484, %shift_right_arithmetic3A_487 : vector<16xi32>
        %and3A_489 = arith.constant 7 : i32
        %and3A_490 = vector.broadcast %and3A_489 : i32 to vector<16xi32>
        %and3A_491 = arith.andi %get3A_464, %and3A_490 : vector<16xi32>
        %shift_left3A_492 = arith.constant 7 : i32
        %shift_left3A_493 = vector.broadcast %shift_left3A_492 : i32 to vector<16xi32>
        %shift_left3A_494 = arith.shli %and3A_491, %shift_left3A_493 : vector<16xi32>
        %shift_right_arithmetic3A_495 = arith.constant 3 : i32
        %shift_right_arithmetic3A_496 = vector.broadcast %shift_right_arithmetic3A_495 : i32 to vector<16xi32>
        %shift_right_arithmetic3A_497 = arith.shrsi %get3A_464, %shift_right_arithmetic3A_496 : vector<16xi32>
        %add3A_498 = arith.addi %shift_left3A_494, %shift_right_arithmetic3A_497 : vector<16xi32>
        tpu.vector_store_idx %arg15[%add3A_488], %convert_element_type3A_478 masked %ne3A_465 {add = true} : memref<1024xf32, #tpu.memory_space<vmem>>[vector<16xi32>], vector<16xf32>, vector<16xi1>
        tpu.vector_store_idx %arg14[%add3A_498], %convert_element_type3A_478 masked %and3A_469 {add = true} : memref<1024xf32, #tpu.memory_space<vmem>>[vector<16xi32>], vector<16xf32>, vector<16xi1>
        %dma_wait3A_499 = arith.constant 0 : i32
        %dma_wait3A_500 = arith.constant 0 : i32
        %dma_wait3A_501 = arith.constant 0 : i32
        %dma_wait3A_502 = arith.constant 0 : i32
        %dma_wait3A_503 = tpu.memref_slice %arg10[%dma_wait3A_499, %dma_wait3A_501, %dma_wait3A_502] : memref<2x128x128xf32, #tpu.memory_space<vmem>> -> memref<1x128x128xf32, #tpu.memory_space<vmem>>
        %dma_wait3A_504 = tpu.memref_squeeze %dma_wait3A_503 : memref<1x128x128xf32, #tpu.memory_space<vmem>> -> memref<128x128xf32, #tpu.memory_space<vmem>>
        %dma_wait3A_505 = arith.constant 0 : i32
        %dma_wait3A_506 = tpu.memref_slice %arg11[%dma_wait3A_500, %dma_wait3A_505] : memref<2x128xi32, #tpu.memory_space<vmem>> -> memref<1x128xi32, #tpu.memory_space<vmem>>
        %dma_wait3A_507 = tpu.memref_squeeze %dma_wait3A_506 : memref<1x128xi32, #tpu.memory_space<vmem>> -> memref<128xi32, #tpu.memory_space<vmem>>
        %dma_wait3A_508 = arith.constant 0 : i32
        %dma_wait3A_509 = arith.constant 0 : i32
        %dma_wait3A_510 = tpu.memref_slice %arg16[%dma_wait3A_508, %dma_wait3A_509] : memref<1024x128xf32, #tpu.memory_space<vmem_shared>> -> memref<1024x128xf32, #tpu.memory_space<vmem_shared>>
        tpu.wait_indirect_dma semaphore(%arg19 : memref<!tpu.dma_semaphore, #tpu.memory_space<semaphore_mem>>) src(%dma_wait3A_504 : memref<128x128xf32, #tpu.memory_space<vmem>>) dst(%dma_wait3A_510 : memref<1024x128xf32, #tpu.memory_space<vmem_shared>>)
        %add3A_511 = arith.constant 2 : i32
        %add3A_512 = arith.addi %add3A_101, %add3A_511 : i32
        %lt3A_513 = arith.cmpi slt, %add3A_512, %select_n3A_48 : i32
        %convert_element_type3A_514 = arith.extui %lt3A_513 : i1 to i32
        %cond3A_515 = arith.constant 0 : i32
        %cond3A_516 = arith.cmpi ne, %convert_element_type3A_514, %cond3A_515 : i32
        scf.if %cond3A_516 {
          %add3A_517 = arith.constant 2 : i32
          %add3A_518 = arith.addi %add3A_101, %add3A_517 : i32
          %mul3A_519 = arith.constant 128 : i32
          %mul3A_520 = arith.muli %add3A_518, %mul3A_519 : i32
          %dma_start3A_521 = arith.constant 0 : i32
          %dma_start3A_522 = arith.constant 0 : i32
          %dma_start3A_523 = arith.constant 0 : i32
          %dma_start3A_524 = tpu.memref_slice %arg10[%dma_start3A_521, %dma_start3A_522, %dma_start3A_523] : memref<2x128x128xf32, #tpu.memory_space<vmem>> -> memref<1x128x128xf32, #tpu.memory_space<vmem>>
          %dma_start3A_525 = tpu.memref_squeeze %dma_start3A_524 : memref<1x128x128xf32, #tpu.memory_space<vmem>> -> memref<128x128xf32, #tpu.memory_space<vmem>>
          %dma_start3A_526 = arith.constant 0 : i32
          %dma_start3A_527 = tpu.memref_slice %arg2[%mul3A_520, %dma_start3A_526] : memref<320000x128xf32, #tpu.memory_space<hbm>> -> memref<128x128xf32, #tpu.memory_space<hbm>>
          %dma_start3A_528 = arith.constant 0 : i32
          %dma_start3A_529 = arith.constant 0 : i32
          %dma_start3A_530 = tpu.memref_slice %arg10[%dma_start3A_521, %dma_start3A_528, %dma_start3A_529] : memref<2x128x128xf32, #tpu.memory_space<vmem>> -> memref<1x128x128xf32, #tpu.memory_space<vmem>>
          %dma_start3A_531 = tpu.memref_squeeze %dma_start3A_530 : memref<1x128x128xf32, #tpu.memory_space<vmem>> -> memref<128x128xf32, #tpu.memory_space<vmem>>
          %dma_start3A_532 = arith.constant 0 : i32
          %dma_start3A_533 = tpu.memref_slice %arg2[%mul3A_520, %dma_start3A_532] : memref<320000x128xf32, #tpu.memory_space<hbm>> -> memref<128x128xf32, #tpu.memory_space<hbm>>
          tpu.enqueue_dma source(%dma_start3A_533 : memref<128x128xf32, #tpu.memory_space<hbm>>) target(%dma_start3A_531 : memref<128x128xf32, #tpu.memory_space<vmem>>) target_semaphore(%arg17 : memref<!tpu.dma_semaphore, #tpu.memory_space<semaphore_mem>>)
          %dma_start3A_534 = arith.constant 0 : i32
          %dma_start3A_535 = arith.constant 0 : i32
          %dma_start3A_536 = tpu.memref_slice %arg11[%dma_start3A_534, %dma_start3A_535] : memref<2x128xi32, #tpu.memory_space<vmem>> -> memref<1x128xi32, #tpu.memory_space<vmem>>
          %dma_start3A_537 = tpu.memref_squeeze %dma_start3A_536 : memref<1x128xi32, #tpu.memory_space<vmem>> -> memref<128xi32, #tpu.memory_space<vmem>>
          %dma_start3A_538 = arith.constant 0 : i32
          %dma_start3A_539 = tpu.memref_slice %arg3[%add3A_518, %dma_start3A_538] : memref<2500x128xi32, #tpu.memory_space<hbm>> -> memref<1x128xi32, #tpu.memory_space<hbm>>
          %dma_start3A_540 = tpu.memref_squeeze %dma_start3A_539 : memref<1x128xi32, #tpu.memory_space<hbm>> -> memref<128xi32, #tpu.memory_space<hbm>>
          %dma_start3A_541 = arith.constant 0 : i32
          %dma_start3A_542 = tpu.memref_slice %arg11[%dma_start3A_534, %dma_start3A_541] : memref<2x128xi32, #tpu.memory_space<vmem>> -> memref<1x128xi32, #tpu.memory_space<vmem>>
          %dma_start3A_543 = tpu.memref_squeeze %dma_start3A_542 : memref<1x128xi32, #tpu.memory_space<vmem>> -> memref<128xi32, #tpu.memory_space<vmem>>
          %dma_start3A_544 = arith.constant 0 : i32
          %dma_start3A_545 = tpu.memref_slice %arg3[%add3A_518, %dma_start3A_544] : memref<2500x128xi32, #tpu.memory_space<hbm>> -> memref<1x128xi32, #tpu.memory_space<hbm>>
          %dma_start3A_546 = tpu.memref_squeeze %dma_start3A_545 : memref<1x128xi32, #tpu.memory_space<hbm>> -> memref<128xi32, #tpu.memory_space<hbm>>
          tpu.enqueue_dma source(%dma_start3A_546 : memref<128xi32, #tpu.memory_space<hbm>>) target(%dma_start3A_543 : memref<128xi32, #tpu.memory_space<vmem>>) target_semaphore(%arg17 : memref<!tpu.dma_semaphore, #tpu.memory_space<semaphore_mem>>)
          %dma_start3A_547 = arith.constant 0 : i32
          %dma_start3A_548 = arith.constant 0 : i32
          %dma_start3A_549 = tpu.memref_slice %arg12[%dma_start3A_547, %dma_start3A_548] : memref<2x128xi32, #tpu.memory_space<vmem>> -> memref<1x128xi32, #tpu.memory_space<vmem>>
          %dma_start3A_550 = tpu.memref_squeeze %dma_start3A_549 : memref<1x128xi32, #tpu.memory_space<vmem>> -> memref<128xi32, #tpu.memory_space<vmem>>
          %dma_start3A_551 = arith.constant 0 : i32
          %dma_start3A_552 = tpu.memref_slice %arg4[%add3A_518, %dma_start3A_551] : memref<2500x128xi32, #tpu.memory_space<hbm>> -> memref<1x128xi32, #tpu.memory_space<hbm>>
          %dma_start3A_553 = tpu.memref_squeeze %dma_start3A_552 : memref<1x128xi32, #tpu.memory_space<hbm>> -> memref<128xi32, #tpu.memory_space<hbm>>
          %dma_start3A_554 = arith.constant 0 : i32
          %dma_start3A_555 = tpu.memref_slice %arg12[%dma_start3A_547, %dma_start3A_554] : memref<2x128xi32, #tpu.memory_space<vmem>> -> memref<1x128xi32, #tpu.memory_space<vmem>>
          %dma_start3A_556 = tpu.memref_squeeze %dma_start3A_555 : memref<1x128xi32, #tpu.memory_space<vmem>> -> memref<128xi32, #tpu.memory_space<vmem>>
          %dma_start3A_557 = arith.constant 0 : i32
          %dma_start3A_558 = tpu.memref_slice %arg4[%add3A_518, %dma_start3A_557] : memref<2500x128xi32, #tpu.memory_space<hbm>> -> memref<1x128xi32, #tpu.memory_space<hbm>>
          %dma_start3A_559 = tpu.memref_squeeze %dma_start3A_558 : memref<1x128xi32, #tpu.memory_space<hbm>> -> memref<128xi32, #tpu.memory_space<hbm>>
          tpu.enqueue_dma source(%dma_start3A_559 : memref<128xi32, #tpu.memory_space<hbm>>) target(%dma_start3A_556 : memref<128xi32, #tpu.memory_space<vmem>>) target_semaphore(%arg17 : memref<!tpu.dma_semaphore, #tpu.memory_space<semaphore_mem>>)
        } else {
        }
      } else {
      }
      %mul3A_106 = arith.constant 2 : i32
      %mul3A_107 = arith.muli %mul3A_106, %while3A_95 : i32
      %add3A_108 = arith.addi %select_n3A, %mul3A_107 : i32
      %add3A_109 = arith.constant 1 : i32
      %add3A_110 = arith.addi %add3A_108, %add3A_109 : i32
      %lt3A_111 = arith.cmpi slt, %add3A_110, %select_n3A_48 : i32
      %convert_element_type3A_112 = arith.extui %lt3A_111 : i1 to i32
      %cond3A_113 = arith.constant 0 : i32
      %cond3A_114 = arith.cmpi ne, %convert_element_type3A_112, %cond3A_113 : i32
      scf.if %cond3A_114 {
        %mul3A_116 = arith.constant 128 : i32
        %mul3A_117 = arith.muli %add3A_110, %mul3A_116 : i32
        %dma_wait3A = arith.constant 1 : i32
        %dma_wait3A_118 = arith.constant 0 : i32
        %dma_wait3A_119 = arith.constant 0 : i32
        %dma_wait3A_120 = tpu.memref_slice %arg10[%dma_wait3A, %dma_wait3A_118, %dma_wait3A_119] : memref<2x128x128xf32, #tpu.memory_space<vmem>> -> memref<1x128x128xf32, #tpu.memory_space<vmem>>
        %dma_wait3A_121 = tpu.memref_squeeze %dma_wait3A_120 : memref<1x128x128xf32, #tpu.memory_space<vmem>> -> memref<128x128xf32, #tpu.memory_space<vmem>>
        %dma_wait3A_122 = arith.constant 0 : i32
        %dma_wait3A_123 = tpu.memref_slice %arg2[%mul3A_117, %dma_wait3A_122] : memref<320000x128xf32, #tpu.memory_space<hbm>> -> memref<128x128xf32, #tpu.memory_space<hbm>>
        %dma_wait3A_124 = arith.constant 0 : i32
        %dma_wait3A_125 = arith.constant 0 : i32
        %dma_wait3A_126 = tpu.memref_slice %arg10[%dma_wait3A, %dma_wait3A_124, %dma_wait3A_125] : memref<2x128x128xf32, #tpu.memory_space<vmem>> -> memref<1x128x128xf32, #tpu.memory_space<vmem>>
        %dma_wait3A_127 = tpu.memref_squeeze %dma_wait3A_126 : memref<1x128x128xf32, #tpu.memory_space<vmem>> -> memref<128x128xf32, #tpu.memory_space<vmem>>
        %dma_wait3A_128 = arith.constant 0 : i32
        %dma_wait3A_129 = tpu.memref_slice %arg2[%mul3A_117, %dma_wait3A_128] : memref<320000x128xf32, #tpu.memory_space<hbm>> -> memref<128x128xf32, #tpu.memory_space<hbm>>
        tpu.wait_dma2 semaphore(%arg18 : memref<!tpu.dma_semaphore, #tpu.memory_space<semaphore_mem>>) src(%dma_wait3A_129 : memref<128x128xf32, #tpu.memory_space<hbm>>) dst(%dma_wait3A_127 : memref<128x128xf32, #tpu.memory_space<vmem>>)
        %dma_wait3A_130 = arith.constant 1 : i32
        %dma_wait3A_131 = arith.constant 0 : i32
        %dma_wait3A_132 = tpu.memref_slice %arg11[%dma_wait3A_130, %dma_wait3A_131] : memref<2x128xi32, #tpu.memory_space<vmem>> -> memref<1x128xi32, #tpu.memory_space<vmem>>
        %dma_wait3A_133 = tpu.memref_squeeze %dma_wait3A_132 : memref<1x128xi32, #tpu.memory_space<vmem>> -> memref<128xi32, #tpu.memory_space<vmem>>
        %dma_wait3A_134 = arith.constant 0 : i32
        %dma_wait3A_135 = tpu.memref_slice %arg3[%add3A_110, %dma_wait3A_134] : memref<2500x128xi32, #tpu.memory_space<hbm>> -> memref<1x128xi32, #tpu.memory_space<hbm>>
        %dma_wait3A_136 = tpu.memref_squeeze %dma_wait3A_135 : memref<1x128xi32, #tpu.memory_space<hbm>> -> memref<128xi32, #tpu.memory_space<hbm>>
        %dma_wait3A_137 = arith.constant 0 : i32
        %dma_wait3A_138 = tpu.memref_slice %arg11[%dma_wait3A_130, %dma_wait3A_137] : memref<2x128xi32, #tpu.memory_space<vmem>> -> memref<1x128xi32, #tpu.memory_space<vmem>>
        %dma_wait3A_139 = tpu.memref_squeeze %dma_wait3A_138 : memref<1x128xi32, #tpu.memory_space<vmem>> -> memref<128xi32, #tpu.memory_space<vmem>>
        %dma_wait3A_140 = arith.constant 0 : i32
        %dma_wait3A_141 = tpu.memref_slice %arg3[%add3A_110, %dma_wait3A_140] : memref<2500x128xi32, #tpu.memory_space<hbm>> -> memref<1x128xi32, #tpu.memory_space<hbm>>
        %dma_wait3A_142 = tpu.memref_squeeze %dma_wait3A_141 : memref<1x128xi32, #tpu.memory_space<hbm>> -> memref<128xi32, #tpu.memory_space<hbm>>
        tpu.wait_dma2 semaphore(%arg18 : memref<!tpu.dma_semaphore, #tpu.memory_space<semaphore_mem>>) src(%dma_wait3A_142 : memref<128xi32, #tpu.memory_space<hbm>>) dst(%dma_wait3A_139 : memref<128xi32, #tpu.memory_space<vmem>>)
        %dma_wait3A_143 = arith.constant 1 : i32
        %dma_wait3A_144 = arith.constant 0 : i32
        %dma_wait3A_145 = tpu.memref_slice %arg12[%dma_wait3A_143, %dma_wait3A_144] : memref<2x128xi32, #tpu.memory_space<vmem>> -> memref<1x128xi32, #tpu.memory_space<vmem>>
        %dma_wait3A_146 = tpu.memref_squeeze %dma_wait3A_145 : memref<1x128xi32, #tpu.memory_space<vmem>> -> memref<128xi32, #tpu.memory_space<vmem>>
        %dma_wait3A_147 = arith.constant 0 : i32
        %dma_wait3A_148 = tpu.memref_slice %arg4[%add3A_110, %dma_wait3A_147] : memref<2500x128xi32, #tpu.memory_space<hbm>> -> memref<1x128xi32, #tpu.memory_space<hbm>>
        %dma_wait3A_149 = tpu.memref_squeeze %dma_wait3A_148 : memref<1x128xi32, #tpu.memory_space<hbm>> -> memref<128xi32, #tpu.memory_space<hbm>>
        %dma_wait3A_150 = arith.constant 0 : i32
        %dma_wait3A_151 = tpu.memref_slice %arg12[%dma_wait3A_143, %dma_wait3A_150] : memref<2x128xi32, #tpu.memory_space<vmem>> -> memref<1x128xi32, #tpu.memory_space<vmem>>
        %dma_wait3A_152 = tpu.memref_squeeze %dma_wait3A_151 : memref<1x128xi32, #tpu.memory_space<vmem>> -> memref<128xi32, #tpu.memory_space<vmem>>
        %dma_wait3A_153 = arith.constant 0 : i32
        %dma_wait3A_154 = tpu.memref_slice %arg4[%add3A_110, %dma_wait3A_153] : memref<2500x128xi32, #tpu.memory_space<hbm>> -> memref<1x128xi32, #tpu.memory_space<hbm>>
        %dma_wait3A_155 = tpu.memref_squeeze %dma_wait3A_154 : memref<1x128xi32, #tpu.memory_space<hbm>> -> memref<128xi32, #tpu.memory_space<hbm>>
        tpu.wait_dma2 semaphore(%arg18 : memref<!tpu.dma_semaphore, #tpu.memory_space<semaphore_mem>>) src(%dma_wait3A_155 : memref<128xi32, #tpu.memory_space<hbm>>) dst(%dma_wait3A_152 : memref<128xi32, #tpu.memory_space<vmem>>)
        %dma_start3A = arith.constant 1 : i32
        %dma_start3A_156 = arith.constant 1 : i32
        %dma_start3A_157 = arith.constant 0 : i32
        %dma_start3A_158 = arith.constant 0 : i32
        %dma_start3A_159 = tpu.memref_slice %arg10[%dma_start3A, %dma_start3A_157, %dma_start3A_158] : memref<2x128x128xf32, #tpu.memory_space<vmem>> -> memref<1x128x128xf32, #tpu.memory_space<vmem>>
        %dma_start3A_160 = tpu.memref_squeeze %dma_start3A_159 : memref<1x128x128xf32, #tpu.memory_space<vmem>> -> memref<128x128xf32, #tpu.memory_space<vmem>>
        %dma_start3A_161 = arith.constant 0 : i32
        %dma_start3A_162 = tpu.memref_slice %arg11[%dma_start3A_156, %dma_start3A_161] : memref<2x128xi32, #tpu.memory_space<vmem>> -> memref<1x128xi32, #tpu.memory_space<vmem>>
        %dma_start3A_163 = tpu.memref_squeeze %dma_start3A_162 : memref<1x128xi32, #tpu.memory_space<vmem>> -> memref<128xi32, #tpu.memory_space<vmem>>
        %dma_start3A_164 = arith.constant 0 : i32
        %dma_start3A_165 = arith.constant 0 : i32
        %dma_start3A_166 = tpu.memref_slice %arg16[%dma_start3A_164, %dma_start3A_165] : memref<1024x128xf32, #tpu.memory_space<vmem_shared>> -> memref<1024x128xf32, #tpu.memory_space<vmem_shared>>
        tpu.enqueue_indirect_dma source(%dma_start3A_160 : memref<128x128xf32, #tpu.memory_space<vmem>>) target(%dma_start3A_166 : memref<1024x128xf32, #tpu.memory_space<vmem_shared>>) offsets(%dma_start3A_163 : memref<128xi32, #tpu.memory_space<vmem>>) semaphore(%arg20 : memref<!tpu.dma_semaphore, #tpu.memory_space<semaphore_mem>>) {add = true}
        %get3A = arith.constant 1 : i32
        %get3A_167 = arith.index_cast %get3A : i32 to index
        %get3A_168 = arith.constant 0 : index
        %get3A_169 = tpu.vector_load %arg11[%get3A_167, %get3A_168] {strides = array<i32>} : memref<2x128xi32, #tpu.memory_space<vmem>>, vector<16xi32>,
        %get3A_170 = arith.constant 1 : i32
        %get3A_171 = arith.index_cast %get3A_170 : i32 to index
        %get3A_172 = arith.constant 0 : index
        %get3A_173 = tpu.vector_load %arg12[%get3A_171, %get3A_172] {strides = array<i32>} : memref<2x128xi32, #tpu.memory_space<vmem>>, vector<16xi32>,
        %ne3A_174 = arith.cmpi ne, %get3A_169, %get3A_173 : vector<16xi32>
        %ge3A = arith.constant 0 : i32
        %ge3A_175 = vector.broadcast %ge3A : i32 to vector<16xi32>
        %ge3A_176 = arith.cmpi sge, %get3A_173, %ge3A_175 : vector<16xi32>
        %and3A_177 = arith.andi %ne3A_174, %ge3A_176 : vector<16xi1>
        %mul3A_178 = arith.constant 128 : i32
        %mul3A_179 = arith.muli %add3A_110, %mul3A_178 : i32
        %add3A_180 = arith.constant 0 : i32
        %add3A_181 = arith.addi %mul3A_179, %add3A_180 : i32
        %add3A_182 = arith.constant 1 : i32
        %add3A_183 = arith.addi %add3A_181, %add3A_182 : i32
        %add3A_184 = vector.broadcast %add3A_183 : i32 to vector<16xi32>
        %add3A_185 = arith.addi %iota3A, %add3A_184 : vector<16xi32>
        %convert_element_type3A_186 = arith.sitofp %add3A_185 : vector<16xi32> to vector<16xf32>
        %and3A_187 = arith.constant 7 : i32
        %and3A_188 = vector.broadcast %and3A_187 : i32 to vector<16xi32>
        %and3A_189 = arith.andi %get3A_169, %and3A_188 : vector<16xi32>
        %shift_left3A = arith.constant 7 : i32
        %shift_left3A_190 = vector.broadcast %shift_left3A : i32 to vector<16xi32>
        %shift_left3A_191 = arith.shli %and3A_189, %shift_left3A_190 : vector<16xi32>
        %shift_right_arithmetic3A = arith.constant 3 : i32
        %shift_right_arithmetic3A_192 = vector.broadcast %shift_right_arithmetic3A : i32 to vector<16xi32>
        %shift_right_arithmetic3A_193 = arith.shrsi %get3A_169, %shift_right_arithmetic3A_192 : vector<16xi32>
        %add3A_194 = arith.addi %shift_left3A_191, %shift_right_arithmetic3A_193 : vector<16xi32>
        %and3A_195 = arith.constant 7 : i32
        %and3A_196 = vector.broadcast %and3A_195 : i32 to vector<16xi32>
        %and3A_197 = arith.andi %get3A_173, %and3A_196 : vector<16xi32>
        %shift_left3A_198 = arith.constant 7 : i32
        %shift_left3A_199 = vector.broadcast %shift_left3A_198 : i32 to vector<16xi32>
        %shift_left3A_200 = arith.shli %and3A_197, %shift_left3A_199 : vector<16xi32>
        %shift_right_arithmetic3A_201 = arith.constant 3 : i32
        %shift_right_arithmetic3A_202 = vector.broadcast %shift_right_arithmetic3A_201 : i32 to vector<16xi32>
        %shift_right_arithmetic3A_203 = arith.shrsi %get3A_173, %shift_right_arithmetic3A_202 : vector<16xi32>
        %add3A_204 = arith.addi %shift_left3A_200, %shift_right_arithmetic3A_203 : vector<16xi32>
        tpu.vector_store_idx %arg15[%add3A_194], %convert_element_type3A_186 masked %ne3A_174 {add = true} : memref<1024xf32, #tpu.memory_space<vmem>>[vector<16xi32>], vector<16xf32>, vector<16xi1>
        tpu.vector_store_idx %arg14[%add3A_204], %convert_element_type3A_186 masked %and3A_177 {add = true} : memref<1024xf32, #tpu.memory_space<vmem>>[vector<16xi32>], vector<16xf32>, vector<16xi1>
        %get3A_205 = arith.constant 1 : i32
        %get3A_206 = arith.index_cast %get3A_205 : i32 to index
        %get3A_207 = arith.constant 16 : index
        %get3A_208 = tpu.vector_load %arg11[%get3A_206, %get3A_207] {strides = array<i32>} : memref<2x128xi32, #tpu.memory_space<vmem>>, vector<16xi32>,
        %get3A_209 = arith.constant 1 : i32
        %get3A_210 = arith.index_cast %get3A_209 : i32 to index
        %get3A_211 = arith.constant 16 : index
        %get3A_212 = tpu.vector_load %arg12[%get3A_210, %get3A_211] {strides = array<i32>} : memref<2x128xi32, #tpu.memory_space<vmem>>, vector<16xi32>,
        %ne3A_213 = arith.cmpi ne, %get3A_208, %get3A_212 : vector<16xi32>
        %ge3A_214 = arith.constant 0 : i32
        %ge3A_215 = vector.broadcast %ge3A_214 : i32 to vector<16xi32>
        %ge3A_216 = arith.cmpi sge, %get3A_212, %ge3A_215 : vector<16xi32>
        %and3A_217 = arith.andi %ne3A_213, %ge3A_216 : vector<16xi1>
        %mul3A_218 = arith.constant 128 : i32
        %mul3A_219 = arith.muli %add3A_110, %mul3A_218 : i32
        %add3A_220 = arith.constant 16 : i32
        %add3A_221 = arith.addi %mul3A_219, %add3A_220 : i32
        %add3A_222 = arith.constant 1 : i32
        %add3A_223 = arith.addi %add3A_221, %add3A_222 : i32
        %add3A_224 = vector.broadcast %add3A_223 : i32 to vector<16xi32>
        %add3A_225 = arith.addi %iota3A, %add3A_224 : vector<16xi32>
        %convert_element_type3A_226 = arith.sitofp %add3A_225 : vector<16xi32> to vector<16xf32>
        %and3A_227 = arith.constant 7 : i32
        %and3A_228 = vector.broadcast %and3A_227 : i32 to vector<16xi32>
        %and3A_229 = arith.andi %get3A_208, %and3A_228 : vector<16xi32>
        %shift_left3A_230 = arith.constant 7 : i32
        %shift_left3A_231 = vector.broadcast %shift_left3A_230 : i32 to vector<16xi32>
        %shift_left3A_232 = arith.shli %and3A_229, %shift_left3A_231 : vector<16xi32>
        %shift_right_arithmetic3A_233 = arith.constant 3 : i32
        %shift_right_arithmetic3A_234 = vector.broadcast %shift_right_arithmetic3A_233 : i32 to vector<16xi32>
        %shift_right_arithmetic3A_235 = arith.shrsi %get3A_208, %shift_right_arithmetic3A_234 : vector<16xi32>
        %add3A_236 = arith.addi %shift_left3A_232, %shift_right_arithmetic3A_235 : vector<16xi32>
        %and3A_237 = arith.constant 7 : i32
        %and3A_238 = vector.broadcast %and3A_237 : i32 to vector<16xi32>
        %and3A_239 = arith.andi %get3A_212, %and3A_238 : vector<16xi32>
        %shift_left3A_240 = arith.constant 7 : i32
        %shift_left3A_241 = vector.broadcast %shift_left3A_240 : i32 to vector<16xi32>
        %shift_left3A_242 = arith.shli %and3A_239, %shift_left3A_241 : vector<16xi32>
        %shift_right_arithmetic3A_243 = arith.constant 3 : i32
        %shift_right_arithmetic3A_244 = vector.broadcast %shift_right_arithmetic3A_243 : i32 to vector<16xi32>
        %shift_right_arithmetic3A_245 = arith.shrsi %get3A_212, %shift_right_arithmetic3A_244 : vector<16xi32>
        %add3A_246 = arith.addi %shift_left3A_242, %shift_right_arithmetic3A_245 : vector<16xi32>
        tpu.vector_store_idx %arg15[%add3A_236], %convert_element_type3A_226 masked %ne3A_213 {add = true} : memref<1024xf32, #tpu.memory_space<vmem>>[vector<16xi32>], vector<16xf32>, vector<16xi1>
        tpu.vector_store_idx %arg14[%add3A_246], %convert_element_type3A_226 masked %and3A_217 {add = true} : memref<1024xf32, #tpu.memory_space<vmem>>[vector<16xi32>], vector<16xf32>, vector<16xi1>
        %get3A_247 = arith.constant 1 : i32
        %get3A_248 = arith.index_cast %get3A_247 : i32 to index
        %get3A_249 = arith.constant 32 : index
        %get3A_250 = tpu.vector_load %arg11[%get3A_248, %get3A_249] {strides = array<i32>} : memref<2x128xi32, #tpu.memory_space<vmem>>, vector<16xi32>,
        %get3A_251 = arith.constant 1 : i32
        %get3A_252 = arith.index_cast %get3A_251 : i32 to index
        %get3A_253 = arith.constant 32 : index
        %get3A_254 = tpu.vector_load %arg12[%get3A_252, %get3A_253] {strides = array<i32>} : memref<2x128xi32, #tpu.memory_space<vmem>>, vector<16xi32>,
        %ne3A_255 = arith.cmpi ne, %get3A_250, %get3A_254 : vector<16xi32>
        %ge3A_256 = arith.constant 0 : i32
        %ge3A_257 = vector.broadcast %ge3A_256 : i32 to vector<16xi32>
        %ge3A_258 = arith.cmpi sge, %get3A_254, %ge3A_257 : vector<16xi32>
        %and3A_259 = arith.andi %ne3A_255, %ge3A_258 : vector<16xi1>
        %mul3A_260 = arith.constant 128 : i32
        %mul3A_261 = arith.muli %add3A_110, %mul3A_260 : i32
        %add3A_262 = arith.constant 32 : i32
        %add3A_263 = arith.addi %mul3A_261, %add3A_262 : i32
        %add3A_264 = arith.constant 1 : i32
        %add3A_265 = arith.addi %add3A_263, %add3A_264 : i32
        %add3A_266 = vector.broadcast %add3A_265 : i32 to vector<16xi32>
        %add3A_267 = arith.addi %iota3A, %add3A_266 : vector<16xi32>
        %convert_element_type3A_268 = arith.sitofp %add3A_267 : vector<16xi32> to vector<16xf32>
        %and3A_269 = arith.constant 7 : i32
        %and3A_270 = vector.broadcast %and3A_269 : i32 to vector<16xi32>
        %and3A_271 = arith.andi %get3A_250, %and3A_270 : vector<16xi32>
        %shift_left3A_272 = arith.constant 7 : i32
        %shift_left3A_273 = vector.broadcast %shift_left3A_272 : i32 to vector<16xi32>
        %shift_left3A_274 = arith.shli %and3A_271, %shift_left3A_273 : vector<16xi32>
        %shift_right_arithmetic3A_275 = arith.constant 3 : i32
        %shift_right_arithmetic3A_276 = vector.broadcast %shift_right_arithmetic3A_275 : i32 to vector<16xi32>
        %shift_right_arithmetic3A_277 = arith.shrsi %get3A_250, %shift_right_arithmetic3A_276 : vector<16xi32>
        %add3A_278 = arith.addi %shift_left3A_274, %shift_right_arithmetic3A_277 : vector<16xi32>
        %and3A_279 = arith.constant 7 : i32
        %and3A_280 = vector.broadcast %and3A_279 : i32 to vector<16xi32>
        %and3A_281 = arith.andi %get3A_254, %and3A_280 : vector<16xi32>
        %shift_left3A_282 = arith.constant 7 : i32
        %shift_left3A_283 = vector.broadcast %shift_left3A_282 : i32 to vector<16xi32>
        %shift_left3A_284 = arith.shli %and3A_281, %shift_left3A_283 : vector<16xi32>
        %shift_right_arithmetic3A_285 = arith.constant 3 : i32
        %shift_right_arithmetic3A_286 = vector.broadcast %shift_right_arithmetic3A_285 : i32 to vector<16xi32>
        %shift_right_arithmetic3A_287 = arith.shrsi %get3A_254, %shift_right_arithmetic3A_286 : vector<16xi32>
        %add3A_288 = arith.addi %shift_left3A_284, %shift_right_arithmetic3A_287 : vector<16xi32>
        tpu.vector_store_idx %arg15[%add3A_278], %convert_element_type3A_268 masked %ne3A_255 {add = true} : memref<1024xf32, #tpu.memory_space<vmem>>[vector<16xi32>], vector<16xf32>, vector<16xi1>
        tpu.vector_store_idx %arg14[%add3A_288], %convert_element_type3A_268 masked %and3A_259 {add = true} : memref<1024xf32, #tpu.memory_space<vmem>>[vector<16xi32>], vector<16xf32>, vector<16xi1>
        %get3A_289 = arith.constant 1 : i32
        %get3A_290 = arith.index_cast %get3A_289 : i32 to index
        %get3A_291 = arith.constant 48 : index
        %get3A_292 = tpu.vector_load %arg11[%get3A_290, %get3A_291] {strides = array<i32>} : memref<2x128xi32, #tpu.memory_space<vmem>>, vector<16xi32>,
        %get3A_293 = arith.constant 1 : i32
        %get3A_294 = arith.index_cast %get3A_293 : i32 to index
        %get3A_295 = arith.constant 48 : index
        %get3A_296 = tpu.vector_load %arg12[%get3A_294, %get3A_295] {strides = array<i32>} : memref<2x128xi32, #tpu.memory_space<vmem>>, vector<16xi32>,
        %ne3A_297 = arith.cmpi ne, %get3A_292, %get3A_296 : vector<16xi32>
        %ge3A_298 = arith.constant 0 : i32
        %ge3A_299 = vector.broadcast %ge3A_298 : i32 to vector<16xi32>
        %ge3A_300 = arith.cmpi sge, %get3A_296, %ge3A_299 : vector<16xi32>
        %and3A_301 = arith.andi %ne3A_297, %ge3A_300 : vector<16xi1>
        %mul3A_302 = arith.constant 128 : i32
        %mul3A_303 = arith.muli %add3A_110, %mul3A_302 : i32
        %add3A_304 = arith.constant 48 : i32
        %add3A_305 = arith.addi %mul3A_303, %add3A_304 : i32
        %add3A_306 = arith.constant 1 : i32
        %add3A_307 = arith.addi %add3A_305, %add3A_306 : i32
        %add3A_308 = vector.broadcast %add3A_307 : i32 to vector<16xi32>
        %add3A_309 = arith.addi %iota3A, %add3A_308 : vector<16xi32>
        %convert_element_type3A_310 = arith.sitofp %add3A_309 : vector<16xi32> to vector<16xf32>
        %and3A_311 = arith.constant 7 : i32
        %and3A_312 = vector.broadcast %and3A_311 : i32 to vector<16xi32>
        %and3A_313 = arith.andi %get3A_292, %and3A_312 : vector<16xi32>
        %shift_left3A_314 = arith.constant 7 : i32
        %shift_left3A_315 = vector.broadcast %shift_left3A_314 : i32 to vector<16xi32>
        %shift_left3A_316 = arith.shli %and3A_313, %shift_left3A_315 : vector<16xi32>
        %shift_right_arithmetic3A_317 = arith.constant 3 : i32
        %shift_right_arithmetic3A_318 = vector.broadcast %shift_right_arithmetic3A_317 : i32 to vector<16xi32>
        %shift_right_arithmetic3A_319 = arith.shrsi %get3A_292, %shift_right_arithmetic3A_318 : vector<16xi32>
        %add3A_320 = arith.addi %shift_left3A_316, %shift_right_arithmetic3A_319 : vector<16xi32>
        %and3A_321 = arith.constant 7 : i32
        %and3A_322 = vector.broadcast %and3A_321 : i32 to vector<16xi32>
        %and3A_323 = arith.andi %get3A_296, %and3A_322 : vector<16xi32>
        %shift_left3A_324 = arith.constant 7 : i32
        %shift_left3A_325 = vector.broadcast %shift_left3A_324 : i32 to vector<16xi32>
        %shift_left3A_326 = arith.shli %and3A_323, %shift_left3A_325 : vector<16xi32>
        %shift_right_arithmetic3A_327 = arith.constant 3 : i32
        %shift_right_arithmetic3A_328 = vector.broadcast %shift_right_arithmetic3A_327 : i32 to vector<16xi32>
        %shift_right_arithmetic3A_329 = arith.shrsi %get3A_296, %shift_right_arithmetic3A_328 : vector<16xi32>
        %add3A_330 = arith.addi %shift_left3A_326, %shift_right_arithmetic3A_329 : vector<16xi32>
        tpu.vector_store_idx %arg15[%add3A_320], %convert_element_type3A_310 masked %ne3A_297 {add = true} : memref<1024xf32, #tpu.memory_space<vmem>>[vector<16xi32>], vector<16xf32>, vector<16xi1>
        tpu.vector_store_idx %arg14[%add3A_330], %convert_element_type3A_310 masked %and3A_301 {add = true} : memref<1024xf32, #tpu.memory_space<vmem>>[vector<16xi32>], vector<16xf32>, vector<16xi1>
        %get3A_331 = arith.constant 1 : i32
        %get3A_332 = arith.index_cast %get3A_331 : i32 to index
        %get3A_333 = arith.constant 64 : index
        %get3A_334 = tpu.vector_load %arg11[%get3A_332, %get3A_333] {strides = array<i32>} : memref<2x128xi32, #tpu.memory_space<vmem>>, vector<16xi32>,
        %get3A_335 = arith.constant 1 : i32
        %get3A_336 = arith.index_cast %get3A_335 : i32 to index
        %get3A_337 = arith.constant 64 : index
        %get3A_338 = tpu.vector_load %arg12[%get3A_336, %get3A_337] {strides = array<i32>} : memref<2x128xi32, #tpu.memory_space<vmem>>, vector<16xi32>,
        %ne3A_339 = arith.cmpi ne, %get3A_334, %get3A_338 : vector<16xi32>
        %ge3A_340 = arith.constant 0 : i32
        %ge3A_341 = vector.broadcast %ge3A_340 : i32 to vector<16xi32>
        %ge3A_342 = arith.cmpi sge, %get3A_338, %ge3A_341 : vector<16xi32>
        %and3A_343 = arith.andi %ne3A_339, %ge3A_342 : vector<16xi1>
        %mul3A_344 = arith.constant 128 : i32
        %mul3A_345 = arith.muli %add3A_110, %mul3A_344 : i32
        %add3A_346 = arith.constant 64 : i32
        %add3A_347 = arith.addi %mul3A_345, %add3A_346 : i32
        %add3A_348 = arith.constant 1 : i32
        %add3A_349 = arith.addi %add3A_347, %add3A_348 : i32
        %add3A_350 = vector.broadcast %add3A_349 : i32 to vector<16xi32>
        %add3A_351 = arith.addi %iota3A, %add3A_350 : vector<16xi32>
        %convert_element_type3A_352 = arith.sitofp %add3A_351 : vector<16xi32> to vector<16xf32>
        %and3A_353 = arith.constant 7 : i32
        %and3A_354 = vector.broadcast %and3A_353 : i32 to vector<16xi32>
        %and3A_355 = arith.andi %get3A_334, %and3A_354 : vector<16xi32>
        %shift_left3A_356 = arith.constant 7 : i32
        %shift_left3A_357 = vector.broadcast %shift_left3A_356 : i32 to vector<16xi32>
        %shift_left3A_358 = arith.shli %and3A_355, %shift_left3A_357 : vector<16xi32>
        %shift_right_arithmetic3A_359 = arith.constant 3 : i32
        %shift_right_arithmetic3A_360 = vector.broadcast %shift_right_arithmetic3A_359 : i32 to vector<16xi32>
        %shift_right_arithmetic3A_361 = arith.shrsi %get3A_334, %shift_right_arithmetic3A_360 : vector<16xi32>
        %add3A_362 = arith.addi %shift_left3A_358, %shift_right_arithmetic3A_361 : vector<16xi32>
        %and3A_363 = arith.constant 7 : i32
        %and3A_364 = vector.broadcast %and3A_363 : i32 to vector<16xi32>
        %and3A_365 = arith.andi %get3A_338, %and3A_364 : vector<16xi32>
        %shift_left3A_366 = arith.constant 7 : i32
        %shift_left3A_367 = vector.broadcast %shift_left3A_366 : i32 to vector<16xi32>
        %shift_left3A_368 = arith.shli %and3A_365, %shift_left3A_367 : vector<16xi32>
        %shift_right_arithmetic3A_369 = arith.constant 3 : i32
        %shift_right_arithmetic3A_370 = vector.broadcast %shift_right_arithmetic3A_369 : i32 to vector<16xi32>
        %shift_right_arithmetic3A_371 = arith.shrsi %get3A_338, %shift_right_arithmetic3A_370 : vector<16xi32>
        %add3A_372 = arith.addi %shift_left3A_368, %shift_right_arithmetic3A_371 : vector<16xi32>
        tpu.vector_store_idx %arg15[%add3A_362], %convert_element_type3A_352 masked %ne3A_339 {add = true} : memref<1024xf32, #tpu.memory_space<vmem>>[vector<16xi32>], vector<16xf32>, vector<16xi1>
        tpu.vector_store_idx %arg14[%add3A_372], %convert_element_type3A_352 masked %and3A_343 {add = true} : memref<1024xf32, #tpu.memory_space<vmem>>[vector<16xi32>], vector<16xf32>, vector<16xi1>
        %get3A_373 = arith.constant 1 : i32
        %get3A_374 = arith.index_cast %get3A_373 : i32 to index
        %get3A_375 = arith.constant 80 : index
        %get3A_376 = tpu.vector_load %arg11[%get3A_374, %get3A_375] {strides = array<i32>} : memref<2x128xi32, #tpu.memory_space<vmem>>, vector<16xi32>,
        %get3A_377 = arith.constant 1 : i32
        %get3A_378 = arith.index_cast %get3A_377 : i32 to index
        %get3A_379 = arith.constant 80 : index
        %get3A_380 = tpu.vector_load %arg12[%get3A_378, %get3A_379] {strides = array<i32>} : memref<2x128xi32, #tpu.memory_space<vmem>>, vector<16xi32>,
        %ne3A_381 = arith.cmpi ne, %get3A_376, %get3A_380 : vector<16xi32>
        %ge3A_382 = arith.constant 0 : i32
        %ge3A_383 = vector.broadcast %ge3A_382 : i32 to vector<16xi32>
        %ge3A_384 = arith.cmpi sge, %get3A_380, %ge3A_383 : vector<16xi32>
        %and3A_385 = arith.andi %ne3A_381, %ge3A_384 : vector<16xi1>
        %mul3A_386 = arith.constant 128 : i32
        %mul3A_387 = arith.muli %add3A_110, %mul3A_386 : i32
        %add3A_388 = arith.constant 80 : i32
        %add3A_389 = arith.addi %mul3A_387, %add3A_388 : i32
        %add3A_390 = arith.constant 1 : i32
        %add3A_391 = arith.addi %add3A_389, %add3A_390 : i32
        %add3A_392 = vector.broadcast %add3A_391 : i32 to vector<16xi32>
        %add3A_393 = arith.addi %iota3A, %add3A_392 : vector<16xi32>
        %convert_element_type3A_394 = arith.sitofp %add3A_393 : vector<16xi32> to vector<16xf32>
        %and3A_395 = arith.constant 7 : i32
        %and3A_396 = vector.broadcast %and3A_395 : i32 to vector<16xi32>
        %and3A_397 = arith.andi %get3A_376, %and3A_396 : vector<16xi32>
        %shift_left3A_398 = arith.constant 7 : i32
        %shift_left3A_399 = vector.broadcast %shift_left3A_398 : i32 to vector<16xi32>
        %shift_left3A_400 = arith.shli %and3A_397, %shift_left3A_399 : vector<16xi32>
        %shift_right_arithmetic3A_401 = arith.constant 3 : i32
        %shift_right_arithmetic3A_402 = vector.broadcast %shift_right_arithmetic3A_401 : i32 to vector<16xi32>
        %shift_right_arithmetic3A_403 = arith.shrsi %get3A_376, %shift_right_arithmetic3A_402 : vector<16xi32>
        %add3A_404 = arith.addi %shift_left3A_400, %shift_right_arithmetic3A_403 : vector<16xi32>
        %and3A_405 = arith.constant 7 : i32
        %and3A_406 = vector.broadcast %and3A_405 : i32 to vector<16xi32>
        %and3A_407 = arith.andi %get3A_380, %and3A_406 : vector<16xi32>
        %shift_left3A_408 = arith.constant 7 : i32
        %shift_left3A_409 = vector.broadcast %shift_left3A_408 : i32 to vector<16xi32>
        %shift_left3A_410 = arith.shli %and3A_407, %shift_left3A_409 : vector<16xi32>
        %shift_right_arithmetic3A_411 = arith.constant 3 : i32
        %shift_right_arithmetic3A_412 = vector.broadcast %shift_right_arithmetic3A_411 : i32 to vector<16xi32>
        %shift_right_arithmetic3A_413 = arith.shrsi %get3A_380, %shift_right_arithmetic3A_412 : vector<16xi32>
        %add3A_414 = arith.addi %shift_left3A_410, %shift_right_arithmetic3A_413 : vector<16xi32>
        tpu.vector_store_idx %arg15[%add3A_404], %convert_element_type3A_394 masked %ne3A_381 {add = true} : memref<1024xf32, #tpu.memory_space<vmem>>[vector<16xi32>], vector<16xf32>, vector<16xi1>
        tpu.vector_store_idx %arg14[%add3A_414], %convert_element_type3A_394 masked %and3A_385 {add = true} : memref<1024xf32, #tpu.memory_space<vmem>>[vector<16xi32>], vector<16xf32>, vector<16xi1>
        %get3A_415 = arith.constant 1 : i32
        %get3A_416 = arith.index_cast %get3A_415 : i32 to index
        %get3A_417 = arith.constant 96 : index
        %get3A_418 = tpu.vector_load %arg11[%get3A_416, %get3A_417] {strides = array<i32>} : memref<2x128xi32, #tpu.memory_space<vmem>>, vector<16xi32>,
        %get3A_419 = arith.constant 1 : i32
        %get3A_420 = arith.index_cast %get3A_419 : i32 to index
        %get3A_421 = arith.constant 96 : index
        %get3A_422 = tpu.vector_load %arg12[%get3A_420, %get3A_421] {strides = array<i32>} : memref<2x128xi32, #tpu.memory_space<vmem>>, vector<16xi32>,
        %ne3A_423 = arith.cmpi ne, %get3A_418, %get3A_422 : vector<16xi32>
        %ge3A_424 = arith.constant 0 : i32
        %ge3A_425 = vector.broadcast %ge3A_424 : i32 to vector<16xi32>
        %ge3A_426 = arith.cmpi sge, %get3A_422, %ge3A_425 : vector<16xi32>
        %and3A_427 = arith.andi %ne3A_423, %ge3A_426 : vector<16xi1>
        %mul3A_428 = arith.constant 128 : i32
        %mul3A_429 = arith.muli %add3A_110, %mul3A_428 : i32
        %add3A_430 = arith.constant 96 : i32
        %add3A_431 = arith.addi %mul3A_429, %add3A_430 : i32
        %add3A_432 = arith.constant 1 : i32
        %add3A_433 = arith.addi %add3A_431, %add3A_432 : i32
        %add3A_434 = vector.broadcast %add3A_433 : i32 to vector<16xi32>
        %add3A_435 = arith.addi %iota3A, %add3A_434 : vector<16xi32>
        %convert_element_type3A_436 = arith.sitofp %add3A_435 : vector<16xi32> to vector<16xf32>
        %and3A_437 = arith.constant 7 : i32
        %and3A_438 = vector.broadcast %and3A_437 : i32 to vector<16xi32>
        %and3A_439 = arith.andi %get3A_418, %and3A_438 : vector<16xi32>
        %shift_left3A_440 = arith.constant 7 : i32
        %shift_left3A_441 = vector.broadcast %shift_left3A_440 : i32 to vector<16xi32>
        %shift_left3A_442 = arith.shli %and3A_439, %shift_left3A_441 : vector<16xi32>
        %shift_right_arithmetic3A_443 = arith.constant 3 : i32
        %shift_right_arithmetic3A_444 = vector.broadcast %shift_right_arithmetic3A_443 : i32 to vector<16xi32>
        %shift_right_arithmetic3A_445 = arith.shrsi %get3A_418, %shift_right_arithmetic3A_444 : vector<16xi32>
        %add3A_446 = arith.addi %shift_left3A_442, %shift_right_arithmetic3A_445 : vector<16xi32>
        %and3A_447 = arith.constant 7 : i32
        %and3A_448 = vector.broadcast %and3A_447 : i32 to vector<16xi32>
        %and3A_449 = arith.andi %get3A_422, %and3A_448 : vector<16xi32>
        %shift_left3A_450 = arith.constant 7 : i32
        %shift_left3A_451 = vector.broadcast %shift_left3A_450 : i32 to vector<16xi32>
        %shift_left3A_452 = arith.shli %and3A_449, %shift_left3A_451 : vector<16xi32>
        %shift_right_arithmetic3A_453 = arith.constant 3 : i32
        %shift_right_arithmetic3A_454 = vector.broadcast %shift_right_arithmetic3A_453 : i32 to vector<16xi32>
        %shift_right_arithmetic3A_455 = arith.shrsi %get3A_422, %shift_right_arithmetic3A_454 : vector<16xi32>
        %add3A_456 = arith.addi %shift_left3A_452, %shift_right_arithmetic3A_455 : vector<16xi32>
        tpu.vector_store_idx %arg15[%add3A_446], %convert_element_type3A_436 masked %ne3A_423 {add = true} : memref<1024xf32, #tpu.memory_space<vmem>>[vector<16xi32>], vector<16xf32>, vector<16xi1>
        tpu.vector_store_idx %arg14[%add3A_456], %convert_element_type3A_436 masked %and3A_427 {add = true} : memref<1024xf32, #tpu.memory_space<vmem>>[vector<16xi32>], vector<16xf32>, vector<16xi1>
        %get3A_457 = arith.constant 1 : i32
        %get3A_458 = arith.index_cast %get3A_457 : i32 to index
        %get3A_459 = arith.constant 112 : index
        %get3A_460 = tpu.vector_load %arg11[%get3A_458, %get3A_459] {strides = array<i32>} : memref<2x128xi32, #tpu.memory_space<vmem>>, vector<16xi32>,
        %get3A_461 = arith.constant 1 : i32
        %get3A_462 = arith.index_cast %get3A_461 : i32 to index
        %get3A_463 = arith.constant 112 : index
        %get3A_464 = tpu.vector_load %arg12[%get3A_462, %get3A_463] {strides = array<i32>} : memref<2x128xi32, #tpu.memory_space<vmem>>, vector<16xi32>,
        %ne3A_465 = arith.cmpi ne, %get3A_460, %get3A_464 : vector<16xi32>
        %ge3A_466 = arith.constant 0 : i32
        %ge3A_467 = vector.broadcast %ge3A_466 : i32 to vector<16xi32>
        %ge3A_468 = arith.cmpi sge, %get3A_464, %ge3A_467 : vector<16xi32>
        %and3A_469 = arith.andi %ne3A_465, %ge3A_468 : vector<16xi1>
        %mul3A_470 = arith.constant 128 : i32
        %mul3A_471 = arith.muli %add3A_110, %mul3A_470 : i32
        %add3A_472 = arith.constant 112 : i32
        %add3A_473 = arith.addi %mul3A_471, %add3A_472 : i32
        %add3A_474 = arith.constant 1 : i32
        %add3A_475 = arith.addi %add3A_473, %add3A_474 : i32
        %add3A_476 = vector.broadcast %add3A_475 : i32 to vector<16xi32>
        %add3A_477 = arith.addi %iota3A, %add3A_476 : vector<16xi32>
        %convert_element_type3A_478 = arith.sitofp %add3A_477 : vector<16xi32> to vector<16xf32>
        %and3A_479 = arith.constant 7 : i32
        %and3A_480 = vector.broadcast %and3A_479 : i32 to vector<16xi32>
        %and3A_481 = arith.andi %get3A_460, %and3A_480 : vector<16xi32>
        %shift_left3A_482 = arith.constant 7 : i32
        %shift_left3A_483 = vector.broadcast %shift_left3A_482 : i32 to vector<16xi32>
        %shift_left3A_484 = arith.shli %and3A_481, %shift_left3A_483 : vector<16xi32>
        %shift_right_arithmetic3A_485 = arith.constant 3 : i32
        %shift_right_arithmetic3A_486 = vector.broadcast %shift_right_arithmetic3A_485 : i32 to vector<16xi32>
        %shift_right_arithmetic3A_487 = arith.shrsi %get3A_460, %shift_right_arithmetic3A_486 : vector<16xi32>
        %add3A_488 = arith.addi %shift_left3A_484, %shift_right_arithmetic3A_487 : vector<16xi32>
        %and3A_489 = arith.constant 7 : i32
        %and3A_490 = vector.broadcast %and3A_489 : i32 to vector<16xi32>
        %and3A_491 = arith.andi %get3A_464, %and3A_490 : vector<16xi32>
        %shift_left3A_492 = arith.constant 7 : i32
        %shift_left3A_493 = vector.broadcast %shift_left3A_492 : i32 to vector<16xi32>
        %shift_left3A_494 = arith.shli %and3A_491, %shift_left3A_493 : vector<16xi32>
        %shift_right_arithmetic3A_495 = arith.constant 3 : i32
        %shift_right_arithmetic3A_496 = vector.broadcast %shift_right_arithmetic3A_495 : i32 to vector<16xi32>
        %shift_right_arithmetic3A_497 = arith.shrsi %get3A_464, %shift_right_arithmetic3A_496 : vector<16xi32>
        %add3A_498 = arith.addi %shift_left3A_494, %shift_right_arithmetic3A_497 : vector<16xi32>
        tpu.vector_store_idx %arg15[%add3A_488], %convert_element_type3A_478 masked %ne3A_465 {add = true} : memref<1024xf32, #tpu.memory_space<vmem>>[vector<16xi32>], vector<16xf32>, vector<16xi1>
        tpu.vector_store_idx %arg14[%add3A_498], %convert_element_type3A_478 masked %and3A_469 {add = true} : memref<1024xf32, #tpu.memory_space<vmem>>[vector<16xi32>], vector<16xf32>, vector<16xi1>
        %dma_wait3A_499 = arith.constant 1 : i32
        %dma_wait3A_500 = arith.constant 1 : i32
        %dma_wait3A_501 = arith.constant 0 : i32
        %dma_wait3A_502 = arith.constant 0 : i32
        %dma_wait3A_503 = tpu.memref_slice %arg10[%dma_wait3A_499, %dma_wait3A_501, %dma_wait3A_502] : memref<2x128x128xf32, #tpu.memory_space<vmem>> -> memref<1x128x128xf32, #tpu.memory_space<vmem>>
        %dma_wait3A_504 = tpu.memref_squeeze %dma_wait3A_503 : memref<1x128x128xf32, #tpu.memory_space<vmem>> -> memref<128x128xf32, #tpu.memory_space<vmem>>
        %dma_wait3A_505 = arith.constant 0 : i32
        %dma_wait3A_506 = tpu.memref_slice %arg11[%dma_wait3A_500, %dma_wait3A_505] : memref<2x128xi32, #tpu.memory_space<vmem>> -> memref<1x128xi32, #tpu.memory_space<vmem>>
        %dma_wait3A_507 = tpu.memref_squeeze %dma_wait3A_506 : memref<1x128xi32, #tpu.memory_space<vmem>> -> memref<128xi32, #tpu.memory_space<vmem>>
        %dma_wait3A_508 = arith.constant 0 : i32
        %dma_wait3A_509 = arith.constant 0 : i32
        %dma_wait3A_510 = tpu.memref_slice %arg16[%dma_wait3A_508, %dma_wait3A_509] : memref<1024x128xf32, #tpu.memory_space<vmem_shared>> -> memref<1024x128xf32, #tpu.memory_space<vmem_shared>>
        tpu.wait_indirect_dma semaphore(%arg20 : memref<!tpu.dma_semaphore, #tpu.memory_space<semaphore_mem>>) src(%dma_wait3A_504 : memref<128x128xf32, #tpu.memory_space<vmem>>) dst(%dma_wait3A_510 : memref<1024x128xf32, #tpu.memory_space<vmem_shared>>)
        %add3A_511 = arith.constant 2 : i32
        %add3A_512 = arith.addi %add3A_110, %add3A_511 : i32
        %lt3A_513 = arith.cmpi slt, %add3A_512, %select_n3A_48 : i32
        %convert_element_type3A_514 = arith.extui %lt3A_513 : i1 to i32
        %cond3A_515 = arith.constant 0 : i32
        %cond3A_516 = arith.cmpi ne, %convert_element_type3A_514, %cond3A_515 : i32
        scf.if %cond3A_516 {
          %add3A_517 = arith.constant 2 : i32
          %add3A_518 = arith.addi %add3A_110, %add3A_517 : i32
          %mul3A_519 = arith.constant 128 : i32
          %mul3A_520 = arith.muli %add3A_518, %mul3A_519 : i32
          %dma_start3A_521 = arith.constant 1 : i32
          %dma_start3A_522 = arith.constant 0 : i32
          %dma_start3A_523 = arith.constant 0 : i32
          %dma_start3A_524 = tpu.memref_slice %arg10[%dma_start3A_521, %dma_start3A_522, %dma_start3A_523] : memref<2x128x128xf32, #tpu.memory_space<vmem>> -> memref<1x128x128xf32, #tpu.memory_space<vmem>>
          %dma_start3A_525 = tpu.memref_squeeze %dma_start3A_524 : memref<1x128x128xf32, #tpu.memory_space<vmem>> -> memref<128x128xf32, #tpu.memory_space<vmem>>
          %dma_start3A_526 = arith.constant 0 : i32
          %dma_start3A_527 = tpu.memref_slice %arg2[%mul3A_520, %dma_start3A_526] : memref<320000x128xf32, #tpu.memory_space<hbm>> -> memref<128x128xf32, #tpu.memory_space<hbm>>
          %dma_start3A_528 = arith.constant 0 : i32
          %dma_start3A_529 = arith.constant 0 : i32
          %dma_start3A_530 = tpu.memref_slice %arg10[%dma_start3A_521, %dma_start3A_528, %dma_start3A_529] : memref<2x128x128xf32, #tpu.memory_space<vmem>> -> memref<1x128x128xf32, #tpu.memory_space<vmem>>
          %dma_start3A_531 = tpu.memref_squeeze %dma_start3A_530 : memref<1x128x128xf32, #tpu.memory_space<vmem>> -> memref<128x128xf32, #tpu.memory_space<vmem>>
          %dma_start3A_532 = arith.constant 0 : i32
          %dma_start3A_533 = tpu.memref_slice %arg2[%mul3A_520, %dma_start3A_532] : memref<320000x128xf32, #tpu.memory_space<hbm>> -> memref<128x128xf32, #tpu.memory_space<hbm>>
          tpu.enqueue_dma source(%dma_start3A_533 : memref<128x128xf32, #tpu.memory_space<hbm>>) target(%dma_start3A_531 : memref<128x128xf32, #tpu.memory_space<vmem>>) target_semaphore(%arg18 : memref<!tpu.dma_semaphore, #tpu.memory_space<semaphore_mem>>)
          %dma_start3A_534 = arith.constant 1 : i32
          %dma_start3A_535 = arith.constant 0 : i32
          %dma_start3A_536 = tpu.memref_slice %arg11[%dma_start3A_534, %dma_start3A_535] : memref<2x128xi32, #tpu.memory_space<vmem>> -> memref<1x128xi32, #tpu.memory_space<vmem>>
          %dma_start3A_537 = tpu.memref_squeeze %dma_start3A_536 : memref<1x128xi32, #tpu.memory_space<vmem>> -> memref<128xi32, #tpu.memory_space<vmem>>
          %dma_start3A_538 = arith.constant 0 : i32
          %dma_start3A_539 = tpu.memref_slice %arg3[%add3A_518, %dma_start3A_538] : memref<2500x128xi32, #tpu.memory_space<hbm>> -> memref<1x128xi32, #tpu.memory_space<hbm>>
          %dma_start3A_540 = tpu.memref_squeeze %dma_start3A_539 : memref<1x128xi32, #tpu.memory_space<hbm>> -> memref<128xi32, #tpu.memory_space<hbm>>
          %dma_start3A_541 = arith.constant 0 : i32
          %dma_start3A_542 = tpu.memref_slice %arg11[%dma_start3A_534, %dma_start3A_541] : memref<2x128xi32, #tpu.memory_space<vmem>> -> memref<1x128xi32, #tpu.memory_space<vmem>>
          %dma_start3A_543 = tpu.memref_squeeze %dma_start3A_542 : memref<1x128xi32, #tpu.memory_space<vmem>> -> memref<128xi32, #tpu.memory_space<vmem>>
          %dma_start3A_544 = arith.constant 0 : i32
          %dma_start3A_545 = tpu.memref_slice %arg3[%add3A_518, %dma_start3A_544] : memref<2500x128xi32, #tpu.memory_space<hbm>> -> memref<1x128xi32, #tpu.memory_space<hbm>>
          %dma_start3A_546 = tpu.memref_squeeze %dma_start3A_545 : memref<1x128xi32, #tpu.memory_space<hbm>> -> memref<128xi32, #tpu.memory_space<hbm>>
          tpu.enqueue_dma source(%dma_start3A_546 : memref<128xi32, #tpu.memory_space<hbm>>) target(%dma_start3A_543 : memref<128xi32, #tpu.memory_space<vmem>>) target_semaphore(%arg18 : memref<!tpu.dma_semaphore, #tpu.memory_space<semaphore_mem>>)
          %dma_start3A_547 = arith.constant 1 : i32
          %dma_start3A_548 = arith.constant 0 : i32
          %dma_start3A_549 = tpu.memref_slice %arg12[%dma_start3A_547, %dma_start3A_548] : memref<2x128xi32, #tpu.memory_space<vmem>> -> memref<1x128xi32, #tpu.memory_space<vmem>>
          %dma_start3A_550 = tpu.memref_squeeze %dma_start3A_549 : memref<1x128xi32, #tpu.memory_space<vmem>> -> memref<128xi32, #tpu.memory_space<vmem>>
          %dma_start3A_551 = arith.constant 0 : i32
          %dma_start3A_552 = tpu.memref_slice %arg4[%add3A_518, %dma_start3A_551] : memref<2500x128xi32, #tpu.memory_space<hbm>> -> memref<1x128xi32, #tpu.memory_space<hbm>>
          %dma_start3A_553 = tpu.memref_squeeze %dma_start3A_552 : memref<1x128xi32, #tpu.memory_space<hbm>> -> memref<128xi32, #tpu.memory_space<hbm>>
          %dma_start3A_554 = arith.constant 0 : i32
          %dma_start3A_555 = tpu.memref_slice %arg12[%dma_start3A_547, %dma_start3A_554] : memref<2x128xi32, #tpu.memory_space<vmem>> -> memref<1x128xi32, #tpu.memory_space<vmem>>
          %dma_start3A_556 = tpu.memref_squeeze %dma_start3A_555 : memref<1x128xi32, #tpu.memory_space<vmem>> -> memref<128xi32, #tpu.memory_space<vmem>>
          %dma_start3A_557 = arith.constant 0 : i32
          %dma_start3A_558 = tpu.memref_slice %arg4[%add3A_518, %dma_start3A_557] : memref<2500x128xi32, #tpu.memory_space<hbm>> -> memref<1x128xi32, #tpu.memory_space<hbm>>
          %dma_start3A_559 = tpu.memref_squeeze %dma_start3A_558 : memref<1x128xi32, #tpu.memory_space<hbm>> -> memref<128xi32, #tpu.memory_space<hbm>>
          tpu.enqueue_dma source(%dma_start3A_559 : memref<128xi32, #tpu.memory_space<hbm>>) target(%dma_start3A_556 : memref<128xi32, #tpu.memory_space<vmem>>) target_semaphore(%arg18 : memref<!tpu.dma_semaphore, #tpu.memory_space<semaphore_mem>>)
        } else {
        }
      } else {
      }
      %while3A_115 = arith.constant 0 : i32
      scf.yield %while3A_115 : i32
    }
    %barrier3A_94 = arith.constant 0 : index
    tpu.barrier barrier_id(%barrier3A_94)
    "tpu.region"() ({
      %run_scoped3A = tpu.sem_alloc : memref<!tpu.dma_semaphore, #tpu.memory_space<semaphore_mem>>
      %dma_start3A = arith.constant 0 : i32
      %dma_start3A_95 = tpu.memref_slice %arg16[%mul3A_2, %dma_start3A] : memref<1024x128xf32, #tpu.memory_space<vmem_shared>> -> memref<64x128xf32, #tpu.memory_space<vmem_shared>>
      %dma_start3A_96 = arith.constant 0 : i32
      %dma_start3A_97 = tpu.memref_slice %arg16[%mul3A_2, %dma_start3A_96] : memref<1024x128xf32, #tpu.memory_space<vmem_shared>> -> memref<64x128xf32, #tpu.memory_space<vmem_shared>>
      tpu.enqueue_dma source(%dma_start3A_97 : memref<64x128xf32, #tpu.memory_space<vmem_shared>>) target(%arg13 : memref<64x128xf32, #tpu.memory_space<vmem>>) target_semaphore(%run_scoped3A : memref<!tpu.dma_semaphore, #tpu.memory_space<semaphore_mem>>)
      %dma_wait3A = arith.constant 0 : i32
      %dma_wait3A_98 = tpu.memref_slice %arg16[%mul3A_2, %dma_wait3A] : memref<1024x128xf32, #tpu.memory_space<vmem_shared>> -> memref<64x128xf32, #tpu.memory_space<vmem_shared>>
      %dma_wait3A_99 = arith.constant 0 : i32
      %dma_wait3A_100 = tpu.memref_slice %arg16[%mul3A_2, %dma_wait3A_99] : memref<1024x128xf32, #tpu.memory_space<vmem_shared>> -> memref<64x128xf32, #tpu.memory_space<vmem_shared>>
      tpu.wait_dma2 semaphore(%run_scoped3A : memref<!tpu.dma_semaphore, #tpu.memory_space<semaphore_mem>>) src(%dma_wait3A_100 : memref<64x128xf32, #tpu.memory_space<vmem_shared>>) dst(%arg13 : memref<64x128xf32, #tpu.memory_space<vmem>>)
      tpu.yield
    }) : () -> ()
    "tpu.region"() ({
      %run_scoped3A = tpu.sem_alloc : memref<!tpu.dma_semaphore, #tpu.memory_space<semaphore_mem>>
      %dma_start3A = arith.constant 0 : i32
      %dma_start3A_95 = tpu.memref_slice %arg7[%arg0, %mul3A_2, %dma_start3A] : memref<2x1024x128xf32, #tpu.memory_space<hbm>> -> memref<1x64x128xf32, #tpu.memory_space<hbm>>
      %dma_start3A_96 = tpu.memref_squeeze %dma_start3A_95 : memref<1x64x128xf32, #tpu.memory_space<hbm>> -> memref<64x128xf32, #tpu.memory_space<hbm>>
      %dma_start3A_97 = arith.constant 0 : i32
      %dma_start3A_98 = tpu.memref_slice %arg7[%arg0, %mul3A_2, %dma_start3A_97] : memref<2x1024x128xf32, #tpu.memory_space<hbm>> -> memref<1x64x128xf32, #tpu.memory_space<hbm>>
      %dma_start3A_99 = tpu.memref_squeeze %dma_start3A_98 : memref<1x64x128xf32, #tpu.memory_space<hbm>> -> memref<64x128xf32, #tpu.memory_space<hbm>>
      tpu.enqueue_dma source(%arg13 : memref<64x128xf32, #tpu.memory_space<vmem>>) target(%dma_start3A_99 : memref<64x128xf32, #tpu.memory_space<hbm>>) target_semaphore(%run_scoped3A : memref<!tpu.dma_semaphore, #tpu.memory_space<semaphore_mem>>)
      %dma_wait3A = arith.constant 0 : i32
      %dma_wait3A_100 = tpu.memref_slice %arg7[%arg0, %mul3A_2, %dma_wait3A] : memref<2x1024x128xf32, #tpu.memory_space<hbm>> -> memref<1x64x128xf32, #tpu.memory_space<hbm>>
      %dma_wait3A_101 = tpu.memref_squeeze %dma_wait3A_100 : memref<1x64x128xf32, #tpu.memory_space<hbm>> -> memref<64x128xf32, #tpu.memory_space<hbm>>
      %dma_wait3A_102 = arith.constant 0 : i32
      %dma_wait3A_103 = tpu.memref_slice %arg7[%arg0, %mul3A_2, %dma_wait3A_102] : memref<2x1024x128xf32, #tpu.memory_space<hbm>> -> memref<1x64x128xf32, #tpu.memory_space<hbm>>
      %dma_wait3A_104 = tpu.memref_squeeze %dma_wait3A_103 : memref<1x64x128xf32, #tpu.memory_space<hbm>> -> memref<64x128xf32, #tpu.memory_space<hbm>>
      tpu.wait_dma2 semaphore(%run_scoped3A : memref<!tpu.dma_semaphore, #tpu.memory_space<semaphore_mem>>) src(%arg13 : memref<64x128xf32, #tpu.memory_space<vmem>>) dst(%dma_wait3A_104 : memref<64x128xf32, #tpu.memory_space<hbm>>)
      tpu.yield
    }) : () -> ()
    "tpu.region"() ({
      %run_scoped3A = tpu.sem_alloc : memref<!tpu.dma_semaphore, #tpu.memory_space<semaphore_mem>>
      %dma_start3A = arith.constant 0 : i32
      %dma_start3A_95 = tpu.memref_slice %arg8[%add3A, %dma_start3A] : memref<32x1024xf32, #tpu.memory_space<hbm>> -> memref<1x1024xf32, #tpu.memory_space<hbm>>
      %dma_start3A_96 = tpu.memref_squeeze %dma_start3A_95 : memref<1x1024xf32, #tpu.memory_space<hbm>> -> memref<1024xf32, #tpu.memory_space<hbm>>
      %dma_start3A_97 = arith.constant 0 : i32
      %dma_start3A_98 = tpu.memref_slice %arg8[%add3A, %dma_start3A_97] : memref<32x1024xf32, #tpu.memory_space<hbm>> -> memref<1x1024xf32, #tpu.memory_space<hbm>>
      %dma_start3A_99 = tpu.memref_squeeze %dma_start3A_98 : memref<1x1024xf32, #tpu.memory_space<hbm>> -> memref<1024xf32, #tpu.memory_space<hbm>>
      tpu.enqueue_dma source(%arg14 : memref<1024xf32, #tpu.memory_space<vmem>>) target(%dma_start3A_99 : memref<1024xf32, #tpu.memory_space<hbm>>) target_semaphore(%run_scoped3A : memref<!tpu.dma_semaphore, #tpu.memory_space<semaphore_mem>>)
      %dma_wait3A = arith.constant 0 : i32
      %dma_wait3A_100 = tpu.memref_slice %arg8[%add3A, %dma_wait3A] : memref<32x1024xf32, #tpu.memory_space<hbm>> -> memref<1x1024xf32, #tpu.memory_space<hbm>>
      %dma_wait3A_101 = tpu.memref_squeeze %dma_wait3A_100 : memref<1x1024xf32, #tpu.memory_space<hbm>> -> memref<1024xf32, #tpu.memory_space<hbm>>
      %dma_wait3A_102 = arith.constant 0 : i32
      %dma_wait3A_103 = tpu.memref_slice %arg8[%add3A, %dma_wait3A_102] : memref<32x1024xf32, #tpu.memory_space<hbm>> -> memref<1x1024xf32, #tpu.memory_space<hbm>>
      %dma_wait3A_104 = tpu.memref_squeeze %dma_wait3A_103 : memref<1x1024xf32, #tpu.memory_space<hbm>> -> memref<1024xf32, #tpu.memory_space<hbm>>
      tpu.wait_dma2 semaphore(%run_scoped3A : memref<!tpu.dma_semaphore, #tpu.memory_space<semaphore_mem>>) src(%arg14 : memref<1024xf32, #tpu.memory_space<vmem>>) dst(%dma_wait3A_104 : memref<1024xf32, #tpu.memory_space<hbm>>)
      tpu.yield
    }) : () -> ()
    "tpu.region"() ({
      %run_scoped3A = tpu.sem_alloc : memref<!tpu.dma_semaphore, #tpu.memory_space<semaphore_mem>>
      %dma_start3A = arith.constant 0 : i32
      %dma_start3A_95 = tpu.memref_slice %arg9[%add3A, %dma_start3A] : memref<32x1024xf32, #tpu.memory_space<hbm>> -> memref<1x1024xf32, #tpu.memory_space<hbm>>
      %dma_start3A_96 = tpu.memref_squeeze %dma_start3A_95 : memref<1x1024xf32, #tpu.memory_space<hbm>> -> memref<1024xf32, #tpu.memory_space<hbm>>
      %dma_start3A_97 = arith.constant 0 : i32
      %dma_start3A_98 = tpu.memref_slice %arg9[%add3A, %dma_start3A_97] : memref<32x1024xf32, #tpu.memory_space<hbm>> -> memref<1x1024xf32, #tpu.memory_space<hbm>>
      %dma_start3A_99 = tpu.memref_squeeze %dma_start3A_98 : memref<1x1024xf32, #tpu.memory_space<hbm>> -> memref<1024xf32, #tpu.memory_space<hbm>>
      tpu.enqueue_dma source(%arg15 : memref<1024xf32, #tpu.memory_space<vmem>>) target(%dma_start3A_99 : memref<1024xf32, #tpu.memory_space<hbm>>) target_semaphore(%run_scoped3A : memref<!tpu.dma_semaphore, #tpu.memory_space<semaphore_mem>>)
      %dma_wait3A = arith.constant 0 : i32
      %dma_wait3A_100 = tpu.memref_slice %arg9[%add3A, %dma_wait3A] : memref<32x1024xf32, #tpu.memory_space<hbm>> -> memref<1x1024xf32, #tpu.memory_space<hbm>>
      %dma_wait3A_101 = tpu.memref_squeeze %dma_wait3A_100 : memref<1x1024xf32, #tpu.memory_space<hbm>> -> memref<1024xf32, #tpu.memory_space<hbm>>
      %dma_wait3A_102 = arith.constant 0 : i32
      %dma_wait3A_103 = tpu.memref_slice %arg9[%add3A, %dma_wait3A_102] : memref<32x1024xf32, #tpu.memory_space<hbm>> -> memref<1x1024xf32, #tpu.memory_space<hbm>>
      %dma_wait3A_104 = tpu.memref_squeeze %dma_wait3A_103 : memref<1x1024xf32, #tpu.memory_space<hbm>> -> memref<1024xf32, #tpu.memory_space<hbm>>
      tpu.wait_dma2 semaphore(%run_scoped3A : memref<!tpu.dma_semaphore, #tpu.memory_space<semaphore_mem>>) src(%arg15 : memref<1024xf32, #tpu.memory_space<vmem>>) dst(%dma_wait3A_104 : memref<1024xf32, #tpu.memory_space<hbm>>)
      tpu.yield
    }) : () -> ()
    return
  }
}

module attributes {stable_mosaic.version = 14 : i64} {
  func.func @_combine_body(%arg0: memref<2x1000x128xf32, #tpu.memory_space<vmem>>, %arg1: memref<32x8x128xf32, #tpu.memory_space<vmem>>, %arg2: memref<32x8x128xf32, #tpu.memory_space<vmem>>, %arg3: memref<1000x8xf32, #tpu.memory_space<vmem>>, %arg4: memref<1000x128xf32, #tpu.memory_space<vmem>>, %arg5: memref<128x128xf32, #tpu.memory_space<vmem>>, %arg6: memref<1000x128xf32, #tpu.memory_space<vmem>>, %arg7: memref<1000x128xf32, #tpu.memory_space<vmem>>) attributes {dimension_semantics = [], scalar_prefetch = 0 : i64, scratch_operands = 0 : i64, tpu.core_type = #tpu.core_type<tc>} {
    %get3A = arith.constant 0 : index
    %get3A_0 = arith.constant 0 : index
    %get3A_1 = arith.constant 0 : index
    %get3A_2 = vector.load %arg0[%get3A, %get3A_0, %get3A_1] : memref<2x1000x128xf32, #tpu.memory_space<vmem>>, vector<1x1000x128xf32>
    %get3A_3 = vector.shape_cast %get3A_2 : vector<1x1000x128xf32> to vector<1000x128xf32>
    %get3A_4 = arith.constant 1 : index
    %get3A_5 = arith.constant 0 : index
    %get3A_6 = arith.constant 0 : index
    %get3A_7 = vector.load %arg0[%get3A_4, %get3A_5, %get3A_6] : memref<2x1000x128xf32, #tpu.memory_space<vmem>>, vector<1x1000x128xf32>
    %get3A_8 = vector.shape_cast %get3A_7 : vector<1x1000x128xf32> to vector<1000x128xf32>
    %add3A = arith.addf %get3A_3, %get3A_8 : vector<1000x128xf32>
    %get3A_9 = arith.constant 0 : index
    %get3A_10 = arith.constant 0 : index
    %get3A_11 = arith.constant 0 : index
    %get3A_12 = vector.load %arg1[%get3A_9, %get3A_10, %get3A_11] : memref<32x8x128xf32, #tpu.memory_space<vmem>>, vector<32x8x128xf32>
    %reduce_sum3A = arith.constant dense<0.000000e+00> : vector<8x128xf32>
    %reduce_sum3A_13 = vector.multi_reduction <add>, %get3A_12, %reduce_sum3A [0] : vector<32x8x128xf32> to vector<8x128xf32>
    %get3A_14 = arith.constant 0 : index
    %get3A_15 = arith.constant 0 : index
    %get3A_16 = arith.constant 0 : index
    %get3A_17 = vector.load %arg2[%get3A_14, %get3A_15, %get3A_16] : memref<32x8x128xf32, #tpu.memory_space<vmem>>, vector<32x8x128xf32>
    %reduce_sum3A_18 = arith.constant dense<0.000000e+00> : vector<8x128xf32>
    %reduce_sum3A_19 = vector.multi_reduction <add>, %get3A_17, %reduce_sum3A_18 [0] : vector<32x8x128xf32> to vector<8x128xf32>
    %get3A_20 = arith.constant 0 : index
    %get3A_21 = arith.constant 0 : index
    %get3A_22 = vector.load %arg3[%get3A_20, %get3A_21] : memref<1000x8xf32, #tpu.memory_space<vmem>>, vector<1000x8xf32>
    %get3A_23 = arith.constant 0 : index
    %get3A_24 = arith.constant 0 : index
    %get3A_25 = vector.load %arg4[%get3A_23, %get3A_24] : memref<1000x128xf32, #tpu.memory_space<vmem>>, vector<1000x128xf32>
    %get3A_26 = arith.constant 0 : index
    %get3A_27 = arith.constant 0 : index
    %get3A_28 = vector.load %arg5[%get3A_26, %get3A_27] : memref<128x128xf32, #tpu.memory_space<vmem>>, vector<128x128xf32>
    %dot_general3A = arith.constant dense<0.000000e+00> : vector<1000x128xf32>
    %dot_general3A_29 = tpu.matmul %get3A_22, %reduce_sum3A_13, %dot_general3A {dimension_numbers = #tpu.dot_dimension_numbers<[1], [0], [0], [1], [0, 0, 1, 1], [], []>, precision = #tpu.contract_precision<fp32>, transpose_lhs_hint = false} : vector<1000x8xf32>, vector<8x128xf32>, vector<1000x128xf32> -> vector<1000x128xf32>
    %mul3A = arith.mulf %dot_general3A_29, %get3A_25 : vector<1000x128xf32>
    %dot_general3A_30 = arith.constant dense<0.000000e+00> : vector<1000x128xf32>
    %dot_general3A_31 = tpu.matmul %mul3A, %get3A_28, %dot_general3A_30 {dimension_numbers = #tpu.dot_dimension_numbers<[1], [0], [0], [1], [0, 0, 1, 1], [], []>, precision = #tpu.contract_precision<fp32>, transpose_lhs_hint = false} : vector<1000x128xf32>, vector<128x128xf32>, vector<1000x128xf32> -> vector<1000x128xf32>
    %dot_general3A_32 = arith.constant dense<0.000000e+00> : vector<1000x128xf32>
    %dot_general3A_33 = tpu.matmul %get3A_22, %reduce_sum3A_19, %dot_general3A_32 {dimension_numbers = #tpu.dot_dimension_numbers<[1], [0], [0], [1], [0, 0, 1, 1], [], []>, precision = #tpu.contract_precision<fp32>, transpose_lhs_hint = false} : vector<1000x8xf32>, vector<8x128xf32>, vector<1000x128xf32> -> vector<1000x128xf32>
    %mul3A_34 = arith.mulf %dot_general3A_33, %get3A_25 : vector<1000x128xf32>
    %dot_general3A_35 = arith.constant dense<0.000000e+00> : vector<1000x128xf32>
    %dot_general3A_36 = tpu.matmul %mul3A_34, %get3A_28, %dot_general3A_35 {dimension_numbers = #tpu.dot_dimension_numbers<[1], [0], [0], [1], [0, 0, 1, 1], [], []>, precision = #tpu.contract_precision<fp32>, transpose_lhs_hint = false} : vector<1000x128xf32>, vector<128x128xf32>, vector<1000x128xf32> -> vector<1000x128xf32>
    %gt3A = arith.constant 0.000000e+00 : f32
    %gt3A_37 = vector.broadcast %gt3A : f32 to vector<1000x128xf32>
    %gt3A_38 = arith.cmpf ogt, %dot_general3A_31, %gt3A_37 : vector<1000x128xf32>
    %sub3A = arith.subf %dot_general3A_31, %dot_general3A_36 : vector<1000x128xf32>
    %sub3A_39 = arith.constant 3.200010e+05 : f32
    %sub3A_40 = vector.broadcast %sub3A_39 : f32 to vector<1000x128xf32>
    %sub3A_41 = arith.subf %sub3A_40, %dot_general3A_36 : vector<1000x128xf32>
    %select_n3A = arith.select %gt3A_38, %sub3A, %sub3A_41 : vector<1000x128xi1>, vector<1000x128xf32>
    %gt3A_42 = arith.constant 0.000000e+00 : f32
    %gt3A_43 = vector.broadcast %gt3A_42 : f32 to vector<1000x128xf32>
    %gt3A_44 = arith.cmpf ogt, %dot_general3A_36, %gt3A_43 : vector<1000x128xf32>
    %jit3A = arith.constant 0.000000e+00 : f32
    %broadcast_in_dim3A = vector.broadcast %jit3A : f32 to vector<1000x128xf32>
    %select_n3A_45 = arith.select %gt3A_44, %select_n3A, %broadcast_in_dim3A : vector<1000x128xi1>, vector<1000x128xf32>
    %max3A = arith.constant 1.000000e+00 : f32
    %max3A_46 = vector.broadcast %max3A : f32 to vector<1000x128xf32>
    %max3A_47 = arith.maximumf %select_n3A_45, %max3A_46 : vector<1000x128xf32>
    %div3A = arith.divf %add3A, %max3A_47 : vector<1000x128xf32>
    %get3A_48 = arith.constant 0 : index
    %get3A_49 = arith.constant 0 : index
    %get3A_50 = vector.load %arg6[%get3A_48, %get3A_49] : memref<1000x128xf32, #tpu.memory_space<vmem>>, vector<1000x128xf32>
    %gt3A_51 = arith.constant 0.000000e+00 : f32
    %gt3A_52 = vector.broadcast %gt3A_51 : f32 to vector<1000x128xf32>
    %gt3A_53 = arith.cmpf ogt, %select_n3A_45, %gt3A_52 : vector<1000x128xf32>
    %mul3A_54 = arith.constant 9.900000e-01 : f32
    %mul3A_55 = vector.broadcast %mul3A_54 : f32 to vector<1000x128xf32>
    %mul3A_56 = arith.mulf %mul3A_55, %get3A_50 : vector<1000x128xf32>
    %mul3A_57 = arith.constant 0.00999999977 : f32
    %mul3A_58 = vector.broadcast %mul3A_57 : f32 to vector<1000x128xf32>
    %mul3A_59 = arith.mulf %mul3A_58, %div3A : vector<1000x128xf32>
    %add3A_60 = arith.addf %mul3A_56, %mul3A_59 : vector<1000x128xf32>
    %select_n3A_61 = arith.select %gt3A_53, %add3A_60, %get3A_50 : vector<1000x128xi1>, vector<1000x128xf32>
    %swap3A = arith.constant 0 : index
    %swap3A_62 = arith.constant 0 : index
    %swap3A_63 = vector.load %arg7[%swap3A, %swap3A_62] : memref<1000x128xf32, #tpu.memory_space<vmem>>, vector<1000x128xf32>
    tpu.vector_store %arg7[%swap3A, %swap3A_62], %select_n3A_61 {strides = array<i32>} : memref<1000x128xf32, #tpu.memory_space<vmem>>, vector<1000x128xf32>,
    return
  }
}

</mosaic_0001>

<sc_bundles>
// kernel: kernel.4.cloned.1.call-start
scs
__scs_entry_jumppad:
0x0: {  	(pc) =	sbr.rel $0x88, $3  }
0x1: {  	(tag) =	ssettag $0x0;
	lr =	simm.s32 $0x1  }
0x2: {  	[smem:$0x3F9E] =	sst lr;
	_ =	strace $0xD0000000  }
0x3: {  	_ = 	snop  }
0x4: {  	_ = 	snop  }
0x5: {  	_ = 	snop  }
0x6: {  	_ = 	snop  }
0x7: {  	_ = 	snop  }
__scs_overlays_trampoline_lowered:
0x8: {  	[smem:$0x3FAD] =	sst s0  }
0x9: {  	[smem:$0x3FAE] =	sst s1  }
0xa: {  	[smem:$0x3FAF] =	sst s2  }
0xb: {  	[smem:$0x3FB0] =	sst s3  }
0xc: {  	[smem:$0x3FB1] =	sst s4  }
0xd: {  	[smem:$0x3FB2] =	sst s5  }
0xe: {  	[smem:$0x3FB3] =	sst s6  }
0xf: {  	[smem:$0x3FB4] =	sst s7  }
0x10: {  	[smem:$0x3FB5] =	sst s8  }
0x11: {  	[smem:$0x3FB6] =	sst s9;
	s0 =	simm.s32 @!p0 $0x0  }
0x12: {  	s1 =	sld [smem:$0x3F9C];
	s0 =	simm.s32 @p0 $0x1  }
0x13: {  	[smem:$0x3FB7] =	sst s0;
	s0 =	simm.s32 @!p1 $0x0  }
0x14: {  	s2 =	sld [smem:$0x3F9B];
	s0 =	simm.s32 @p1 $0x1  }
0x15: {  	[smem:$0x3FB8] =	sst s0;
	s0 =	simm.s32 @!p2 $0x0  }
0x16: {  	s3 =	sld [smem:$0x3FDB];
	s0 =	simm.s32 @p2 $0x1  }
0x17: {  	s4 =	simm.s32 $0x1BF5;
	[smem:$0x3FBA] =	sst s0  }
0x18: {  	s0 =	sld [smem:$0x3F9D];
	_ =	swait.ge [sflag:s4], $0x0  }
0x19: {  	s7 =	sld [smem:$0x3F9E]  }
0x1a: {  	s8 =	sadd.s32 $0xFFFFE003, lr  }
0x1b: {  	s9 =	sadd.s32 $0xFFFFFEF7, lr;
	s5 =	simm.s32 $0xFFFFFFFF;
	p2 =	slt.u32 s8, $0xFFFFF086  }
0x1c: {  	p1 =	slt.u32 s9, $0xF7A;
	s5 =	simm.s32 @!p2 $0x0  }
0x1d: {  	s5 =	simm.s32 @p1 $0x1;
	p0 =	seq.s32 s7, s2  }
0x1e: {  	s7 =	smul.u32 @!p0 $0xF7A, s2;
	p2 =	seq.s32 @!p0 s5, $0x0  }
0x1f: {  	s9 =	smul.u32 $0xF7A, s1;
	s8 =	simm.s32 @!p0 $0x1BF5;
	p2 =	por !p2, p0  }
0x20: {  	[sflag:s8] =	ssyncset.s32 @!p0 $0xFFFFF086;
	s6 =	sadd.s32 @!p0 s3, s7;
	s7 =	simm.s32 @!p0 $0x108  }
0x21: {  	s3 =	sadd.s32 s3, s9;
	s6 =	sadd.s32 @!p0 $0x88, s6;
	s7 =	simm.s32 @p2 $0x1082  }
0x22: {  	[simem:s7], [sflag:s8] =	dma.local @!p0 [hbm:s6], $0xF7A  }
0x23: {  	s9 =	sor.u32 $0xD0000000, s2;
	s6 =	simm.s32 $0x108;
	_ =	swait.ge @!p0 [sflag:s8], $0x0  }
0x24: {  	s3 =	sadd.s32 $0x88, s3;
	s6 =	simm.s32 @!p1 $0x1082;
	[sflag:s4] =	ssyncset.s32 $0xFFFFF086  }
0x25: {  	[simem:s6], [sflag:s4] =	dma.local [hbm:s3], $0xF7A  }
0x26: {  	[smem:$0x3F9E] =	sst s1;
	(tag) =	ssettag s2;
	_ =	strace s9  }
0x27: {  	s1 =	sld [smem:$0x3FAE]  }
0x28: {  	s2 =	sld [smem:$0x3FAF]  }
0x29: {  	s4 =	sld [smem:$0x3FB1]  }
0x2a: {  	p0 =	seq.s32 s5, $0x0;
	s5 =	sld [smem:$0x3FB2]  }
0x2b: {  	s6 =	sld [smem:$0x3FB3]  }
0x2c: {  	s7 =	sld [smem:$0x3FB4]  }
0x2d: {  	s3 =	simm.s32 $0x108;
	s8 =	sld [smem:$0x3FB5]  }
0x2e: {  	s3 =	simm.s32 @!p0 $0x1082;
	s9 =	sld [smem:$0x3FB6]  }
0x2f: {  	lr =	sadd.s32 s0, s3;
	s0 =	sld [smem:$0x3FAD]  }
0x30: {  	s3 =	sld [smem:$0x3FB0]  }
0x31: {  	[smem:$0x3FB9] =	sst s10  }
0x32: {  	s10 =	sld [smem:$0x3FB7];
	_ =	sdelay $0x3  }
0x33: {  	p0 =	seq.s32 s10, $0x1;
	s10 =	sld [smem:$0x3FB9];
	_ =	sdelay $0x3  }
0x34: {  	[smem:$0x3FB9] =	sst s10  }
0x35: {  	s10 =	sld [smem:$0x3FB8];
	_ =	sdelay $0x3  }
0x36: {  	p1 =	seq.s32 s10, $0x1;
	s10 =	sld [smem:$0x3FB9];
	_ =	sdelay $0x3  }
0x37: {  	[smem:$0x3FB9] =	sst s10  }
0x38: {  	s10 =	sld [smem:$0x3FBA]  }
0x39: {  	_ = 	snop;
	(pc) =	sbr.ind lr, $3  }
0x3a: {  	_ = 	snop  }
0x3b: {  	_ = 	snop  }
0x3c: {  	p2 =	seq.s32 s10, $0x1;
	s10 =	sld [smem:$0x3FB9]  }
0x3d: {  	_ =	shalt  }
0x3e: {  	_ =	shalt  }
0x3f: {  	_ =	shalt  }
0x40: {  	_ =	shalt  }
0x41: {  	_ =	shalt  }
0x42: {  	_ =	shalt  }
0x43: {  	_ =	shalt  }
0x44: {  	_ =	shalt  }
0x45: {  	_ =	shalt  }
0x46: {  	_ =	shalt  }
0x47: {  	_ =	shalt  }
0x48: {  	_ =	shalt  }
0x49: {  	_ =	shalt  }
0x4a: {  	_ =	shalt  }
0x4b: {  	_ =	shalt  }
0x4c: {  	_ =	shalt  }
0x4d: {  	_ =	shalt  }
0x4e: {  	_ =	shalt  }
0x4f: {  	_ =	shalt  }
0x50: {  	_ =	shalt  }
0x51: {  	_ =	shalt  }
0x52: {  	_ =	shalt  }
0x53: {  	_ =	shalt  }
0x54: {  	_ =	shalt  }
0x55: {  	_ =	shalt  }
0x56: {  	_ =	shalt  }
0x57: {  	_ =	shalt  }
0x58: {  	_ =	shalt  }
0x59: {  	_ =	shalt  }
0x5a: {  	_ =	shalt  }
0x5b: {  	_ =	shalt  }
0x5c: {  	_ =	shalt  }
0x5d: {  	_ =	shalt  }
0x5e: {  	_ =	shalt  }
0x5f: {  	_ =	shalt  }
0x60: {  	_ =	shalt  }
0x61: {  	_ =	shalt  }
0x62: {  	_ =	shalt  }
0x63: {  	_ =	shalt  }
0x64: {  	_ =	shalt  }
0x65: {  	_ =	shalt  }
0x66: {  	_ =	shalt  }
0x67: {  	_ =	shalt  }
0x68: {  	_ =	shalt  }
0x69: {  	_ =	shalt  }
0x6a: {  	_ =	shalt  }
0x6b: {  	_ =	shalt  }
0x6c: {  	_ =	shalt  }
0x6d: {  	_ =	shalt  }
0x6e: {  	_ =	shalt  }
0x6f: {  	_ =	shalt  }
0x70: {  	_ =	shalt  }
0x71: {  	_ =	shalt  }
0x72: {  	_ =	shalt  }
0x73: {  	_ =	shalt  }
0x74: {  	_ =	shalt  }
0x75: {  	_ =	shalt  }
0x76: {  	_ =	shalt  }
0x77: {  	_ =	shalt  }
0x78: {  	_ =	shalt  }
0x79: {  	_ =	shalt  }
0x7a: {  	_ =	shalt  }
0x7b: {  	_ =	shalt  }
0x7c: {  	_ =	shalt  }
0x7d: {  	_ =	shalt  }
0x7e: {  	_ =	shalt  }
0x7f: {  	_ =	shalt  }
0x80: {  	_ =	shalt  }
0x81: {  	_ =	shalt  }
0x82: {  	_ =	shalt  }
0x83: {  	_ =	shalt  }
0x84: {  	_ =	shalt  }
0x85: {  	_ =	shalt  }
0x86: {  	_ =	shalt  }
0x87: {  	_ =	shalt  }
.Lfunc_end0:
.L_simem_size_0:
called_computation_lowered:
.L_overlay_start_0:
0x88: {  	s2 =	sld [smem:$0x3FD9]  }
0x89: {  	s3 =	sld [smem:$0x3FFE];
	_ =	sdelay $0x1  }
0x8a: {  	s1 =	srdreg.scid  }
0x8b: {  	s0 =	sand.u32 $0x1, s1  }
0x8c: {  	s17 =	sshll.u32 s0, $0xA;
	s2 =	sadd.s32 s3, s2  }
0x8d: {  	s2 =	sadd.s32 s2, s17  }
0x8e: {  	[smem:$0x3FC5] =	sst s2  }
0x8f: {  	_ = 	snop  }
0x90: {  	s2 =	sld [smem:$0x3FC9]  }
0x91: {  	s18 =	sld [smem:$0x3FC8]  }
0x92: {  	s4 =	sld [smem:$0x3FD0];
	(tm) =	ssettm $0x1  }
0x93: {  	s5 =	sld [smem:$0x3FFB];
	_ =	sdelay $0x3  }
0x94: {  	_ =	strace s5  }
0x95: {  	s5 =	sld [smem:$0x3FFC];
	_ =	sdelay $0x3  }
0x96: {  	_ =	strace s5  }
0x97: {  	s5 =	sld [smem:$0x3FFD];
	_ =	sdelay $0x3  }
0x98: {  	_ =	strace s5  }
0x99: {  	_ =	strace $0x8FFFFFFF  }
0x9a: {  	s19 =	sld [smem:$0x3FDB];
	_ =	sdelay $0x1  }
0x9b: {  	s6 =	simm.s32 $_scs_section_size  }
0x9c: {  	s7 =	simm.s32 $_size__tile_overlayer_lowered;
	s8 =	simm.s32 $_tile_overlayer_lowered  }
0x9d: {  	s22 =	simm.s32 $0x1BFF;
	s21 =	sshll.u32 s8, $0x1;
	s5 =	sadd.s32 s6, s19  }
0x9e: {  	s9 =	simm.s32 $0x0;
	s20 =	sshll.u32 s7, $0x1;
	s7 =	sadd.s32 s21, s5  }
0x9f: {  	[timem:s9], [sflag:s22] =	dma.local [hbm:s7], s20  }
0xa0: {  	_ =	swait.ge [sflag:s22], s20  }
0xa1: {  	s6 =	ssub.s32 $0x0, s20;
	[sflag:s22] =	ssyncset.done $0x0  }
0xa2: {  	[sflag:s22] =	ssyncadd.s32 s6;
	_ =	sdelay $0x1  }
0xa3: {  	s23 =	simm.s32 $0x1B8B  }
0xa4: {  	_ =	swait.ge [sflag:s23], $0x1  }
0xa5: {  	[sflag:s23] =	ssyncset.done $0x0  }
0xa6: {  	s25 =	simm.s32 $0x1B8E;
	s24 =	sld [smem:$0x3FFE];
	[sflag:s23] =	ssyncadd.s32 $0xFFFFFFFF  }
0xa7: {  	s26 =	simm.s32 $execute0_lowered;
	[smem:$0x3FD2] =	sst s25  }
0xa8: {  	s7 =	sshll.u32 s26, $0x1;
	_ =	strace $0x80000046;
	[dreg:$0x1] =	wrdreg $0xFFFFFFFF  }
0xa9: {  	s28 =	simm.s32 $_size_execute0_lowered;
	s5 =	sadd.s32 s5, s7;
	[dreg:$0x0] =	wrdreg $0x0  }
0xaa: {  	s7 =	sshll.u32 s28, $0x1;
	[dreg:$0x2] =	wrdreg s5  }
0xab: {  	[dreg:$0x3] =	wrdreg s7  }
0xac: {  	[dreg:$0x4] =	wrdreg $0xC0  }
0xad: {  	_ =	task [dreg:s9], $0x5FFFF  }
0xae: {  	[dreg:$0x1] =	wrdreg $0xFFFFFFFF  }
0xaf: {  	[dreg:$0x0] =	wrdreg $0x60  }
0xb0: {  	[dreg:$0x2] =	wrdreg s2  }
0xb1: {  	[dreg:$0x3] =	wrdreg s18  }
0xb2: {  	[dreg:$0x4] =	wrdreg s24  }
0xb3: {  	[dreg:$0x5] =	wrdreg s4  }
0xb4: {  	[dreg:$0x6] =	wrdreg $0xAA000  }
0xb5: {  	[dreg:$0x7] =	wrdreg $0x9  }
0xb6: {  	_ =	task.clear_ibuf [dreg:s9], $0x8FFFF;
	_ =	strace $0x90000046  }
0xb7: {  	s29 =	simm.s32 $0x9;
	_ =	strace $0x80000048  }
0xb8: {  	_ =	swait.ge [sflag:s29], $0x1  }
0xb9: {  	[sflag:s29] =	ssyncadd.s32 $0xFFFFFFFF  }
0xba: {  	_ =	strace $0x90000048  }
0xbb: {  	_ =	sfence  }
0xbc: {  	s30 =	sld [smem:$0x0];
	_ =	sdelay $0x2  }
0xbd: {  	s31 =	sshll.u32 s1, $0xD;
	s1 =	sshrl.u32 s1, $0x2  }
0xbe: {  	s3 =	sand.u32 $0x4000, s31;
	s1 =	sadd.s32 s1, s30  }
0xbf: {  	s0 =	sor.u32 s3, s0;
	s1 =	sshll.u32 s1, $0x11  }
0xc0: {  	s0 =	sor.u32 s1, s0  }
0xc1: {  	s0 =	sadd.s32 $0x8F2B, s0  }
0xc2: {  	[sflag:s0] =	ssyncadd.remote.s32 $0x1  }
0xc3: {  	_ =	sfence.sel $0xFFFF  }
0xc4: {  	[dreg:$0x0] =	wrdreg $0xFFFFFFFF;
	(pc) =	sbr.abs _section_cstart, $3  }
0xc5: {  	[dreg:$0x1] =	wrdreg $0xFFFFFFFF  }
0xc6: {  	_ =	task.clear_ibuf [dreg:s9], $0x2FFFF;
	_ =	strace $0x9FFFFFFF  }
0xc7: {  	(tm) =	ssettm $0x7FFFFFFF  }
tec
execute0_lowered:
.L_overlay_start_1:
0x0: {  	(tag) =	ssettag $0x1  }
0x1: {  	s0 =	rddreg [dreg:$0x0]  }
0x2: {  	s18 =	rddreg [dreg:$0x1]  }
0x3: {  	s3 =	rddreg [dreg:$0x2]  }
0x4: {  	s1 =	rddreg [dreg:$0x3]  }
0x5: {  	s2 =	rddreg [dreg:$0x4];
	s4 =	simm.s32 $0x0;
	s19 =	stileid.u32  }
0x6: {  	s5 =	srdreg.scid;
	s28 =	simm.s32 $0x5;
	s29 =	simm.s32 $0xA200  }
0x7: {  	s30 =	simm.s32 $0xA600;
	s31 =	simm.s32 $0x80;
	[smem:$0x7FF] =	sst s4  }
0x8: {  	s21 =	sadd.s32 $0xE00, s3;
	s5 =	sand.u32 $0x1, s5;
	s6 =	sshll.u32 s19, $0x1  }
0x9: {  	s7 =	sadd.s32 $0xAC00, s3;
	s8 =	sshll.u32 s19, $0xA;
	s9 =	sshll.u32 s19, $0x8  }
0xa: {  	s25 =	sshll.u32 s19, $0xD;
	_ =	strace $0x80000047;
	[dreg:$0x7] =	wrdreg s7  }
0xb: {  	s7 =	sadd.s32 $0xB000, s3;
	s6 =	sor.u32 s5, s6;
	s22 =	ssub.s32 $0x2, s5  }
0xc: {  	s12 =	sadd.s32 s8, s3;
	[dreg:$0x6] =	wrdreg s21;
	s10 =	sshll.u32 s6, $0x4  }
0xd: {  	s6 =	smul.u32 $0x9C4, s6;
	s23 =	sshrl.u32 s22, $0x1;
	s9 =	sor.u32 s9, s10  }
0xe: {  	s10 =	ssub.s32 s22, s23;
	s22 =	smul.u32 $0x1388, s19;
	s13 =	sand.u32 $0xC70, s9  }
0xf: {  	s24 =	sadd.s32 $0x9C4, s6;
	s14 =	sshrl.u32 s6, $0x5;
	s6 =	sshll.u32 s6, $0x6  }
0x10: {  	s9 =	sadd.s32 s25, s2;
	s3 =	sadd.s32 s13, s3;
	s8 =	sshrl.u32 s24, $0x5  }
0x11: {  	s6 =	sand.u32 $0x7FF800, s6;
	s15 =	sshll.u32 s14, $0x4;
	s20 =	sadd.s32 $0x1, s14  }
0x12: {  	s24 =	smul.u32 $0x9C4, s5;
	s5 =	sshll.u32 s5, $0xE;
	s1 =	sadd.s32 s1, s13  }
0x13: {  	s13 =	simm.s32 $0x0;
	s11 =	ssub.s32 s8, s14;
	s6 =	sadd.s32 s0, s6  }
0x14: {  	s23 =	sshll.u32 s20, $0xB;
	s25 =	sadd.s32 s18, s15;
	[dreg:$0xd] =	wrdreg s1  }
0x15: {  	s15 =	sadd.s32 s21, s15;
	s5 =	sadd.s32 s5, s12;
	[dreg:$0x8] =	wrdreg s6  }
0x16: {  	s3 =	sadd.s32 $0x13200, s3;
	s12 =	simm.s32 $0x400;
	[dreg:$0x9] =	wrdreg s25  }
0x17: {  	s26 =	sadd.s32 $0x1, s11;
	p0 =	slt.s32 s11, $0x0;
	[dreg:$0xa] =	wrdreg s15  }
0x18: {  	s11 =	simm.s32 $0x1;
	[dreg:$0x10] =	wrdreg s3;
	s16 =	sand.u32 $0x8000, s26  }
0x19: {  	s3 =	simm.s32 $0x3;
	s17 =	sand.u32 $0x1, s26;
	s16 =	sshrl.u32 s16, $0xF  }
0x1a: {  	p1 =	seq.s32 s17, $0x1;
	s17 =	sshll.u32 s20, $0x4;
	s6 =	sadd.s32 s16, s26  }
0x1b: {  	p0 =	por !p0, !p1;
	s26 =	sand.u32 $0x1FFFF800, s23;
	s19 =	sadd.s32 s18, s17  }
0x1c: {  	s23 =	sadd.s32 s21, s17;
	s18 =	simm.s32 $0x1;
	p1 =	sge.u32 s20, s8  }
0x1d: {  	s6 =	sshll.u32 s6, $0x10;
	p0 =	por !p0, !p0;
	[dreg:$0xc] =	wrdreg s19  }
0x1e: {  	s15 =	sadd.s32 s0, s26;
	[dreg:$0xe] =	wrdreg s23;
	s26 =	smax.u32 s10, $0x1  }
0x1f: {  	s10 =	simm.s32 $0x4000;
	s6 =	sshra.s32 s6, $0x11;
	[dreg:$0xb] =	wrdreg s15  }
0x20: {  	s11 =	simm.s32 @!p0 $0x0;
	p0 =	sle.u32 s8, s14;
	[dreg:$0x11] =	wrdreg s26  }
0x21: {  	s26 =	simm.s32 $0x8200;
	s11 =	ssub.s32 s6, s11;
	s6 =	sadd.s32 s24, s22  }
0x22: {  	s24 =	sadd.s32 $0xB200, s5;
	s5 =	simm.s32 $0x4;
	s6 =	sshrl.u32 s6, $0x5  }
.Ltmp0:
0x23: {  	[dreg:$0xf] =	wrdreg s24;
	p2 =	slt.s32 s11, $0x1;
	(pc) =	sbr.rel .LBB2_1-.Ltmp0, $4  }
0x24: {  	s22 =	sshll.u32 s6, $0xB;
	s25 =	sshll.u32 s6, $0x7;
	s24 =	sshll.u32 s6, $0x4  }
0x25: {  	s14 =	sadd.s32 $0x3, s6;
	s0 =	sadd.s32 s22, s0;
	s1 =	sadd.s32 $0xF1, s25  }
0x26: {  	s6 =	simm.s32 $0x8080;
	[dreg:$0x12] =	wrdreg s1;
	s0 =	sadd.s32 $0x1000, s0  }
0x27: {  	v0 =	vlaneseq.u32;
	s1 =	simm.s32 $0x2;
	[dreg:$0x13] =	wrdreg s0;
	s0 =	simm.s32 $0x8000  }
.LBB2_7:
0x28: {  	[bflag:$0x0] =	sbarrier.arrive $0xFFFF  }
0x29: {  	[tilespmem:s26], [sflag:$0x5] =	stream.linear.gather [spmem:s9], $0x2000, $0x38;
	[tilespmem:$0xCA00] =	vst v63  }
0x2a: {  	_ =	swait.ge [sflag:s28], $0x2000  }
0x2b: {  	[sflag:s28] =	ssyncset.done $0x0  }
0x2c: {  	s15 =	rddreg [dreg:$0xf];
	[sflag:s28] =	ssyncadd.s32 $0xFFFFE000  }
0x2d: {  	[hbm4b:s15+s4] =	stream.linear.scatter [tilespmem:s26], [sflag:$0x5], $0x2000, $0x38;
	[tilespmem:$0xCA00] =	vst v63  }
0x2e: {  	_ =	swait.ge [sflag:s28], $0x2000  }
0x2f: {  	[sflag:s28] =	ssyncset.done $0x0  }
0x30: {  	s22 =	rddreg [dreg:$0xd];
	[sflag:s28] =	ssyncadd.s32 $0xFFFFE000  }
0x31: {  	[hbm4b:s22+s31] =	stream.strided.scatter [tilespmem:s29], [sflag:$0x5], $0x400, s12, s31, $0x38;
	[tilespmem:$0xCA00] =	vst v63  }
0x32: {  	_ =	swait.ge [sflag:s28], $0x400  }
0x33: {  	[sflag:s28] =	ssyncset.done $0x0  }
0x34: {  	s23 =	rddreg [dreg:$0x10];
	[sflag:s28] =	ssyncadd.s32 $0xFFFFFC00  }
0x35: {  	[hbm4b:s23+s31] =	stream.strided.scatter [tilespmem:s30], [sflag:$0x5], $0x400, s12, s31, $0x38;
	[tilespmem:$0xCA00] =	vst v63  }
0x36: {  	_ =	swait.ge [sflag:s28], $0x400  }
0x37: {  	s13 =	sadd.s32 $0x1, s13;
	s25 =	rddreg [dreg:$0x11]  }
0x38: {  	p3 =	sne.s32 s13, s25  }
.Ltmp1:
0x39: {  	_ = 	snop;
	(pc) =	sbr.rel @!p3 .LBB2_8-.Ltmp1, $3  }
0x3a: {  	_ =	sdelay $0x1  }
0x3b: {  	[sflag:s28] =	ssyncset.done $0x0  }
0x3c: {  	[sflag:s28] =	ssyncadd.s32 $0xFFFFFC00  }
.LBB2_1:
0x3d: {  	s15 =	rddreg [dreg:$0x7]  }
0x3e: {  	[tilespmem:s26], [sflag:$0x5] =	stream.linear.gather [hbm4b:s15+s4], $0x2000, $0x38;
	[tilespmem:$0xCA00] =	vst v63  }
0x3f: {  	_ =	swait.ge [sflag:s28], $0x2000  }
0x40: {  	[sflag:s28] =	ssyncset.done $0x0  }
0x41: {  	[sflag:s28] =	ssyncadd.s32 $0xFFFFE000  }
0x42: {  	[spmem:s9] =	stream.linear.scatter [tilespmem:s26], [sflag:$0x5], $0x2000, $0x38;
	[tilespmem:$0xCA00] =	vst v63  }
0x43: {  	_ =	swait.ge [sflag:s28], $0x2000  }
0x44: {  	[sflag:s28] =	ssyncset.done $0x0  }
0x45: {  	[sflag:s28] =	ssyncadd.s32 $0xFFFFE000  }
0x46: {  	[tilespmem:s29], [sflag:$0x5] =	stream.linear.gather [hbm4b:s7+s4], $0x400, $0x38;
	[tilespmem:$0xCA00] =	vst v63  }
0x47: {  	_ =	swait.ge [sflag:s28], $0x400  }
0x48: {  	[sflag:s28] =	ssyncset.done $0x0  }
0x49: {  	[sflag:s28] =	ssyncadd.s32 $0xFFFFFC00  }
0x4a: {  	[tilespmem:s30], [sflag:$0x5] =	stream.linear.gather [hbm4b:s7+s4], $0x400, $0x38;
	[tilespmem:$0xCA00] =	vst v63  }
0x4b: {  	_ =	swait.ge [sflag:s28], $0x400  }
0x4c: {  	[sflag:s28] =	ssyncset.done $0x0  }
0x4d: {  	[sflag:s28] =	ssyncadd.s32 $0xFFFFFC00  }
0x4e: {  	[bflag:$0x0] =	sbarrier.arrive $0xFFFF  }
0x4f: {  	s16 =	rddreg [dreg:$0x8]  }
0x50: {  	s15 =	simm.s32 @!p0 $0x0;
	s17 =	rddreg [dreg:$0x9]  }
0x51: {  	[tilespmem:s15], [sflag:$0x1] =	stream.linear.gather @!p0 [hbm4b:s16+s15], $0x4000, $0x38;
	[tilespmem:$0xCA00] =	vst v63  }
0x52: {  	s23 =	rddreg [dreg:$0x13];
	s16 =	simm.s32 @!p0 $0x8000  }
0x53: {  	[tilespmem:s16], [sflag:$0x1] =	stream.linear.gather @!p0 [hbm4b:s17+s15], $0x80, $0x38;
	[tilespmem:$0xCA00] =	vst v63  }
0x54: {  	s16 =	simm.s32 @!p0 $0x8100;
	s17 =	rddreg [dreg:$0xa]  }
0x55: {  	[tilespmem:s16], [sflag:$0x1] =	stream.linear.gather @!p0 [hbm4b:s17+s15], $0x80, $0x38;
	[tilespmem:$0xCA00] =	vst v63  }
0x56: {  	s15 =	simm.s32 @!p1 $0x0;
	s16 =	simm.s32 @!p1 $0x4000;
	s17 =	rddreg [dreg:$0xb]  }
0x57: {  	[tilespmem:s16], [sflag:$0x2] =	stream.linear.gather @!p1 [hbm4b:s17+s15], $0x4000, $0x38;
	[tilespmem:$0xCA00] =	vst v63  }
0x58: {  	s16 =	simm.s32 @!p1 $0x8080;
	s17 =	rddreg [dreg:$0xc]  }
0x59: {  	[tilespmem:s16], [sflag:$0x2] =	stream.linear.gather @!p1 [hbm4b:s17+s15], $0x80, $0x38;
	[tilespmem:$0xCA00] =	vst v63  }
.Ltmp2:
0x5a: {  	s22 =	rddreg [dreg:$0x12];
	(pc) =	sbr.rel @!p2 .LBB2_2-.Ltmp2, $4  }
.Ltmp3:
0x5b: {  	s16 =	simm.s32 @!p1 $0x8180;
	s17 =	rddreg [dreg:$0xe];
	(pc) =	sbr.rel @p2 .LBB2_7-.Ltmp3, $4  }
0x5c: {  	[tilespmem:s16], [sflag:$0x2] =	stream.linear.gather @!p1 [hbm4b:s17+s15], $0x80, $0x38;
	[tilespmem:$0xCA00] =	vst v63  }
0x5d: {  	s15 =	rddreg [dreg:$0x6]  }
0x5e: {  	s25 =	smov.u32 s14;
	s20 =	simm.s32 $0x0;
	s16 =	rddreg [dreg:$0x1]  }
0x5f: {  	_ = 	snop  }
.LBB2_6:
0x60: {  	s20 =	sadd.s32 $0x1, s20  }
0x61: {  	p3 =	slt.s32 s20, s11  }
.Ltmp4:
0x62: {  	_ = 	snop;
	(pc) =	sbr.rel @!p3 .LBB2_7-.Ltmp4, $3  }
0x63: {  	_ =	sdelay $0x1  }
0x64: {  	s22 =	sadd.s32 $0x100, s22;
	s23 =	sadd.s32 $0x1000, s23  }
0x65: {  	s16 =	sadd.s32 $0x20, s16;
	s15 =	sadd.s32 $0x20, s15;
	s25 =	sadd.s32 $0x2, s25  }
.LBB2_2:
0x66: {  	s21 =	sadd.s32 $0xFFFFFFFD, s25  }
0x67: {  	p3 =	sge.u32 s21, s8  }
.Ltmp5:
0x68: {  	_ = 	snop;
	(pc) =	sbr.rel @p3 .LBB2_4-.Ltmp5, $1  }
0x69: {  	_ =	sdelay $0x3  }
0x6a: {  	_ =	swait.ge [sflag:s18], $0x4000  }
0x6b: {  	[sflag:s18] =	ssyncset.done $0x0  }
0x6c: {  	[sflag:s18] =	ssyncadd.s32 $0xFFFFC000  }
0x6d: {  	_ =	swait.ge [sflag:s18], $0x80  }
0x6e: {  	[sflag:s18] =	ssyncset.done $0x0  }
0x6f: {  	[sflag:s18] =	ssyncadd.s32 $0xFFFFFF80  }
0x70: {  	_ =	swait.ge [sflag:s18], $0x80  }
0x71: {  	[sflag:s18] =	ssyncset.done $0x0  }
0x72: {  	[sflag:s18] =	ssyncadd.s32 $0xFFFFFF80  }
0x73: {  	[spmem:s2] =	stream.indirect.scatter.add.f32 [tilespmem:s4], [sflag:$0x3], $0x80, s0, s31, $0xb8;
	[tilespmem:$0xCA00] =	vst v63  }
0x74: {  	v1 =	vld [tilespmem:$0x8000]  }
0x75: {  	v2 =	vld [tilespmem:$0x8100];
	_ =	sdelay $0x4  }
0x76: {  	vm0 =	vne.s32 v1, v2  }
0x77: {  	vm1 =	vgt.s32 v2, $0xFFFFFFFF;
	v3 =	vshll.u32 v1, $0x7;
	v1 =	vshra.s32 v1, $0x3  }
0x78: {  	v4 =	vshll.u32 v2, $0x7;
	v2 =	vshra.s32 v2, $0x3;
	v3 =	vand.u32 $0x380, v3  }
0x79: {  	vm1 =	vmand vm0, vm1;
	v1 =	vadd.s32 v1, v3;
	v3 =	vand.u32 $0x380, v4  }
0x7a: {  	s21 =	sadd.s32 $0xFFFFFF10, s22;
	v2 =	vadd.s32 v2, v3  }
0x7b: {  	v3 =	vadd.s32 s21, v0  }
0x7c: {  	v3 =	vcvt.s32.f32 v3;
	_ =	sdelay $0x1  }
0x7d: {  	[tilespmem:v1+s30+$0x0] =	vst.idx.add.f32.msk vm0, v3  }
0x7e: {  	[tilespmem:v2+s29+$0x0] =	vst.idx.add.f32.msk vm1, v3  }
0x7f: {  	v1 =	vld [tilespmem:$0x8010]  }
0x80: {  	v2 =	vld [tilespmem:$0x8110];
	_ =	sdelay $0x4  }
0x81: {  	vm14 =	vne.s32 v1, v2  }
0x82: {  	vm15 =	vgt.s32 v2, $0xFFFFFFFF;
	v3 =	vshll.u32 v1, $0x7;
	v1 =	vshra.s32 v1, $0x3  }
0x83: {  	v57 =	vshll.u32 v2, $0x7;
	v2 =	vshra.s32 v2, $0x3;
	v3 =	vand.u32 $0x380, v3  }
0x84: {  	vm1 =	vmand vm14, vm15;
	v1 =	vadd.s32 v1, v3;
	v3 =	vand.u32 $0x380, v57  }
0x85: {  	s17 =	sadd.s32 $0xFFFFFF20, s22;
	v2 =	vadd.s32 v2, v3  }
0x86: {  	v3 =	vadd.s32 s17, v0  }
0x87: {  	v3 =	vcvt.s32.f32 v3;
	_ =	sdelay $0x1  }
0x88: {  	[tilespmem:v1+s30+$0x0] =	vst.idx.add.f32.msk vm14, v3  }
0x89: {  	[tilespmem:v2+s29+$0x0] =	vst.idx.add.f32.msk vm1, v3  }
0x8a: {  	v1 =	vld [tilespmem:$0x8020]  }
0x8b: {  	v2 =	vld [tilespmem:$0x8120];
	_ =	sdelay $0x4  }
0x8c: {  	vm4 =	vne.s32 v1, v2  }
0x8d: {  	vm5 =	vgt.s32 v2, $0xFFFFFFFF;
	v3 =	vshll.u32 v1, $0x7;
	v1 =	vshra.s32 v1, $0x3  }
0x8e: {  	v58 =	vshll.u32 v2, $0x7;
	v2 =	vshra.s32 v2, $0x3;
	v3 =	vand.u32 $0x380, v3  }
0x8f: {  	vm1 =	vmand vm4, vm5;
	v1 =	vadd.s32 v1, v3;
	v3 =	vand.u32 $0x380, v58  }
0x90: {  	s19 =	sadd.s32 $0xFFFFFF30, s22;
	v2 =	vadd.s32 v2, v3  }
0x91: {  	v3 =	vadd.s32 s19, v0  }
0x92: {  	v3 =	vcvt.s32.f32 v3;
	_ =	sdelay $0x1  }
0x93: {  	[tilespmem:v1+s30+$0x0] =	vst.idx.add.f32.msk vm4, v3  }
0x94: {  	[tilespmem:v2+s29+$0x0] =	vst.idx.add.f32.msk vm1, v3  }
0x95: {  	v1 =	vld [tilespmem:$0x8030]  }
0x96: {  	v2 =	vld [tilespmem:$0x8130];
	_ =	sdelay $0x4  }
0x97: {  	vm6 =	vne.s32 v1, v2  }
0x98: {  	vm7 =	vgt.s32 v2, $0xFFFFFFFF;
	v3 =	vshll.u32 v1, $0x7;
	v1 =	vshra.s32 v1, $0x3  }
0x99: {  	v59 =	vshll.u32 v2, $0x7;
	v2 =	vshra.s32 v2, $0x3;
	v3 =	vand.u32 $0x380, v3  }
0x9a: {  	vm1 =	vmand vm6, vm7;
	v1 =	vadd.s32 v1, v3;
	v3 =	vand.u32 $0x380, v59  }
0x9b: {  	s17 =	sadd.s32 $0xFFFFFF40, s22;
	v2 =	vadd.s32 v2, v3  }
0x9c: {  	v3 =	vadd.s32 s17, v0  }
0x9d: {  	v3 =	vcvt.s32.f32 v3;
	_ =	sdelay $0x1  }
0x9e: {  	[tilespmem:v1+s30+$0x0] =	vst.idx.add.f32.msk vm6, v3  }
0x9f: {  	[tilespmem:v2+s29+$0x0] =	vst.idx.add.f32.msk vm1, v3  }
0xa0: {  	v1 =	vld [tilespmem:$0x8040]  }
0xa1: {  	v2 =	vld [tilespmem:$0x8140];
	_ =	sdelay $0x4  }
0xa2: {  	vm8 =	vne.s32 v1, v2  }
0xa3: {  	vm9 =	vgt.s32 v2, $0xFFFFFFFF;
	v3 =	vshll.u32 v1, $0x7;
	v1 =	vshra.s32 v1, $0x3  }
0xa4: {  	v60 =	vshll.u32 v2, $0x7;
	v2 =	vshra.s32 v2, $0x3;
	v3 =	vand.u32 $0x380, v3  }
0xa5: {  	vm1 =	vmand vm8, vm9;
	v1 =	vadd.s32 v1, v3;
	v3 =	vand.u32 $0x380, v60  }
0xa6: {  	s19 =	sadd.s32 $0xFFFFFF50, s22;
	v2 =	vadd.s32 v2, v3  }
0xa7: {  	v3 =	vadd.s32 s19, v0  }
0xa8: {  	v3 =	vcvt.s32.f32 v3;
	_ =	sdelay $0x1  }
0xa9: {  	[tilespmem:v1+s30+$0x0] =	vst.idx.add.f32.msk vm8, v3  }
0xaa: {  	[tilespmem:v2+s29+$0x0] =	vst.idx.add.f32.msk vm1, v3  }
0xab: {  	v1 =	vld [tilespmem:$0x8050]  }
0xac: {  	v2 =	vld [tilespmem:$0x8150];
	_ =	sdelay $0x4  }
0xad: {  	vm10 =	vne.s32 v1, v2  }
0xae: {  	vm11 =	vgt.s32 v2, $0xFFFFFFFF;
	v3 =	vshll.u32 v1, $0x7;
	v1 =	vshra.s32 v1, $0x3  }
0xaf: {  	v61 =	vshll.u32 v2, $0x7;
	v2 =	vshra.s32 v2, $0x3;
	v3 =	vand.u32 $0x380, v3  }
0xb0: {  	vm1 =	vmand vm10, vm11;
	v1 =	vadd.s32 v1, v3;
	v3 =	vand.u32 $0x380, v61  }
0xb1: {  	s17 =	sadd.s32 $0xFFFFFF60, s22;
	v2 =	vadd.s32 v2, v3  }
0xb2: {  	v3 =	vadd.s32 s17, v0  }
0xb3: {  	v3 =	vcvt.s32.f32 v3;
	_ =	sdelay $0x1  }
0xb4: {  	[tilespmem:v1+s30+$0x0] =	vst.idx.add.f32.msk vm10, v3  }
0xb5: {  	[tilespmem:v2+s29+$0x0] =	vst.idx.add.f32.msk vm1, v3  }
0xb6: {  	v1 =	vld [tilespmem:$0x8060]  }
0xb7: {  	v2 =	vld [tilespmem:$0x8160];
	_ =	sdelay $0x4  }
0xb8: {  	vm12 =	vne.s32 v1, v2  }
0xb9: {  	vm13 =	vgt.s32 v2, $0xFFFFFFFF;
	v3 =	vshll.u32 v1, $0x7;
	v1 =	vshra.s32 v1, $0x3  }
0xba: {  	v62 =	vshll.u32 v2, $0x7;
	v2 =	vshra.s32 v2, $0x3;
	v3 =	vand.u32 $0x380, v3  }
0xbb: {  	vm1 =	vmand vm12, vm13;
	v1 =	vadd.s32 v1, v3;
	v3 =	vand.u32 $0x380, v62  }
0xbc: {  	s19 =	sadd.s32 $0xFFFFFF70, s22;
	v2 =	vadd.s32 v2, v3  }
0xbd: {  	v3 =	vadd.s32 s19, v0  }
0xbe: {  	v3 =	vcvt.s32.f32 v3;
	_ =	sdelay $0x1  }
0xbf: {  	[tilespmem:v1+s30+$0x0] =	vst.idx.add.f32.msk vm12, v3  }
0xc0: {  	[tilespmem:v2+s29+$0x0] =	vst.idx.add.f32.msk vm1, v3  }
0xc1: {  	v1 =	vld [tilespmem:$0x8070]  }
0xc2: {  	v2 =	vld [tilespmem:$0x8170];
	_ =	sdelay $0x4  }
0xc3: {  	vm14 =	vne.s32 v1, v2  }
0xc4: {  	vm15 =	vgt.s32 v2, $0xFFFFFFFF;
	v3 =	vshll.u32 v1, $0x7;
	v1 =	vshra.s32 v1, $0x3  }
0xc5: {  	v63 =	vshll.u32 v2, $0x7;
	v2 =	vshra.s32 v2, $0x3;
	v3 =	vand.u32 $0x380, v3  }
0xc6: {  	vm1 =	vmand vm14, vm15;
	v1 =	vadd.s32 v1, v3;
	v3 =	vand.u32 $0x380, v63  }
0xc7: {  	s17 =	sadd.s32 $0xFFFFFF80, s22;
	v2 =	vadd.s32 v2, v3  }
0xc8: {  	v3 =	vadd.s32 s17, v0  }
0xc9: {  	v3 =	vcvt.s32.f32 v3;
	_ =	sdelay $0x1  }
0xca: {  	[tilespmem:v1+s30+$0x0] =	vst.idx.add.f32.msk vm14, v3  }
0xcb: {  	[tilespmem:v2+s29+$0x0] =	vst.idx.add.f32.msk vm1, v3  }
0xcc: {  	s19 =	sadd.s32 $0xFFFFFFFF, s25;
	_ =	swait.ge [sflag:s3], $0x4000  }
0xcd: {  	p3 =	sge.u32 s19, s8;
	[sflag:s3] =	ssyncset.done $0x0  }
0xce: {  	s21 =	simm.s32 @!p3 $0x0;
	s19 =	sadd.s32 @!p3 s16, s24;
	[sflag:s3] =	ssyncadd.s32 $0xFFFFC000  }
0xcf: {  	[tilespmem:s21], [sflag:$0x1] =	stream.linear.gather @!p3 [hbm4b:s23+s21], $0x4000, $0x38;
	[tilespmem:$0xCA00] =	vst v63  }
0xd0: {  	s19 =	sadd.s32 @!p3 $0x20, s19;
	s17 =	simm.s32 @!p3 $0x8000  }
0xd1: {  	[tilespmem:s17], [sflag:$0x1] =	stream.linear.gather @!p3 [hbm4b:s19+s21], $0x80, $0x38;
	[tilespmem:$0xCA00] =	vst v63  }
0xd2: {  	s17 =	sadd.s32 @!p3 s15, s24  }
0xd3: {  	s19 =	simm.s32 @!p3 $0x8100;
	s17 =	sadd.s32 @!p3 $0x20, s17  }
0xd4: {  	[tilespmem:s19], [sflag:$0x1] =	stream.linear.gather @!p3 [hbm4b:s17+s21], $0x80, $0x38;
	[tilespmem:$0xCA00] =	vst v63  }
.LBB2_4:
0xd5: {  	s17 =	sadd.s32 $0xFFFFFFFE, s25  }
0xd6: {  	p3 =	sge.u32 s17, s8  }
.Ltmp6:
0xd7: {  	_ = 	snop;
	(pc) =	sbr.rel @p3 .LBB2_6-.Ltmp6, $1  }
0xd8: {  	_ =	sdelay $0x3  }
0xd9: {  	_ =	swait.ge [sflag:s1], $0x4000  }
0xda: {  	[sflag:s1] =	ssyncset.done $0x0  }
0xdb: {  	[sflag:s1] =	ssyncadd.s32 $0xFFFFC000  }
0xdc: {  	_ =	swait.ge [sflag:s1], $0x80  }
0xdd: {  	[sflag:s1] =	ssyncset.done $0x0  }
0xde: {  	[sflag:s1] =	ssyncadd.s32 $0xFFFFFF80  }
0xdf: {  	_ =	swait.ge [sflag:s1], $0x80  }
0xe0: {  	[sflag:s1] =	ssyncset.done $0x0  }
0xe1: {  	[sflag:s1] =	ssyncadd.s32 $0xFFFFFF80  }
0xe2: {  	[spmem:s2] =	stream.indirect.scatter.add.f32 [tilespmem:s10], [sflag:$0x4], $0x80, s6, s31, $0xb8;
	[tilespmem:$0xCA00] =	vst v63  }
0xe3: {  	v1 =	vld [tilespmem:$0x8080]  }
0xe4: {  	v2 =	vld [tilespmem:$0x8180];
	_ =	sdelay $0x4  }
0xe5: {  	vm0 =	vne.s32 v1, v2  }
0xe6: {  	vm1 =	vgt.s32 v2, $0xFFFFFFFF;
	v3 =	vshll.u32 v1, $0x7;
	v1 =	vshra.s32 v1, $0x3  }
0xe7: {  	v4 =	vshll.u32 v2, $0x7;
	v2 =	vshra.s32 v2, $0x3;
	v3 =	vand.u32 $0x380, v3  }
0xe8: {  	vm1 =	vmand vm0, vm1;
	v1 =	vadd.s32 v1, v3;
	v3 =	vand.u32 $0x380, v4  }
0xe9: {  	s17 =	sadd.s32 $0xFFFFFF90, s22;
	v2 =	vadd.s32 v2, v3  }
0xea: {  	v3 =	vadd.s32 s17, v0  }
0xeb: {  	v3 =	vcvt.s32.f32 v3;
	_ =	sdelay $0x1  }
0xec: {  	[tilespmem:v1+s30+$0x0] =	vst.idx.add.f32.msk vm0, v3  }
0xed: {  	[tilespmem:v2+s29+$0x0] =	vst.idx.add.f32.msk vm1, v3  }
0xee: {  	v1 =	vld [tilespmem:$0x8090]  }
0xef: {  	v2 =	vld [tilespmem:$0x8190];
	_ =	sdelay $0x4  }
0xf0: {  	vm14 =	vne.s32 v1, v2  }
0xf1: {  	vm15 =	vgt.s32 v2, $0xFFFFFFFF;
	v3 =	vshll.u32 v1, $0x7;
	v1 =	vshra.s32 v1, $0x3  }
0xf2: {  	v57 =	vshll.u32 v2, $0x7;
	v2 =	vshra.s32 v2, $0x3;
	v3 =	vand.u32 $0x380, v3  }
0xf3: {  	vm1 =	vmand vm14, vm15;
	v1 =	vadd.s32 v1, v3;
	v3 =	vand.u32 $0x380, v57  }
0xf4: {  	s19 =	sadd.s32 $0xFFFFFFA0, s22;
	v2 =	vadd.s32 v2, v3  }
0xf5: {  	v3 =	vadd.s32 s19, v0  }
0xf6: {  	v3 =	vcvt.s32.f32 v3;
	_ =	sdelay $0x1  }
0xf7: {  	[tilespmem:v1+s30+$0x0] =	vst.idx.add.f32.msk vm14, v3  }
0xf8: {  	[tilespmem:v2+s29+$0x0] =	vst.idx.add.f32.msk vm1, v3  }
0xf9: {  	v1 =	vld [tilespmem:$0x80A0]  }
0xfa: {  	v2 =	vld [tilespmem:$0x81A0];
	_ =	sdelay $0x4  }
0xfb: {  	vm4 =	vne.s32 v1, v2  }
0xfc: {  	vm5 =	vgt.s32 v2, $0xFFFFFFFF;
	v3 =	vshll.u32 v1, $0x7;
	v1 =	vshra.s32 v1, $0x3  }
0xfd: {  	v58 =	vshll.u32 v2, $0x7;
	v2 =	vshra.s32 v2, $0x3;
	v3 =	vand.u32 $0x380, v3  }
0xfe: {  	vm1 =	vmand vm4, vm5;
	v1 =	vadd.s32 v1, v3;
	v3 =	vand.u32 $0x380, v58  }
0xff: {  	s21 =	sadd.s32 $0xFFFFFFB0, s22;
	v2 =	vadd.s32 v2, v3  }
0x100: {  	v3 =	vadd.s32 s21, v0  }
0x101: {  	v3 =	vcvt.s32.f32 v3;
	_ =	sdelay $0x1  }
0x102: {  	[tilespmem:v1+s30+$0x0] =	vst.idx.add.f32.msk vm4, v3  }
0x103: {  	[tilespmem:v2+s29+$0x0] =	vst.idx.add.f32.msk vm1, v3  }
0x104: {  	v1 =	vld [tilespmem:$0x80B0]  }
0x105: {  	v2 =	vld [tilespmem:$0x81B0];
	_ =	sdelay $0x4  }
0x106: {  	vm6 =	vne.s32 v1, v2  }
0x107: {  	vm7 =	vgt.s32 v2, $0xFFFFFFFF;
	v3 =	vshll.u32 v1, $0x7;
	v1 =	vshra.s32 v1, $0x3  }
0x108: {  	v59 =	vshll.u32 v2, $0x7;
	v2 =	vshra.s32 v2, $0x3;
	v3 =	vand.u32 $0x380, v3  }
0x109: {  	vm1 =	vmand vm6, vm7;
	v1 =	vadd.s32 v1, v3;
	v3 =	vand.u32 $0x380, v59  }
0x10a: {  	s19 =	sadd.s32 $0xFFFFFFC0, s22;
	v2 =	vadd.s32 v2, v3  }
0x10b: {  	v3 =	vadd.s32 s19, v0  }
0x10c: {  	v3 =	vcvt.s32.f32 v3;
	_ =	sdelay $0x1  }
0x10d: {  	[tilespmem:v1+s30+$0x0] =	vst.idx.add.f32.msk vm6, v3  }
0x10e: {  	[tilespmem:v2+s29+$0x0] =	vst.idx.add.f32.msk vm1, v3  }
0x10f: {  	v1 =	vld [tilespmem:$0x80C0]  }
0x110: {  	v2 =	vld [tilespmem:$0x81C0];
	_ =	sdelay $0x4  }
0x111: {  	vm8 =	vne.s32 v1, v2  }
0x112: {  	vm9 =	vgt.s32 v2, $0xFFFFFFFF;
	v3 =	vshll.u32 v1, $0x7;
	v1 =	vshra.s32 v1, $0x3  }
0x113: {  	v60 =	vshll.u32 v2, $0x7;
	v2 =	vshra.s32 v2, $0x3;
	v3 =	vand.u32 $0x380, v3  }
0x114: {  	vm1 =	vmand vm8, vm9;
	v1 =	vadd.s32 v1, v3;
	v3 =	vand.u32 $0x380, v60  }
0x115: {  	s21 =	sadd.s32 $0xFFFFFFD0, s22;
	v2 =	vadd.s32 v2, v3  }
0x116: {  	v3 =	vadd.s32 s21, v0  }
0x117: {  	v3 =	vcvt.s32.f32 v3;
	_ =	sdelay $0x1  }
0x118: {  	[tilespmem:v1+s30+$0x0] =	vst.idx.add.f32.msk vm8, v3  }
0x119: {  	[tilespmem:v2+s29+$0x0] =	vst.idx.add.f32.msk vm1, v3  }
0x11a: {  	v1 =	vld [tilespmem:$0x80D0]  }
0x11b: {  	v2 =	vld [tilespmem:$0x81D0];
	_ =	sdelay $0x4  }
0x11c: {  	vm10 =	vne.s32 v1, v2  }
0x11d: {  	vm11 =	vgt.s32 v2, $0xFFFFFFFF;
	v3 =	vshll.u32 v1, $0x7;
	v1 =	vshra.s32 v1, $0x3  }
0x11e: {  	v61 =	vshll.u32 v2, $0x7;
	v2 =	vshra.s32 v2, $0x3;
	v3 =	vand.u32 $0x380, v3  }
0x11f: {  	vm1 =	vmand vm10, vm11;
	v1 =	vadd.s32 v1, v3;
	v3 =	vand.u32 $0x380, v61  }
0x120: {  	s19 =	sadd.s32 $0xFFFFFFE0, s22;
	v2 =	vadd.s32 v2, v3  }
0x121: {  	v3 =	vadd.s32 s19, v0  }
0x122: {  	v3 =	vcvt.s32.f32 v3;
	_ =	sdelay $0x1  }
0x123: {  	[tilespmem:v1+s30+$0x0] =	vst.idx.add.f32.msk vm10, v3  }
0x124: {  	[tilespmem:v2+s29+$0x0] =	vst.idx.add.f32.msk vm1, v3  }
0x125: {  	v1 =	vld [tilespmem:$0x80E0]  }
0x126: {  	v2 =	vld [tilespmem:$0x81E0];
	_ =	sdelay $0x4  }
0x127: {  	vm12 =	vne.s32 v1, v2  }
0x128: {  	vm13 =	vgt.s32 v2, $0xFFFFFFFF;
	v3 =	vshll.u32 v1, $0x7;
	v1 =	vshra.s32 v1, $0x3  }
0x129: {  	v62 =	vshll.u32 v2, $0x7;
	v2 =	vshra.s32 v2, $0x3;
	v3 =	vand.u32 $0x380, v3  }
0x12a: {  	vm1 =	vmand vm12, vm13;
	v1 =	vadd.s32 v1, v3;
	v3 =	vand.u32 $0x380, v62  }
0x12b: {  	s21 =	sadd.s32 $0xFFFFFFF0, s22;
	v2 =	vadd.s32 v2, v3  }
0x12c: {  	v3 =	vadd.s32 s21, v0  }
0x12d: {  	v3 =	vcvt.s32.f32 v3;
	_ =	sdelay $0x1  }
0x12e: {  	[tilespmem:v1+s30+$0x0] =	vst.idx.add.f32.msk vm12, v3  }
0x12f: {  	[tilespmem:v2+s29+$0x0] =	vst.idx.add.f32.msk vm1, v3  }
0x130: {  	v1 =	vld [tilespmem:$0x80F0]  }
0x131: {  	v2 =	vld [tilespmem:$0x81F0];
	_ =	sdelay $0x4  }
0x132: {  	vm14 =	vne.s32 v1, v2  }
0x133: {  	vm15 =	vgt.s32 v2, $0xFFFFFFFF;
	v3 =	vshll.u32 v1, $0x7;
	v1 =	vshra.s32 v1, $0x3  }
0x134: {  	v63 =	vshll.u32 v2, $0x7;
	v2 =	vshra.s32 v2, $0x3;
	v3 =	vand.u32 $0x380, v3  }
0x135: {  	vm1 =	vmand vm14, vm15;
	v1 =	vadd.s32 v1, v3;
	v3 =	vand.u32 $0x380, v63  }
0x136: {  	v2 =	vadd.s32 v2, v3  }
0x137: {  	v3 =	vadd.s32 s22, v0  }
0x138: {  	v3 =	vcvt.s32.f32 v3;
	_ =	sdelay $0x1  }
0x139: {  	[tilespmem:v1+s30+$0x0] =	vst.idx.add.f32.msk vm14, v3  }
0x13a: {  	[tilespmem:v2+s29+$0x0] =	vst.idx.add.f32.msk vm1, v3  }
0x13b: {  	p3 =	sge.u32 s25, s8;
	_ =	swait.ge [sflag:s5], $0x4000  }
0x13c: {  	s17 =	sadd.s32 @!p3 $0x800, s23;
	[sflag:s5] =	ssyncset.done $0x0  }
0x13d: {  	s19 =	simm.s32 @!p3 $0x0;
	s21 =	simm.s32 @!p3 $0x4000;
	[sflag:s5] =	ssyncadd.s32 $0xFFFFC000  }
0x13e: {  	[tilespmem:s21], [sflag:$0x2] =	stream.linear.gather @!p3 [hbm4b:s17+s19], $0x4000, $0x38;
	[tilespmem:$0xCA00] =	vst v63  }
0x13f: {  	s17 =	sadd.s32 @!p3 s16, s24  }
.Ltmp7:
0x140: {  	s21 =	simm.s32 @!p3 $0x8080;
	s17 =	sadd.s32 @!p3 $0x30, s17;
	(pc) =	sbr.rel .LBB2_6-.Ltmp7, $4  }
0x141: {  	[tilespmem:s21], [sflag:$0x2] =	stream.linear.gather @!p3 [hbm4b:s17+s19], $0x80, $0x38;
	[tilespmem:$0xCA00] =	vst v63  }
0x142: {  	s17 =	sadd.s32 @!p3 s15, s24  }
0x143: {  	s21 =	simm.s32 @!p3 $0x8180;
	s17 =	sadd.s32 @!p3 $0x30, s17  }
0x144: {  	[tilespmem:s21], [sflag:$0x2] =	stream.linear.gather @!p3 [hbm4b:s17+s19], $0x80, $0x38;
	[tilespmem:$0xCA00] =	vst v63  }
.LBB2_8:
0x145: {  	_ =	sfence.sel $0x180000  }
0x146: {  	[bflag:$0x0] =	sbarrier.arrive $0xFFFF  }
0x147: {  	_ =	strace $0x90000047  }
0x148: {  	s0 =	stileid.u32;
	[bflag:$0x2] =	sbarrier.arrive $0xFFFF  }
0x149: {  	p0 =	sne.s32 s0, $0x0;
	s0 =	rddreg [dreg:$0x5]  }
0x14a: {  	s0 =	sadd.s32 @!p0 $0x100000, s0  }
0x14b: {  	[sflag:s0] =	ssyncadd.tile.s32 @!p0 $0x1;
	_ =	shalt  }
.Lfunc_end2:
_tile_overlayer_lowered:
.L_overlay_start_2:
0x14c: {  	(tag) =	ssettag $0x2  }
0x14d: {  	s0 =	rddreg [dreg:$0x0];
	s2 =	stileid.u32  }
0x14e: {  	s1 =	rddreg [dreg:$0x1];
	p0 =	sne.s32 s2, $0x0  }
0x14f: {  	s3 =	rddreg [dreg:$0x2];
	[bflag:$0x3] =	sbarrier.arrive $0xFFFF;
	s2 =	simm.s32 @!p0 $0x1C05  }
0x150: {  	[timem:s3], [sflag:s2] =	dma.local @!p0 [hbm:s0], s1  }
0x151: {  	s0 =	simm.s32 @!p0 $0x5  }
0x152: {  	_ =	swait.ge @!p0 [sflag:s0], s1  }
0x153: {  	s1 =	ssub.s32 @!p0 $0x0, s1;
	[sflag:s0] =	ssyncset.done @!p0 $0x0  }
0x154: {  	[sflag:s0] =	ssyncadd.s32 @!p0 s1  }
0x155: {  	[bflag:$0x3] =	sbarrier.arrive $0xFFFF  }
0x156: {  	_ =	shalt  }

</sc_bundles>
